<compile_context>
chip_gen: v7x
topology: tpu7x:2x2x1
jax: 0.10.2.dev20260603
libtpu: 0.0.44.dev20260713+nightly
codegen_flags: <defaults>
</compile_context>

<pallas_src>
import functools

import jax
import jax.numpy as jnp
from jax import lax
from jax.experimental import pallas as pl
from jax.experimental.pallas import tpu as pltpu
from jax.experimental.pallas import tpu_sc as plsc

KNN = 20
EPS = 1e-5
B = 8
N = 2048
BN = B * N
F = 64
EMB = 1024

NC, NS = 2, 16
NW = NC * NS
PTS_PER_W = BN // NW
CHUNK = 64
NCHUNK = PTS_PER_W // CHUNK

R_KNN = 512
R_FIN = 256

NEG_BIG = -3.0e38


def _lrelu(y):
    return jnp.where(y >= 0, y, 0.2 * y)



def _knn_body(xf_ref, xr_ref, idx_ref):
    b = pl.program_id(0)
    xf = xf_ref[0]
    xr = xr_ref[0]
    xxc = jnp.sum(xf * xf, axis=1, keepdims=True).reshape(1, xf.shape[0])
    xxr = jnp.sum(xr * xr, axis=1, keepdims=True)
    g = lax.dot_general(xr, xf, (((1,), (1,)), ((), ())),
                        preferred_element_type=jnp.float32)
    d = 2.0 * g - xxr - xxc
    iota = lax.broadcasted_iota(jnp.int32, d.shape, 1)
    cols = []
    for _ in range(KNN):
        m = jnp.max(d, axis=1, keepdims=True)
        sel = jnp.where(d >= m, iota, N)
        idx_t = jnp.min(sel, axis=1, keepdims=True)
        cols.append(idx_t)
        d = jnp.where(iota == idx_t, NEG_BIG, d)
    idx_ref[0] = jnp.concatenate(cols, axis=1) + b * N


def _knn(xt, c):
    return pl.pallas_call(
        _knn_body,
        grid=(B, N // R_KNN),
        in_specs=[
            pl.BlockSpec((1, N, c), lambda b, t: (b, 0, 0)),
            pl.BlockSpec((1, R_KNN, c), lambda b, t: (b, t, 0)),
        ],
        out_specs=pl.BlockSpec((1, R_KNN, KNN), lambda b, t: (b, t, 0)),
        out_shape=jax.ShapeDtypeStruct((B, N, KNN), jnp.int32),
    )(xt, xt)



def _sc1_body(tab_hbm, idx_hbm, g_hbm, idx_v, rows_v, sem):
    wid = lax.axis_index("s") * NC + lax.axis_index("c")

    def chunk_body(ch, carry):
        p0 = wid * PTS_PER_W + ch * CHUNK
        pltpu.sync_copy(idx_hbm.at[pl.ds(p0 * KNN, CHUNK * KNN)], idx_v)
        pltpu.async_copy(tab_hbm.at[idx_v], rows_v, sem).wait()
        pltpu.sync_copy(rows_v, g_hbm.at[pl.ds(p0 * KNN, CHUNK * KNN)])
        return carry

    lax.fori_loop(0, NCHUNK, chunk_body, 0)


@functools.lru_cache(maxsize=None)
def _sc_gather_rows_fn():
    return pl.kernel(
        _sc1_body,
        out_type=jax.ShapeDtypeStruct((BN * KNN, 16), jnp.float32),
        mesh=plsc.VectorSubcoreMesh(core_axis_name="c", subcore_axis_name="s",
                                    num_cores=NC, num_subcores=NS),
        scratch_types=[
            pltpu.VMEM((CHUNK * KNN,), jnp.int32),
            pltpu.VMEM((CHUNK * KNN, 16), jnp.float32),
            pltpu.SemaphoreType.DMA,
        ],
        compiler_params=pltpu.CompilerParams(use_tc_tiling_on_sc=False),
    )


def _sc_gather_rows(tab, idx):
    return _sc_gather_rows_fn()(tab, idx)



def _conv1_body(g_ref, xt_ref, w_ref, m_ref, ysum_ref, ysq_ref):
    ti = pl.program_id(1)
    first = jnp.logical_and(pl.program_id(0) == 0, ti == 0)
    r = R_KNN
    xj = g_ref[0]
    xi = xt_ref[0]
    xib = jnp.broadcast_to(xi[:, None, :], (r, KNN, 16)).reshape(r * KNN, 16)
    f = jnp.concatenate(
        [xj[:, 0:3] - xib[:, 0:3], xib[:, 0:3],
         jnp.zeros((r * KNN, 2), jnp.float32)], axis=1)
    y = jnp.dot(f.astype(jnp.bfloat16), w_ref[...],
                preferred_element_type=jnp.float32)
    m_ref[0] = jnp.max(y.reshape(r, KNN, F), axis=1)
    ts = jnp.sum(y, axis=0, keepdims=True)
    tq = jnp.sum(y * y, axis=0, keepdims=True)

    @pl.when(first)
    def _():
        ysum_ref[...] = ts
        ysq_ref[...] = tq

    @pl.when(jnp.logical_not(first))
    def _():
        ysum_ref[...] = ysum_ref[...] + ts
        ysq_ref[...] = ysq_ref[...] + tq


def _conv1(g1, xtp, w1t8):
    return pl.pallas_call(
        _conv1_body,
        grid=(B, N // R_KNN),
        in_specs=[
            pl.BlockSpec((1, R_KNN * KNN, 16), lambda b, t: (b, t, 0)),
            pl.BlockSpec((1, R_KNN, 16), lambda b, t: (b, t, 0)),
            pl.BlockSpec((8, F), lambda b, t: (0, 0)),
        ],
        out_specs=(
            pl.BlockSpec((1, R_KNN, F), lambda b, t: (b, t, 0)),
            pl.BlockSpec((1, F), lambda b, t: (0, 0)),
            pl.BlockSpec((1, F), lambda b, t: (0, 0)),
        ),
        out_shape=(jax.ShapeDtypeStruct((B, N, F), jnp.float32),
                   jax.ShapeDtypeStruct((1, F), jnp.float32),
                   jax.ShapeDtypeStruct((1, F), jnp.float32)),
    )(g1, xtp, w1t8)



def _sc_body(tab_hbm, idx_hbm, m_hbm, s_hbm, q_hbm, idx_v, rows_v, ms_v, q_v,
             sem):
    wid = lax.axis_index("s") * NC + lax.axis_index("c")
    zero = jnp.zeros((16,), jnp.float32)

    def chunk_body(ch, qcarry):
        p0 = wid * PTS_PER_W + ch * CHUNK
        pltpu.sync_copy(idx_hbm.at[pl.ds(p0 * KNN, CHUNK * KNN)], idx_v)
        pltpu.async_copy(tab_hbm.at[idx_v], rows_v, sem).wait()

        def pt_body(p, qc):
            q0, q1, q2, q3 = qc
            row0 = p * KNN
            m = [jnp.full((16,), NEG_BIG, jnp.float32) for _ in range(4)]
            s = [zero for _ in range(4)]
            for r in range(KNN):
                for c in range(4):
                    v = rows_v[row0 + r, pl.ds(c * 16, 16)]
                    m[c] = jnp.maximum(m[c], v)
                    s[c] = s[c] + v
                    if c == 0:
                        q0 = q0 + v * v
                    elif c == 1:
                        q1 = q1 + v * v
                    elif c == 2:
                        q2 = q2 + v * v
                    else:
                        q3 = q3 + v * v
            for c in range(4):
                ms_v[p, pl.ds(c * 16, 16)] = m[c]
                ms_v[p + CHUNK, pl.ds(c * 16, 16)] = s[c]
            return (q0, q1, q2, q3)

        qcarry = lax.fori_loop(0, CHUNK, pt_body, qcarry)
        pltpu.sync_copy(ms_v.at[pl.ds(0, CHUNK)], m_hbm.at[pl.ds(p0, CHUNK)])
        pltpu.sync_copy(ms_v.at[pl.ds(CHUNK, CHUNK)],
                        s_hbm.at[pl.ds(p0, CHUNK)])
        return qcarry

    q = lax.fori_loop(0, NCHUNK, chunk_body, (zero, zero, zero, zero))
    for c in range(4):
        q_v[0, pl.ds(c * 16, 16)] = q[c]
    pltpu.sync_copy(q_v, q_hbm.at[pl.ds(wid, 1)])


@functools.lru_cache(maxsize=None)
def _sc_gather_fn():
    return pl.kernel(
        _sc_body,
        out_type=(
            jax.ShapeDtypeStruct((BN, F), jnp.float32),
            jax.ShapeDtypeStruct((BN, F), jnp.float32),
            jax.ShapeDtypeStruct((NW, F), jnp.float32),
        ),
        mesh=plsc.VectorSubcoreMesh(core_axis_name="c", subcore_axis_name="s",
                                    num_cores=NC, num_subcores=NS),
        scratch_types=[
            pltpu.VMEM((CHUNK * KNN,), jnp.int32),
            pltpu.VMEM((CHUNK * KNN, F), jnp.float32),
            pltpu.VMEM((2 * CHUNK, F), jnp.float32),
            pltpu.VMEM((1, F), jnp.float32),
            pltpu.SemaphoreType.DMA,
        ],
        compiler_params=pltpu.CompilerParams(use_tc_tiling_on_sc=False),
    )


def _sc_gather(tab, idx):
    return _sc_gather_fn()(tab, idx)



def _fin1_body(m_ref, ysum_ref, ysq_ref, g_ref, b_ref, wa_ref, wd_ref,
               x1_ref, a2_ref, c2_ref):
    mv = m_ref[...]
    cnt = jnp.float32(BN * KNN)
    mean = ysum_ref[...] / cnt
    var = ysq_ref[...] / cnt - mean * mean
    y = (mv - mean) / jnp.sqrt(var + EPS) * g_ref[...] + b_ref[...]
    x1 = _lrelu(y)
    x1_ref[...] = x1
    a2_ref[...] = jnp.dot(x1, wa_ref[...], preferred_element_type=jnp.float32)
    c2_ref[...] = jnp.dot(x1, wd_ref[...], preferred_element_type=jnp.float32)


def _fin1(m1, ysum, ysq, g1, b1, w2a, w2d):
    return pl.pallas_call(
        _fin1_body,
        out_shape=(jax.ShapeDtypeStruct((BN, F), jnp.float32),
                   jax.ShapeDtypeStruct((BN, F), jnp.float32),
                   jax.ShapeDtypeStruct((BN, F), jnp.float32)),
    )(m1, ysum, ysq, g1, b1, w2a, w2d)



def _stats2_body(s_ref, c_ref, q_ref, mean_ref, inv_ref):
    sv = s_ref[...]
    cv = c_ref[...]
    cnt = jnp.float32(BN * KNN)
    ssum = jnp.sum(sv, axis=0, keepdims=True)
    csum = jnp.sum(cv, axis=0, keepdims=True)
    cross = jnp.sum(cv * sv, axis=0, keepdims=True)
    c2s = jnp.sum(cv * cv, axis=0, keepdims=True)
    qsum = jnp.sum(q_ref[...], axis=0, keepdims=True)
    mean = (ssum + KNN * csum) / cnt
    ey2 = (qsum + 2.0 * cross + KNN * c2s) / cnt
    mean_ref[...] = mean
    inv_ref[...] = 1.0 / jnp.sqrt(ey2 - mean * mean + EPS)


def _stats2(s2, c2, q2):
    return pl.pallas_call(
        _stats2_body,
        out_shape=(jax.ShapeDtypeStruct((1, F), jnp.float32),
                   jax.ShapeDtypeStruct((1, F), jnp.float32)),
    )(s2, c2, q2)



def _fin2_body(x1_ref, m2_ref, c2_ref, mean_ref, inv_ref, g_ref, b_ref,
               wa_ref, wb_ref, ymax_ref, ysum_ref, ysq_ref):
    ti = pl.program_id(1)
    first = jnp.logical_and(pl.program_id(0) == 0, ti == 0)
    y2 = (m2_ref[0] + c2_ref[0] - mean_ref[...]) * inv_ref[...] * g_ref[...] \
        + b_ref[...]
    x2 = _lrelu(y2)
    y = jnp.dot(x1_ref[0], wa_ref[...], preferred_element_type=jnp.float32) \
        + jnp.dot(x2, wb_ref[...], preferred_element_type=jnp.float32)
    tmax = jnp.max(y, axis=0, keepdims=True)
    tsum = jnp.sum(y, axis=0, keepdims=True)
    tsq = jnp.sum(y * y, axis=0, keepdims=True)

    @pl.when(ti == 0)
    def _():
        ymax_ref[0] = tmax

    @pl.when(ti != 0)
    def _():
        ymax_ref[0] = jnp.maximum(ymax_ref[0], tmax)

    @pl.when(first)
    def _():
        ysum_ref[...] = tsum
        ysq_ref[...] = tsq

    @pl.when(jnp.logical_not(first))
    def _():
        ysum_ref[...] = ysum_ref[...] + tsum
        ysq_ref[...] = ysq_ref[...] + tsq


def _fin2(x1t3, m2t3, c2t3, mean2, inv2, g2, b2, w5a, w5b):
    return pl.pallas_call(
        _fin2_body,
        grid=(B, N // R_FIN),
        in_specs=[
            pl.BlockSpec((1, R_FIN, F), lambda b, t: (b, t, 0)),
            pl.BlockSpec((1, R_FIN, F), lambda b, t: (b, t, 0)),
            pl.BlockSpec((1, R_FIN, F), lambda b, t: (b, t, 0)),
            pl.BlockSpec((1, F), lambda b, t: (0, 0)),
            pl.BlockSpec((1, F), lambda b, t: (0, 0)),
            pl.BlockSpec((1, F), lambda b, t: (0, 0)),
            pl.BlockSpec((1, F), lambda b, t: (0, 0)),
            pl.BlockSpec((F, EMB), lambda b, t: (0, 0)),
            pl.BlockSpec((F, EMB), lambda b, t: (0, 0)),
        ],
        out_specs=(
            pl.BlockSpec((1, 1, EMB), lambda b, t: (b, 0, 0)),
            pl.BlockSpec((1, EMB), lambda b, t: (0, 0)),
            pl.BlockSpec((1, EMB), lambda b, t: (0, 0)),
        ),
        out_shape=(jax.ShapeDtypeStruct((B, 1, EMB), jnp.float32),
                   jax.ShapeDtypeStruct((1, EMB), jnp.float32),
                   jax.ShapeDtypeStruct((1, EMB), jnp.float32)),
    )(x1t3, m2t3, c2t3, mean2, inv2, g2, b2, w5a, w5b)



def _feat_body(ymax_ref, ysum_ref, ysq_ref, g_ref, b_ref, o_ref):
    cnt = jnp.float32(BN)
    mean = ysum_ref[...] / cnt
    var = ysq_ref[...] / cnt - mean * mean
    o_ref[...] = _lrelu((ymax_ref[...] - mean) / jnp.sqrt(var + EPS)
                        * g_ref[...] + b_ref[...])


def _feat(ymax, ysum, ysq, g5, b5):
    return pl.pallas_call(
        _feat_body,
        out_shape=jax.ShapeDtypeStruct((B, EMB), jnp.float32),
    )(ymax, ysum, ysq, g5, b5)



def kernel(x, W1, g1, b1, W2, g2, b2, W5, g5, b5):
    xt = jnp.transpose(x, (0, 2, 1))
    xtp = jnp.pad(xt, ((0, 0), (0, 0), (0, 13)))

    w1t8 = jnp.pad(W1.T, ((0, 2), (0, 0))).astype(jnp.bfloat16)
    w2a = W2[:, :F].T
    w2d = (W2[:, F:] - W2[:, :F]).T
    w5a = W5[:, :F].T
    w5b = W5[:, F:].T

    g1r, b1r = g1.reshape(1, F), b1.reshape(1, F)
    g2r, b2r = g2.reshape(1, F), b2.reshape(1, F)
    g5r, b5r = g5.reshape(1, EMB), b5.reshape(1, EMB)

    idx1 = _knn(xt, 3).reshape(BN * KNN)
    rows1 = _sc_gather_rows(xtp.reshape(BN, 16), idx1)
    m1, ysum1, ysq1 = _conv1(rows1.reshape(B, N * KNN, 16), xtp, w1t8)
    x1, a2, c2 = _fin1(m1.reshape(BN, F), ysum1, ysq1, g1r, b1r, w2a, w2d)

    x1t3 = x1.reshape(B, N, F)
    idx2 = _knn(x1t3, F).reshape(BN * KNN)
    m2, s2, q2 = _sc_gather(a2, idx2)
    mean2, inv2 = _stats2(s2, c2, q2)

    ymax, ysum, ysq = _fin2(x1t3, m2.reshape(B, N, F), c2.reshape(B, N, F),
                            mean2, inv2, g2r, b2r, w5a, w5b)
    return _feat(ymax.reshape(B, EMB), ysum, ysq, g5r, b5r)

# --- scband reference (transcript-rebuilt; emitter-appended) ---
"""Pipeline reference for scband-dgcnn-encoder-36352603193507 (READ-ONLY COPY).

The authoritative reference and input builder live on the scoring server;
editing this copy changes nothing except your own understanding.
"""

import jax, jax.numpy as jnp
import numpy as np

K = 20
EMB = 1024
EPS = 1e-5

def knn(x, k):
    # x: [B, C, N]
    inner = -2.0 * jnp.matmul(jnp.transpose(x, (0, 2, 1)), x)
    xx = jnp.sum(x ** 2, axis=1, keepdims=True)
    pairwise = -xx - inner - jnp.transpose(xx, (0, 2, 1))
    idx = jax.lax.top_k(pairwise, k)[1]  # [B, N, k]
    return idx

def get_graph_feature(x, k):
    B, C, N = x.shape
    idx = knn(x, k)  # [B, N, k]
    idx_base = jnp.arange(B, dtype=idx.dtype).reshape(-1, 1, 1) * N
    idx_flat = (idx + idx_base).reshape(-1)
    x_t = jnp.transpose(x, (0, 2, 1)).reshape(B * N, C)
    feature = jnp.take(x_t, idx_flat, axis=0).reshape(B, N, k, C)
    x_rep = jnp.broadcast_to(x_t.reshape(B, N, 1, C), (B, N, k, C))
    feature = jnp.concatenate([feature - x_rep, x_rep], axis=3)
    return jnp.transpose(feature, (0, 3, 1, 2))  # [B, 2C, N, k]

def bn(y, gamma, beta, axes):
    mean = jnp.mean(y, axis=axes, keepdims=True)
    var = jnp.var(y, axis=axes, keepdims=True)
    shape = [1] * y.ndim
    shape[1] = y.shape[1]
    g = gamma.reshape(shape)
    b = beta.reshape(shape)
    return (y - mean) / jnp.sqrt(var + EPS) * g + b

def lrelu(y):
    return jnp.where(y >= 0, y, 0.2 * y)

def setup_inputs(seed: int = 0) -> dict:
    key = jax.random.key(seed)
    ks = jax.random.split(key, 4)
    x = jax.random.normal(ks[0], (8, 3, 2048), dtype=jnp.float32)
    W1 = jax.random.normal(ks[1], (64, 6), dtype=jnp.float32) * (1.0 / np.sqrt(6))
    W2 = jax.random.normal(ks[2], (64, 128), dtype=jnp.float32) * (1.0 / np.sqrt(128))
    W5 = jax.random.normal(ks[3], (EMB, 128), dtype=jnp.float32) * (1.0 / np.sqrt(128))
    return {
        'x': x,
        'W1': W1, 'g1': jnp.ones((64,), jnp.float32), 'b1': jnp.zeros((64,), jnp.float32),
        'W2': W2, 'g2': jnp.ones((64,), jnp.float32), 'b2': jnp.zeros((64,), jnp.float32),
        'W5': W5, 'g5': jnp.ones((EMB,), jnp.float32), 'b5': jnp.zeros((EMB,), jnp.float32),
    }

def reference(x, W1, g1, b1, W2, g2, b2, W5, g5, b5):
    f = get_graph_feature(x, K)                       # [B, 6, N, k]
    y = jnp.einsum('oc,bcnk->bonk', W1, f)
    y = lrelu(bn(y, g1, b1, (0, 2, 3)))
    x1 = jnp.max(y, axis=-1)                          # [B, 64, N]
    f = get_graph_feature(x1, K)                      # [B, 128, N, k]
    y = jnp.einsum('oc,bcnk->bonk', W2, f)
    y = lrelu(bn(y, g2, b2, (0, 2, 3)))
    x2 = jnp.max(y, axis=-1)                          # [B, 64, N]
    xc = jnp.concatenate([x1, x2], axis=1)            # [B, 128, N]
    y = jnp.einsum('oc,bcn->bon', W5, xc)             # [B, EMB, N]
    y = lrelu(bn(y, g5, b5, (0, 2)))
    feat = jnp.max(y, axis=-1)                        # [B, EMB]
    return feat

if __name__ == "__main__":
    import jax
    _d = setup_inputs()
    print(jax.jit(kernel)(*tuple(_d.values())))

</pallas_src>

<mosaic_0001>
#map = affine_map<(d0, d1) -> (0, 0)>
#map1 = affine_map<(d0, d1) -> (0)>
module attributes {stable_mosaic.version = 14 : i64} {
  func.func @_sc1_body(%arg0: i32, %arg1: i32, %arg2: memref<16384x16xf32, #tpu.memory_space<hbm>>, %arg3: memref<327680xi32, #tpu.memory_space<hbm>>, %arg4: memref<327680x16xf32, #tpu.memory_space<hbm>>, %arg5: memref<1280xi32, #tpu.memory_space<vmem>>, %arg6: memref<1280x16xf32, #tpu.memory_space<vmem>>, %arg7: memref<!tpu.dma_semaphore, #tpu.memory_space<semaphore_mem>>) attributes {dimension_semantics = [#tpu.dimension_semantics<core_parallel>, #tpu.dimension_semantics<subcore_parallel>], iteration_bounds = array<i64: 2, 16>, scalar_prefetch = 0 : i64, scratch_operands = 3 : i64, tpu.core_type = #tpu.core_type<sc_vector_subcore>, window_params = [{transform_indices = #map}, {transform_indices = #map1}, {transform_indices = #map}]} {
    %mul3A = arith.constant 2 : i32
    %mul3A_0 = arith.muli %arg1, %mul3A : i32
    %add3A = arith.addi %mul3A_0, %arg0 : i32
    %scan3A = arith.constant 0 : i32
    %scan3A_1 = arith.constant 0 : i32
    %scan3A_2 = arith.constant 8 : i32
    %scan3A_3 = arith.addi %scan3A_1, %scan3A_2 : i32
    %scan3A_4 = arith.constant 1 : i32
    scf.for %scan3A_6 = %scan3A_1 to %scan3A_3 step %scan3A_4  : i32 {
      %mul3A_7 = arith.constant 512 : i32
      %mul3A_8 = arith.muli %add3A, %mul3A_7 : i32
      %mul3A_9 = arith.constant 64 : i32
      %mul3A_10 = arith.muli %scan3A_6, %mul3A_9 : i32
      %add3A_11 = arith.addi %mul3A_8, %mul3A_10 : i32
      %mul3A_12 = arith.constant 20 : i32
      %mul3A_13 = arith.muli %add3A_11, %mul3A_12 : i32
      "tpu.region"() ({
        %run_scoped3A = tpu.sem_alloc : memref<!tpu.dma_semaphore, #tpu.memory_space<semaphore_mem>>
        %dma_start3A_20 = tpu.memref_slice %arg3[%mul3A_13] : memref<327680xi32, #tpu.memory_space<hbm>> -> memref<1280xi32, #tpu.memory_space<hbm>>
        %dma_start3A_21 = tpu.memref_slice %arg3[%mul3A_13] : memref<327680xi32, #tpu.memory_space<hbm>> -> memref<1280xi32, #tpu.memory_space<hbm>>
        tpu.enqueue_dma source(%dma_start3A_21 : memref<1280xi32, #tpu.memory_space<hbm>>) target(%arg5 : memref<1280xi32, #tpu.memory_space<vmem>>) target_semaphore(%run_scoped3A : memref<!tpu.dma_semaphore, #tpu.memory_space<semaphore_mem>>)
        %dma_wait3A_22 = tpu.memref_slice %arg3[%mul3A_13] : memref<327680xi32, #tpu.memory_space<hbm>> -> memref<1280xi32, #tpu.memory_space<hbm>>
        %dma_wait3A_23 = tpu.memref_slice %arg3[%mul3A_13] : memref<327680xi32, #tpu.memory_space<hbm>> -> memref<1280xi32, #tpu.memory_space<hbm>>
        tpu.wait_dma2 semaphore(%run_scoped3A : memref<!tpu.dma_semaphore, #tpu.memory_space<semaphore_mem>>) src(%dma_wait3A_23 : memref<1280xi32, #tpu.memory_space<hbm>>) dst(%arg5 : memref<1280xi32, #tpu.memory_space<vmem>>)
        tpu.yield
      }) : () -> ()
      %dma_start3A = arith.constant 0 : i32
      %dma_start3A_14 = arith.constant 0 : i32
      %dma_start3A_15 = tpu.memref_slice %arg2[%dma_start3A, %dma_start3A_14] : memref<16384x16xf32, #tpu.memory_space<hbm>> -> memref<16384x16xf32, #tpu.memory_space<hbm>>
      tpu.enqueue_indirect_dma source(%dma_start3A_15 : memref<16384x16xf32, #tpu.memory_space<hbm>>) target(%arg6 : memref<1280x16xf32, #tpu.memory_space<vmem>>) offsets(%arg5 : memref<1280xi32, #tpu.memory_space<vmem>>) semaphore(%arg7 : memref<!tpu.dma_semaphore, #tpu.memory_space<semaphore_mem>>)
      %dma_wait3A = arith.constant 0 : i32
      %dma_wait3A_16 = arith.constant 0 : i32
      %dma_wait3A_17 = tpu.memref_slice %arg2[%dma_wait3A, %dma_wait3A_16] : memref<16384x16xf32, #tpu.memory_space<hbm>> -> memref<16384x16xf32, #tpu.memory_space<hbm>>
      tpu.wait_indirect_dma semaphore(%arg7 : memref<!tpu.dma_semaphore, #tpu.memory_space<semaphore_mem>>) src(%dma_wait3A_17 : memref<16384x16xf32, #tpu.memory_space<hbm>>) dst(%arg6 : memref<1280x16xf32, #tpu.memory_space<vmem>>)
      %mul3A_18 = arith.constant 20 : i32
      %mul3A_19 = arith.muli %add3A_11, %mul3A_18 : i32
      "tpu.region"() ({
        %run_scoped3A = tpu.sem_alloc : memref<!tpu.dma_semaphore, #tpu.memory_space<semaphore_mem>>
        %dma_start3A_20 = arith.constant 0 : i32
        %dma_start3A_21 = tpu.memref_slice %arg4[%mul3A_19, %dma_start3A_20] : memref<327680x16xf32, #tpu.memory_space<hbm>> -> memref<1280x16xf32, #tpu.memory_space<hbm>>
        %dma_start3A_22 = arith.constant 0 : i32
        %dma_start3A_23 = tpu.memref_slice %arg4[%mul3A_19, %dma_start3A_22] : memref<327680x16xf32, #tpu.memory_space<hbm>> -> memref<1280x16xf32, #tpu.memory_space<hbm>>
        tpu.enqueue_dma source(%arg6 : memref<1280x16xf32, #tpu.memory_space<vmem>>) target(%dma_start3A_23 : memref<1280x16xf32, #tpu.memory_space<hbm>>) target_semaphore(%run_scoped3A : memref<!tpu.dma_semaphore, #tpu.memory_space<semaphore_mem>>)
        %dma_wait3A_24 = arith.constant 0 : i32
        %dma_wait3A_25 = tpu.memref_slice %arg4[%mul3A_19, %dma_wait3A_24] : memref<327680x16xf32, #tpu.memory_space<hbm>> -> memref<1280x16xf32, #tpu.memory_space<hbm>>
        %dma_wait3A_26 = arith.constant 0 : i32
        %dma_wait3A_27 = tpu.memref_slice %arg4[%mul3A_19, %dma_wait3A_26] : memref<327680x16xf32, #tpu.memory_space<hbm>> -> memref<1280x16xf32, #tpu.memory_space<hbm>>
        tpu.wait_dma2 semaphore(%run_scoped3A : memref<!tpu.dma_semaphore, #tpu.memory_space<semaphore_mem>>) src(%arg6 : memref<1280x16xf32, #tpu.memory_space<vmem>>) dst(%dma_wait3A_27 : memref<1280x16xf32, #tpu.memory_space<hbm>>)
        tpu.yield
      }) : () -> ()
    }
    %scan3A_5 = arith.constant 8 : i32
    return
  }
}

#map = affine_map<(d0, d1) -> (0, 0)>
#map1 = affine_map<(d0, d1) -> (0)>
module attributes {stable_mosaic.version = 14 : i64} {
  func.func @_sc_body(%arg0: i32, %arg1: i32, %arg2: memref<16384x64xf32, #tpu.memory_space<hbm>>, %arg3: memref<327680xi32, #tpu.memory_space<hbm>>, %arg4: memref<16384x64xf32, #tpu.memory_space<hbm>>, %arg5: memref<16384x64xf32, #tpu.memory_space<hbm>>, %arg6: memref<32x64xf32, #tpu.memory_space<hbm>>, %arg7: memref<1280xi32, #tpu.memory_space<vmem>>, %arg8: memref<1280x64xf32, #tpu.memory_space<vmem>>, %arg9: memref<128x64xf32, #tpu.memory_space<vmem>>, %arg10: memref<1x64xf32, #tpu.memory_space<vmem>>, %arg11: memref<!tpu.dma_semaphore, #tpu.memory_space<semaphore_mem>>) attributes {dimension_semantics = [#tpu.dimension_semantics<core_parallel>, #tpu.dimension_semantics<subcore_parallel>], iteration_bounds = array<i64: 2, 16>, scalar_prefetch = 0 : i64, scratch_operands = 5 : i64, tpu.core_type = #tpu.core_type<sc_vector_subcore>, window_params = [{transform_indices = #map}, {transform_indices = #map1}, {transform_indices = #map}, {transform_indices = #map}, {transform_indices = #map}]} {
    %mul3A = arith.constant 2 : i32
    %mul3A_0 = arith.muli %arg1, %mul3A : i32
    %add3A = arith.addi %mul3A_0, %arg0 : i32
    %broadcast_in_dim3A = arith.constant 0.000000e+00 : f32
    %broadcast_in_dim3A_1 = vector.broadcast %broadcast_in_dim3A : f32 to vector<16xf32>
    %scan3A = arith.constant 0 : i32
    %scan3A_2 = arith.constant 8 : i32
    %scan3A_3 = arith.addi %scan3A, %scan3A_2 : i32
    %scan3A_4 = arith.constant 1 : i32
    %scan3A_5:4 = scf.for %scan3A_30 = %scan3A to %scan3A_3 step %scan3A_4 iter_args(%scan3A_31 = %broadcast_in_dim3A_1, %scan3A_32 = %broadcast_in_dim3A_1, %scan3A_33 = %broadcast_in_dim3A_1, %scan3A_34 = %broadcast_in_dim3A_1) -> (vector<16xf32>, vector<16xf32>, vector<16xf32>, vector<16xf32>)  : i32 {
      %mul3A_35 = arith.constant 512 : i32
      %mul3A_36 = arith.muli %add3A, %mul3A_35 : i32
      %mul3A_37 = arith.constant 64 : i32
      %mul3A_38 = arith.muli %scan3A_30, %mul3A_37 : i32
      %add3A_39 = arith.addi %mul3A_36, %mul3A_38 : i32
      %mul3A_40 = arith.constant 20 : i32
      %mul3A_41 = arith.muli %add3A_39, %mul3A_40 : i32
      "tpu.region"() ({
        %run_scoped3A = tpu.sem_alloc : memref<!tpu.dma_semaphore, #tpu.memory_space<semaphore_mem>>
        %dma_start3A_52 = tpu.memref_slice %arg3[%mul3A_41] : memref<327680xi32, #tpu.memory_space<hbm>> -> memref<1280xi32, #tpu.memory_space<hbm>>
        %dma_start3A_53 = tpu.memref_slice %arg3[%mul3A_41] : memref<327680xi32, #tpu.memory_space<hbm>> -> memref<1280xi32, #tpu.memory_space<hbm>>
        tpu.enqueue_dma source(%dma_start3A_53 : memref<1280xi32, #tpu.memory_space<hbm>>) target(%arg7 : memref<1280xi32, #tpu.memory_space<vmem>>) target_semaphore(%run_scoped3A : memref<!tpu.dma_semaphore, #tpu.memory_space<semaphore_mem>>)
        %dma_wait3A_54 = tpu.memref_slice %arg3[%mul3A_41] : memref<327680xi32, #tpu.memory_space<hbm>> -> memref<1280xi32, #tpu.memory_space<hbm>>
        %dma_wait3A_55 = tpu.memref_slice %arg3[%mul3A_41] : memref<327680xi32, #tpu.memory_space<hbm>> -> memref<1280xi32, #tpu.memory_space<hbm>>
        tpu.wait_dma2 semaphore(%run_scoped3A : memref<!tpu.dma_semaphore, #tpu.memory_space<semaphore_mem>>) src(%dma_wait3A_55 : memref<1280xi32, #tpu.memory_space<hbm>>) dst(%arg7 : memref<1280xi32, #tpu.memory_space<vmem>>)
        tpu.yield
      }) : () -> ()
      %dma_start3A = arith.constant 0 : i32
      %dma_start3A_42 = arith.constant 0 : i32
      %dma_start3A_43 = tpu.memref_slice %arg2[%dma_start3A, %dma_start3A_42] : memref<16384x64xf32, #tpu.memory_space<hbm>> -> memref<16384x64xf32, #tpu.memory_space<hbm>>
      tpu.enqueue_indirect_dma source(%dma_start3A_43 : memref<16384x64xf32, #tpu.memory_space<hbm>>) target(%arg8 : memref<1280x64xf32, #tpu.memory_space<vmem>>) offsets(%arg7 : memref<1280xi32, #tpu.memory_space<vmem>>) semaphore(%arg11 : memref<!tpu.dma_semaphore, #tpu.memory_space<semaphore_mem>>)
      %dma_wait3A = arith.constant 0 : i32
      %dma_wait3A_44 = arith.constant 0 : i32
      %dma_wait3A_45 = tpu.memref_slice %arg2[%dma_wait3A, %dma_wait3A_44] : memref<16384x64xf32, #tpu.memory_space<hbm>> -> memref<16384x64xf32, #tpu.memory_space<hbm>>
      tpu.wait_indirect_dma semaphore(%arg11 : memref<!tpu.dma_semaphore, #tpu.memory_space<semaphore_mem>>) src(%dma_wait3A_45 : memref<16384x64xf32, #tpu.memory_space<hbm>>) dst(%arg8 : memref<1280x64xf32, #tpu.memory_space<vmem>>)
      %scan3A_46 = arith.constant 0 : i32
      %scan3A_47 = arith.constant 64 : i32
      %scan3A_48 = arith.addi %scan3A_46, %scan3A_47 : i32
      %scan3A_49 = arith.constant 1 : i32
      %scan3A_50:4 = scf.for %scan3A_52 = %scan3A_46 to %scan3A_48 step %scan3A_49 iter_args(%scan3A_53 = %scan3A_31, %scan3A_54 = %scan3A_32, %scan3A_55 = %scan3A_33, %scan3A_56 = %scan3A_34) -> (vector<16xf32>, vector<16xf32>, vector<16xf32>, vector<16xf32>)  : i32 {
        %mul3A_57 = arith.constant 20 : i32
        %mul3A_58 = arith.muli %scan3A_52, %mul3A_57 : i32
        %broadcast_in_dim3A_59 = arith.constant -3.000000e+38 : f32
        %broadcast_in_dim3A_60 = vector.broadcast %broadcast_in_dim3A_59 : f32 to vector<16xf32>
        %broadcast_in_dim3A_61 = arith.constant -3.000000e+38 : f32
        %broadcast_in_dim3A_62 = vector.broadcast %broadcast_in_dim3A_61 : f32 to vector<16xf32>
        %broadcast_in_dim3A_63 = arith.constant -3.000000e+38 : f32
        %broadcast_in_dim3A_64 = vector.broadcast %broadcast_in_dim3A_63 : f32 to vector<16xf32>
        %broadcast_in_dim3A_65 = arith.constant -3.000000e+38 : f32
        %broadcast_in_dim3A_66 = vector.broadcast %broadcast_in_dim3A_65 : f32 to vector<16xf32>
        %add3A_67 = arith.constant 0 : i32
        %add3A_68 = arith.addi %mul3A_58, %add3A_67 : i32
        %get3A = arith.index_cast %add3A_68 : i32 to index
        %get3A_69 = arith.constant 0 : index
        %get3A_70 = tpu.vector_load %arg8[%get3A, %get3A_69] {strides = array<i32>} : memref<1280x64xf32, #tpu.memory_space<vmem>>, vector<1x16xf32>,
        %get3A_71 = vector.shape_cast %get3A_70 : vector<1x16xf32> to vector<16xf32>
        %max3A = arith.maximumf %broadcast_in_dim3A_60, %get3A_71 : vector<16xf32>
        %add3A_72 = arith.addf %broadcast_in_dim3A_1, %get3A_71 : vector<16xf32>
        %mul3A_73 = arith.mulf %get3A_71, %get3A_71 : vector<16xf32>
        %add3A_74 = arith.addf %scan3A_53, %mul3A_73 : vector<16xf32>
        %add3A_75 = arith.constant 0 : i32
        %add3A_76 = arith.addi %mul3A_58, %add3A_75 : i32
        %get3A_77 = arith.index_cast %add3A_76 : i32 to index
        %get3A_78 = arith.constant 16 : index
        %get3A_79 = tpu.vector_load %arg8[%get3A_77, %get3A_78] {strides = array<i32>} : memref<1280x64xf32, #tpu.memory_space<vmem>>, vector<1x16xf32>,
        %get3A_80 = vector.shape_cast %get3A_79 : vector<1x16xf32> to vector<16xf32>
        %max3A_81 = arith.maximumf %broadcast_in_dim3A_62, %get3A_80 : vector<16xf32>
        %add3A_82 = arith.addf %broadcast_in_dim3A_1, %get3A_80 : vector<16xf32>
        %mul3A_83 = arith.mulf %get3A_80, %get3A_80 : vector<16xf32>
        %add3A_84 = arith.addf %scan3A_54, %mul3A_83 : vector<16xf32>
        %add3A_85 = arith.constant 0 : i32
        %add3A_86 = arith.addi %mul3A_58, %add3A_85 : i32
        %get3A_87 = arith.index_cast %add3A_86 : i32 to index
        %get3A_88 = arith.constant 32 : index
        %get3A_89 = tpu.vector_load %arg8[%get3A_87, %get3A_88] {strides = array<i32>} : memref<1280x64xf32, #tpu.memory_space<vmem>>, vector<1x16xf32>,
        %get3A_90 = vector.shape_cast %get3A_89 : vector<1x16xf32> to vector<16xf32>
        %max3A_91 = arith.maximumf %broadcast_in_dim3A_64, %get3A_90 : vector<16xf32>
        %add3A_92 = arith.addf %broadcast_in_dim3A_1, %get3A_90 : vector<16xf32>
        %mul3A_93 = arith.mulf %get3A_90, %get3A_90 : vector<16xf32>
        %add3A_94 = arith.addf %scan3A_55, %mul3A_93 : vector<16xf32>
        %add3A_95 = arith.constant 0 : i32
        %add3A_96 = arith.addi %mul3A_58, %add3A_95 : i32
        %get3A_97 = arith.index_cast %add3A_96 : i32 to index
        %get3A_98 = arith.constant 48 : index
        %get3A_99 = tpu.vector_load %arg8[%get3A_97, %get3A_98] {strides = array<i32>} : memref<1280x64xf32, #tpu.memory_space<vmem>>, vector<1x16xf32>,
        %get3A_100 = vector.shape_cast %get3A_99 : vector<1x16xf32> to vector<16xf32>
        %max3A_101 = arith.maximumf %broadcast_in_dim3A_66, %get3A_100 : vector<16xf32>
        %add3A_102 = arith.addf %broadcast_in_dim3A_1, %get3A_100 : vector<16xf32>
        %mul3A_103 = arith.mulf %get3A_100, %get3A_100 : vector<16xf32>
        %add3A_104 = arith.addf %scan3A_56, %mul3A_103 : vector<16xf32>
        %add3A_105 = arith.constant 1 : i32
        %add3A_106 = arith.addi %mul3A_58, %add3A_105 : i32
        %get3A_107 = arith.index_cast %add3A_106 : i32 to index
        %get3A_108 = arith.constant 0 : index
        %get3A_109 = tpu.vector_load %arg8[%get3A_107, %get3A_108] {strides = array<i32>} : memref<1280x64xf32, #tpu.memory_space<vmem>>, vector<1x16xf32>,
        %get3A_110 = vector.shape_cast %get3A_109 : vector<1x16xf32> to vector<16xf32>
        %max3A_111 = arith.maximumf %max3A, %get3A_110 : vector<16xf32>
        %add3A_112 = arith.addf %add3A_72, %get3A_110 : vector<16xf32>
        %mul3A_113 = arith.mulf %get3A_110, %get3A_110 : vector<16xf32>
        %add3A_114 = arith.addf %add3A_74, %mul3A_113 : vector<16xf32>
        %add3A_115 = arith.constant 1 : i32
        %add3A_116 = arith.addi %mul3A_58, %add3A_115 : i32
        %get3A_117 = arith.index_cast %add3A_116 : i32 to index
        %get3A_118 = arith.constant 16 : index
        %get3A_119 = tpu.vector_load %arg8[%get3A_117, %get3A_118] {strides = array<i32>} : memref<1280x64xf32, #tpu.memory_space<vmem>>, vector<1x16xf32>,
        %get3A_120 = vector.shape_cast %get3A_119 : vector<1x16xf32> to vector<16xf32>
        %max3A_121 = arith.maximumf %max3A_81, %get3A_120 : vector<16xf32>
        %add3A_122 = arith.addf %add3A_82, %get3A_120 : vector<16xf32>
        %mul3A_123 = arith.mulf %get3A_120, %get3A_120 : vector<16xf32>
        %add3A_124 = arith.addf %add3A_84, %mul3A_123 : vector<16xf32>
        %add3A_125 = arith.constant 1 : i32
        %add3A_126 = arith.addi %mul3A_58, %add3A_125 : i32
        %get3A_127 = arith.index_cast %add3A_126 : i32 to index
        %get3A_128 = arith.constant 32 : index
        %get3A_129 = tpu.vector_load %arg8[%get3A_127, %get3A_128] {strides = array<i32>} : memref<1280x64xf32, #tpu.memory_space<vmem>>, vector<1x16xf32>,
        %get3A_130 = vector.shape_cast %get3A_129 : vector<1x16xf32> to vector<16xf32>
        %max3A_131 = arith.maximumf %max3A_91, %get3A_130 : vector<16xf32>
        %add3A_132 = arith.addf %add3A_92, %get3A_130 : vector<16xf32>
        %mul3A_133 = arith.mulf %get3A_130, %get3A_130 : vector<16xf32>
        %add3A_134 = arith.addf %add3A_94, %mul3A_133 : vector<16xf32>
        %add3A_135 = arith.constant 1 : i32
        %add3A_136 = arith.addi %mul3A_58, %add3A_135 : i32
        %get3A_137 = arith.index_cast %add3A_136 : i32 to index
        %get3A_138 = arith.constant 48 : index
        %get3A_139 = tpu.vector_load %arg8[%get3A_137, %get3A_138] {strides = array<i32>} : memref<1280x64xf32, #tpu.memory_space<vmem>>, vector<1x16xf32>,
        %get3A_140 = vector.shape_cast %get3A_139 : vector<1x16xf32> to vector<16xf32>
        %max3A_141 = arith.maximumf %max3A_101, %get3A_140 : vector<16xf32>
        %add3A_142 = arith.addf %add3A_102, %get3A_140 : vector<16xf32>
        %mul3A_143 = arith.mulf %get3A_140, %get3A_140 : vector<16xf32>
        %add3A_144 = arith.addf %add3A_104, %mul3A_143 : vector<16xf32>
        %add3A_145 = arith.constant 2 : i32
        %add3A_146 = arith.addi %mul3A_58, %add3A_145 : i32
        %get3A_147 = arith.index_cast %add3A_146 : i32 to index
        %get3A_148 = arith.constant 0 : index
        %get3A_149 = tpu.vector_load %arg8[%get3A_147, %get3A_148] {strides = array<i32>} : memref<1280x64xf32, #tpu.memory_space<vmem>>, vector<1x16xf32>,
        %get3A_150 = vector.shape_cast %get3A_149 : vector<1x16xf32> to vector<16xf32>
        %max3A_151 = arith.maximumf %max3A_111, %get3A_150 : vector<16xf32>
        %add3A_152 = arith.addf %add3A_112, %get3A_150 : vector<16xf32>
        %mul3A_153 = arith.mulf %get3A_150, %get3A_150 : vector<16xf32>
        %add3A_154 = arith.addf %add3A_114, %mul3A_153 : vector<16xf32>
        %add3A_155 = arith.constant 2 : i32
        %add3A_156 = arith.addi %mul3A_58, %add3A_155 : i32
        %get3A_157 = arith.index_cast %add3A_156 : i32 to index
        %get3A_158 = arith.constant 16 : index
        %get3A_159 = tpu.vector_load %arg8[%get3A_157, %get3A_158] {strides = array<i32>} : memref<1280x64xf32, #tpu.memory_space<vmem>>, vector<1x16xf32>,
        %get3A_160 = vector.shape_cast %get3A_159 : vector<1x16xf32> to vector<16xf32>
        %max3A_161 = arith.maximumf %max3A_121, %get3A_160 : vector<16xf32>
        %add3A_162 = arith.addf %add3A_122, %get3A_160 : vector<16xf32>
        %mul3A_163 = arith.mulf %get3A_160, %get3A_160 : vector<16xf32>
        %add3A_164 = arith.addf %add3A_124, %mul3A_163 : vector<16xf32>
        %add3A_165 = arith.constant 2 : i32
        %add3A_166 = arith.addi %mul3A_58, %add3A_165 : i32
        %get3A_167 = arith.index_cast %add3A_166 : i32 to index
        %get3A_168 = arith.constant 32 : index
        %get3A_169 = tpu.vector_load %arg8[%get3A_167, %get3A_168] {strides = array<i32>} : memref<1280x64xf32, #tpu.memory_space<vmem>>, vector<1x16xf32>,
        %get3A_170 = vector.shape_cast %get3A_169 : vector<1x16xf32> to vector<16xf32>
        %max3A_171 = arith.maximumf %max3A_131, %get3A_170 : vector<16xf32>
        %add3A_172 = arith.addf %add3A_132, %get3A_170 : vector<16xf32>
        %mul3A_173 = arith.mulf %get3A_170, %get3A_170 : vector<16xf32>
        %add3A_174 = arith.addf %add3A_134, %mul3A_173 : vector<16xf32>
        %add3A_175 = arith.constant 2 : i32
        %add3A_176 = arith.addi %mul3A_58, %add3A_175 : i32
        %get3A_177 = arith.index_cast %add3A_176 : i32 to index
        %get3A_178 = arith.constant 48 : index
        %get3A_179 = tpu.vector_load %arg8[%get3A_177, %get3A_178] {strides = array<i32>} : memref<1280x64xf32, #tpu.memory_space<vmem>>, vector<1x16xf32>,
        %get3A_180 = vector.shape_cast %get3A_179 : vector<1x16xf32> to vector<16xf32>
        %max3A_181 = arith.maximumf %max3A_141, %get3A_180 : vector<16xf32>
        %add3A_182 = arith.addf %add3A_142, %get3A_180 : vector<16xf32>
        %mul3A_183 = arith.mulf %get3A_180, %get3A_180 : vector<16xf32>
        %add3A_184 = arith.addf %add3A_144, %mul3A_183 : vector<16xf32>
        %add3A_185 = arith.constant 3 : i32
        %add3A_186 = arith.addi %mul3A_58, %add3A_185 : i32
        %get3A_187 = arith.index_cast %add3A_186 : i32 to index
        %get3A_188 = arith.constant 0 : index
        %get3A_189 = tpu.vector_load %arg8[%get3A_187, %get3A_188] {strides = array<i32>} : memref<1280x64xf32, #tpu.memory_space<vmem>>, vector<1x16xf32>,
        %get3A_190 = vector.shape_cast %get3A_189 : vector<1x16xf32> to vector<16xf32>
        %max3A_191 = arith.maximumf %max3A_151, %get3A_190 : vector<16xf32>
        %add3A_192 = arith.addf %add3A_152, %get3A_190 : vector<16xf32>
        %mul3A_193 = arith.mulf %get3A_190, %get3A_190 : vector<16xf32>
        %add3A_194 = arith.addf %add3A_154, %mul3A_193 : vector<16xf32>
        %add3A_195 = arith.constant 3 : i32
        %add3A_196 = arith.addi %mul3A_58, %add3A_195 : i32
        %get3A_197 = arith.index_cast %add3A_196 : i32 to index
        %get3A_198 = arith.constant 16 : index
        %get3A_199 = tpu.vector_load %arg8[%get3A_197, %get3A_198] {strides = array<i32>} : memref<1280x64xf32, #tpu.memory_space<vmem>>, vector<1x16xf32>,
        %get3A_200 = vector.shape_cast %get3A_199 : vector<1x16xf32> to vector<16xf32>
        %max3A_201 = arith.maximumf %max3A_161, %get3A_200 : vector<16xf32>
        %add3A_202 = arith.addf %add3A_162, %get3A_200 : vector<16xf32>
        %mul3A_203 = arith.mulf %get3A_200, %get3A_200 : vector<16xf32>
        %add3A_204 = arith.addf %add3A_164, %mul3A_203 : vector<16xf32>
        %add3A_205 = arith.constant 3 : i32
        %add3A_206 = arith.addi %mul3A_58, %add3A_205 : i32
        %get3A_207 = arith.index_cast %add3A_206 : i32 to index
        %get3A_208 = arith.constant 32 : index
        %get3A_209 = tpu.vector_load %arg8[%get3A_207, %get3A_208] {strides = array<i32>} : memref<1280x64xf32, #tpu.memory_space<vmem>>, vector<1x16xf32>,
        %get3A_210 = vector.shape_cast %get3A_209 : vector<1x16xf32> to vector<16xf32>
        %max3A_211 = arith.maximumf %max3A_171, %get3A_210 : vector<16xf32>
        %add3A_212 = arith.addf %add3A_172, %get3A_210 : vector<16xf32>
        %mul3A_213 = arith.mulf %get3A_210, %get3A_210 : vector<16xf32>
        %add3A_214 = arith.addf %add3A_174, %mul3A_213 : vector<16xf32>
        %add3A_215 = arith.constant 3 : i32
        %add3A_216 = arith.addi %mul3A_58, %add3A_215 : i32
        %get3A_217 = arith.index_cast %add3A_216 : i32 to index
        %get3A_218 = arith.constant 48 : index
        %get3A_219 = tpu.vector_load %arg8[%get3A_217, %get3A_218] {strides = array<i32>} : memref<1280x64xf32, #tpu.memory_space<vmem>>, vector<1x16xf32>,
        %get3A_220 = vector.shape_cast %get3A_219 : vector<1x16xf32> to vector<16xf32>
        %max3A_221 = arith.maximumf %max3A_181, %get3A_220 : vector<16xf32>
        %add3A_222 = arith.addf %add3A_182, %get3A_220 : vector<16xf32>
        %mul3A_223 = arith.mulf %get3A_220, %get3A_220 : vector<16xf32>
        %add3A_224 = arith.addf %add3A_184, %mul3A_223 : vector<16xf32>
        %add3A_225 = arith.constant 4 : i32
        %add3A_226 = arith.addi %mul3A_58, %add3A_225 : i32
        %get3A_227 = arith.index_cast %add3A_226 : i32 to index
        %get3A_228 = arith.constant 0 : index
        %get3A_229 = tpu.vector_load %arg8[%get3A_227, %get3A_228] {strides = array<i32>} : memref<1280x64xf32, #tpu.memory_space<vmem>>, vector<1x16xf32>,
        %get3A_230 = vector.shape_cast %get3A_229 : vector<1x16xf32> to vector<16xf32>
        %max3A_231 = arith.maximumf %max3A_191, %get3A_230 : vector<16xf32>
        %add3A_232 = arith.addf %add3A_192, %get3A_230 : vector<16xf32>
        %mul3A_233 = arith.mulf %get3A_230, %get3A_230 : vector<16xf32>
        %add3A_234 = arith.addf %add3A_194, %mul3A_233 : vector<16xf32>
        %add3A_235 = arith.constant 4 : i32
        %add3A_236 = arith.addi %mul3A_58, %add3A_235 : i32
        %get3A_237 = arith.index_cast %add3A_236 : i32 to index
        %get3A_238 = arith.constant 16 : index
        %get3A_239 = tpu.vector_load %arg8[%get3A_237, %get3A_238] {strides = array<i32>} : memref<1280x64xf32, #tpu.memory_space<vmem>>, vector<1x16xf32>,
        %get3A_240 = vector.shape_cast %get3A_239 : vector<1x16xf32> to vector<16xf32>
        %max3A_241 = arith.maximumf %max3A_201, %get3A_240 : vector<16xf32>
        %add3A_242 = arith.addf %add3A_202, %get3A_240 : vector<16xf32>
        %mul3A_243 = arith.mulf %get3A_240, %get3A_240 : vector<16xf32>
        %add3A_244 = arith.addf %add3A_204, %mul3A_243 : vector<16xf32>
        %add3A_245 = arith.constant 4 : i32
        %add3A_246 = arith.addi %mul3A_58, %add3A_245 : i32
        %get3A_247 = arith.index_cast %add3A_246 : i32 to index
        %get3A_248 = arith.constant 32 : index
        %get3A_249 = tpu.vector_load %arg8[%get3A_247, %get3A_248] {strides = array<i32>} : memref<1280x64xf32, #tpu.memory_space<vmem>>, vector<1x16xf32>,
        %get3A_250 = vector.shape_cast %get3A_249 : vector<1x16xf32> to vector<16xf32>
        %max3A_251 = arith.maximumf %max3A_211, %get3A_250 : vector<16xf32>
        %add3A_252 = arith.addf %add3A_212, %get3A_250 : vector<16xf32>
        %mul3A_253 = arith.mulf %get3A_250, %get3A_250 : vector<16xf32>
        %add3A_254 = arith.addf %add3A_214, %mul3A_253 : vector<16xf32>
        %add3A_255 = arith.constant 4 : i32
        %add3A_256 = arith.addi %mul3A_58, %add3A_255 : i32
        %get3A_257 = arith.index_cast %add3A_256 : i32 to index
        %get3A_258 = arith.constant 48 : index
        %get3A_259 = tpu.vector_load %arg8[%get3A_257, %get3A_258] {strides = array<i32>} : memref<1280x64xf32, #tpu.memory_space<vmem>>, vector<1x16xf32>,
        %get3A_260 = vector.shape_cast %get3A_259 : vector<1x16xf32> to vector<16xf32>
        %max3A_261 = arith.maximumf %max3A_221, %get3A_260 : vector<16xf32>
        %add3A_262 = arith.addf %add3A_222, %get3A_260 : vector<16xf32>
        %mul3A_263 = arith.mulf %get3A_260, %get3A_260 : vector<16xf32>
        %add3A_264 = arith.addf %add3A_224, %mul3A_263 : vector<16xf32>
        %add3A_265 = arith.constant 5 : i32
        %add3A_266 = arith.addi %mul3A_58, %add3A_265 : i32
        %get3A_267 = arith.index_cast %add3A_266 : i32 to index
        %get3A_268 = arith.constant 0 : index
        %get3A_269 = tpu.vector_load %arg8[%get3A_267, %get3A_268] {strides = array<i32>} : memref<1280x64xf32, #tpu.memory_space<vmem>>, vector<1x16xf32>,
        %get3A_270 = vector.shape_cast %get3A_269 : vector<1x16xf32> to vector<16xf32>
        %max3A_271 = arith.maximumf %max3A_231, %get3A_270 : vector<16xf32>
        %add3A_272 = arith.addf %add3A_232, %get3A_270 : vector<16xf32>
        %mul3A_273 = arith.mulf %get3A_270, %get3A_270 : vector<16xf32>
        %add3A_274 = arith.addf %add3A_234, %mul3A_273 : vector<16xf32>
        %add3A_275 = arith.constant 5 : i32
        %add3A_276 = arith.addi %mul3A_58, %add3A_275 : i32
        %get3A_277 = arith.index_cast %add3A_276 : i32 to index
        %get3A_278 = arith.constant 16 : index
        %get3A_279 = tpu.vector_load %arg8[%get3A_277, %get3A_278] {strides = array<i32>} : memref<1280x64xf32, #tpu.memory_space<vmem>>, vector<1x16xf32>,
        %get3A_280 = vector.shape_cast %get3A_279 : vector<1x16xf32> to vector<16xf32>
        %max3A_281 = arith.maximumf %max3A_241, %get3A_280 : vector<16xf32>
        %add3A_282 = arith.addf %add3A_242, %get3A_280 : vector<16xf32>
        %mul3A_283 = arith.mulf %get3A_280, %get3A_280 : vector<16xf32>
        %add3A_284 = arith.addf %add3A_244, %mul3A_283 : vector<16xf32>
        %add3A_285 = arith.constant 5 : i32
        %add3A_286 = arith.addi %mul3A_58, %add3A_285 : i32
        %get3A_287 = arith.index_cast %add3A_286 : i32 to index
        %get3A_288 = arith.constant 32 : index
        %get3A_289 = tpu.vector_load %arg8[%get3A_287, %get3A_288] {strides = array<i32>} : memref<1280x64xf32, #tpu.memory_space<vmem>>, vector<1x16xf32>,
        %get3A_290 = vector.shape_cast %get3A_289 : vector<1x16xf32> to vector<16xf32>
        %max3A_291 = arith.maximumf %max3A_251, %get3A_290 : vector<16xf32>
        %add3A_292 = arith.addf %add3A_252, %get3A_290 : vector<16xf32>
        %mul3A_293 = arith.mulf %get3A_290, %get3A_290 : vector<16xf32>
        %add3A_294 = arith.addf %add3A_254, %mul3A_293 : vector<16xf32>
        %add3A_295 = arith.constant 5 : i32
        %add3A_296 = arith.addi %mul3A_58, %add3A_295 : i32
        %get3A_297 = arith.index_cast %add3A_296 : i32 to index
        %get3A_298 = arith.constant 48 : index
        %get3A_299 = tpu.vector_load %arg8[%get3A_297, %get3A_298] {strides = array<i32>} : memref<1280x64xf32, #tpu.memory_space<vmem>>, vector<1x16xf32>,
        %get3A_300 = vector.shape_cast %get3A_299 : vector<1x16xf32> to vector<16xf32>
        %max3A_301 = arith.maximumf %max3A_261, %get3A_300 : vector<16xf32>
        %add3A_302 = arith.addf %add3A_262, %get3A_300 : vector<16xf32>
        %mul3A_303 = arith.mulf %get3A_300, %get3A_300 : vector<16xf32>
        %add3A_304 = arith.addf %add3A_264, %mul3A_303 : vector<16xf32>
        %add3A_305 = arith.constant 6 : i32
        %add3A_306 = arith.addi %mul3A_58, %add3A_305 : i32
        %get3A_307 = arith.index_cast %add3A_306 : i32 to index
        %get3A_308 = arith.constant 0 : index
        %get3A_309 = tpu.vector_load %arg8[%get3A_307, %get3A_308] {strides = array<i32>} : memref<1280x64xf32, #tpu.memory_space<vmem>>, vector<1x16xf32>,
        %get3A_310 = vector.shape_cast %get3A_309 : vector<1x16xf32> to vector<16xf32>
        %max3A_311 = arith.maximumf %max3A_271, %get3A_310 : vector<16xf32>
        %add3A_312 = arith.addf %add3A_272, %get3A_310 : vector<16xf32>
        %mul3A_313 = arith.mulf %get3A_310, %get3A_310 : vector<16xf32>
        %add3A_314 = arith.addf %add3A_274, %mul3A_313 : vector<16xf32>
        %add3A_315 = arith.constant 6 : i32
        %add3A_316 = arith.addi %mul3A_58, %add3A_315 : i32
        %get3A_317 = arith.index_cast %add3A_316 : i32 to index
        %get3A_318 = arith.constant 16 : index
        %get3A_319 = tpu.vector_load %arg8[%get3A_317, %get3A_318] {strides = array<i32>} : memref<1280x64xf32, #tpu.memory_space<vmem>>, vector<1x16xf32>,
        %get3A_320 = vector.shape_cast %get3A_319 : vector<1x16xf32> to vector<16xf32>
        %max3A_321 = arith.maximumf %max3A_281, %get3A_320 : vector<16xf32>
        %add3A_322 = arith.addf %add3A_282, %get3A_320 : vector<16xf32>
        %mul3A_323 = arith.mulf %get3A_320, %get3A_320 : vector<16xf32>
        %add3A_324 = arith.addf %add3A_284, %mul3A_323 : vector<16xf32>
        %add3A_325 = arith.constant 6 : i32
        %add3A_326 = arith.addi %mul3A_58, %add3A_325 : i32
        %get3A_327 = arith.index_cast %add3A_326 : i32 to index
        %get3A_328 = arith.constant 32 : index
        %get3A_329 = tpu.vector_load %arg8[%get3A_327, %get3A_328] {strides = array<i32>} : memref<1280x64xf32, #tpu.memory_space<vmem>>, vector<1x16xf32>,
        %get3A_330 = vector.shape_cast %get3A_329 : vector<1x16xf32> to vector<16xf32>
        %max3A_331 = arith.maximumf %max3A_291, %get3A_330 : vector<16xf32>
        %add3A_332 = arith.addf %add3A_292, %get3A_330 : vector<16xf32>
        %mul3A_333 = arith.mulf %get3A_330, %get3A_330 : vector<16xf32>
        %add3A_334 = arith.addf %add3A_294, %mul3A_333 : vector<16xf32>
        %add3A_335 = arith.constant 6 : i32
        %add3A_336 = arith.addi %mul3A_58, %add3A_335 : i32
        %get3A_337 = arith.index_cast %add3A_336 : i32 to index
        %get3A_338 = arith.constant 48 : index
        %get3A_339 = tpu.vector_load %arg8[%get3A_337, %get3A_338] {strides = array<i32>} : memref<1280x64xf32, #tpu.memory_space<vmem>>, vector<1x16xf32>,
        %get3A_340 = vector.shape_cast %get3A_339 : vector<1x16xf32> to vector<16xf32>
        %max3A_341 = arith.maximumf %max3A_301, %get3A_340 : vector<16xf32>
        %add3A_342 = arith.addf %add3A_302, %get3A_340 : vector<16xf32>
        %mul3A_343 = arith.mulf %get3A_340, %get3A_340 : vector<16xf32>
        %add3A_344 = arith.addf %add3A_304, %mul3A_343 : vector<16xf32>
        %add3A_345 = arith.constant 7 : i32
        %add3A_346 = arith.addi %mul3A_58, %add3A_345 : i32
        %get3A_347 = arith.index_cast %add3A_346 : i32 to index
        %get3A_348 = arith.constant 0 : index
        %get3A_349 = tpu.vector_load %arg8[%get3A_347, %get3A_348] {strides = array<i32>} : memref<1280x64xf32, #tpu.memory_space<vmem>>, vector<1x16xf32>,
        %get3A_350 = vector.shape_cast %get3A_349 : vector<1x16xf32> to vector<16xf32>
        %max3A_351 = arith.maximumf %max3A_311, %get3A_350 : vector<16xf32>
        %add3A_352 = arith.addf %add3A_312, %get3A_350 : vector<16xf32>
        %mul3A_353 = arith.mulf %get3A_350, %get3A_350 : vector<16xf32>
        %add3A_354 = arith.addf %add3A_314, %mul3A_353 : vector<16xf32>
        %add3A_355 = arith.constant 7 : i32
        %add3A_356 = arith.addi %mul3A_58, %add3A_355 : i32
        %get3A_357 = arith.index_cast %add3A_356 : i32 to index
        %get3A_358 = arith.constant 16 : index
        %get3A_359 = tpu.vector_load %arg8[%get3A_357, %get3A_358] {strides = array<i32>} : memref<1280x64xf32, #tpu.memory_space<vmem>>, vector<1x16xf32>,
        %get3A_360 = vector.shape_cast %get3A_359 : vector<1x16xf32> to vector<16xf32>
        %max3A_361 = arith.maximumf %max3A_321, %get3A_360 : vector<16xf32>
        %add3A_362 = arith.addf %add3A_322, %get3A_360 : vector<16xf32>
        %mul3A_363 = arith.mulf %get3A_360, %get3A_360 : vector<16xf32>
        %add3A_364 = arith.addf %add3A_324, %mul3A_363 : vector<16xf32>
        %add3A_365 = arith.constant 7 : i32
        %add3A_366 = arith.addi %mul3A_58, %add3A_365 : i32
        %get3A_367 = arith.index_cast %add3A_366 : i32 to index
        %get3A_368 = arith.constant 32 : index
        %get3A_369 = tpu.vector_load %arg8[%get3A_367, %get3A_368] {strides = array<i32>} : memref<1280x64xf32, #tpu.memory_space<vmem>>, vector<1x16xf32>,
        %get3A_370 = vector.shape_cast %get3A_369 : vector<1x16xf32> to vector<16xf32>
        %max3A_371 = arith.maximumf %max3A_331, %get3A_370 : vector<16xf32>
        %add3A_372 = arith.addf %add3A_332, %get3A_370 : vector<16xf32>
        %mul3A_373 = arith.mulf %get3A_370, %get3A_370 : vector<16xf32>
        %add3A_374 = arith.addf %add3A_334, %mul3A_373 : vector<16xf32>
        %add3A_375 = arith.constant 7 : i32
        %add3A_376 = arith.addi %mul3A_58, %add3A_375 : i32
        %get3A_377 = arith.index_cast %add3A_376 : i32 to index
        %get3A_378 = arith.constant 48 : index
        %get3A_379 = tpu.vector_load %arg8[%get3A_377, %get3A_378] {strides = array<i32>} : memref<1280x64xf32, #tpu.memory_space<vmem>>, vector<1x16xf32>,
        %get3A_380 = vector.shape_cast %get3A_379 : vector<1x16xf32> to vector<16xf32>
        %max3A_381 = arith.maximumf %max3A_341, %get3A_380 : vector<16xf32>
        %add3A_382 = arith.addf %add3A_342, %get3A_380 : vector<16xf32>
        %mul3A_383 = arith.mulf %get3A_380, %get3A_380 : vector<16xf32>
        %add3A_384 = arith.addf %add3A_344, %mul3A_383 : vector<16xf32>
        %add3A_385 = arith.constant 8 : i32
        %add3A_386 = arith.addi %mul3A_58, %add3A_385 : i32
        %get3A_387 = arith.index_cast %add3A_386 : i32 to index
        %get3A_388 = arith.constant 0 : index
        %get3A_389 = tpu.vector_load %arg8[%get3A_387, %get3A_388] {strides = array<i32>} : memref<1280x64xf32, #tpu.memory_space<vmem>>, vector<1x16xf32>,
        %get3A_390 = vector.shape_cast %get3A_389 : vector<1x16xf32> to vector<16xf32>
        %max3A_391 = arith.maximumf %max3A_351, %get3A_390 : vector<16xf32>
        %add3A_392 = arith.addf %add3A_352, %get3A_390 : vector<16xf32>
        %mul3A_393 = arith.mulf %get3A_390, %get3A_390 : vector<16xf32>
        %add3A_394 = arith.addf %add3A_354, %mul3A_393 : vector<16xf32>
        %add3A_395 = arith.constant 8 : i32
        %add3A_396 = arith.addi %mul3A_58, %add3A_395 : i32
        %get3A_397 = arith.index_cast %add3A_396 : i32 to index
        %get3A_398 = arith.constant 16 : index
        %get3A_399 = tpu.vector_load %arg8[%get3A_397, %get3A_398] {strides = array<i32>} : memref<1280x64xf32, #tpu.memory_space<vmem>>, vector<1x16xf32>,
        %get3A_400 = vector.shape_cast %get3A_399 : vector<1x16xf32> to vector<16xf32>
        %max3A_401 = arith.maximumf %max3A_361, %get3A_400 : vector<16xf32>
        %add3A_402 = arith.addf %add3A_362, %get3A_400 : vector<16xf32>
        %mul3A_403 = arith.mulf %get3A_400, %get3A_400 : vector<16xf32>
        %add3A_404 = arith.addf %add3A_364, %mul3A_403 : vector<16xf32>
        %add3A_405 = arith.constant 8 : i32
        %add3A_406 = arith.addi %mul3A_58, %add3A_405 : i32
        %get3A_407 = arith.index_cast %add3A_406 : i32 to index
        %get3A_408 = arith.constant 32 : index
        %get3A_409 = tpu.vector_load %arg8[%get3A_407, %get3A_408] {strides = array<i32>} : memref<1280x64xf32, #tpu.memory_space<vmem>>, vector<1x16xf32>,
        %get3A_410 = vector.shape_cast %get3A_409 : vector<1x16xf32> to vector<16xf32>
        %max3A_411 = arith.maximumf %max3A_371, %get3A_410 : vector<16xf32>
        %add3A_412 = arith.addf %add3A_372, %get3A_410 : vector<16xf32>
        %mul3A_413 = arith.mulf %get3A_410, %get3A_410 : vector<16xf32>
        %add3A_414 = arith.addf %add3A_374, %mul3A_413 : vector<16xf32>
        %add3A_415 = arith.constant 8 : i32
        %add3A_416 = arith.addi %mul3A_58, %add3A_415 : i32
        %get3A_417 = arith.index_cast %add3A_416 : i32 to index
        %get3A_418 = arith.constant 48 : index
        %get3A_419 = tpu.vector_load %arg8[%get3A_417, %get3A_418] {strides = array<i32>} : memref<1280x64xf32, #tpu.memory_space<vmem>>, vector<1x16xf32>,
        %get3A_420 = vector.shape_cast %get3A_419 : vector<1x16xf32> to vector<16xf32>
        %max3A_421 = arith.maximumf %max3A_381, %get3A_420 : vector<16xf32>
        %add3A_422 = arith.addf %add3A_382, %get3A_420 : vector<16xf32>
        %mul3A_423 = arith.mulf %get3A_420, %get3A_420 : vector<16xf32>
        %add3A_424 = arith.addf %add3A_384, %mul3A_423 : vector<16xf32>
        %add3A_425 = arith.constant 9 : i32
        %add3A_426 = arith.addi %mul3A_58, %add3A_425 : i32
        %get3A_427 = arith.index_cast %add3A_426 : i32 to index
        %get3A_428 = arith.constant 0 : index
        %get3A_429 = tpu.vector_load %arg8[%get3A_427, %get3A_428] {strides = array<i32>} : memref<1280x64xf32, #tpu.memory_space<vmem>>, vector<1x16xf32>,
        %get3A_430 = vector.shape_cast %get3A_429 : vector<1x16xf32> to vector<16xf32>
        %max3A_431 = arith.maximumf %max3A_391, %get3A_430 : vector<16xf32>
        %add3A_432 = arith.addf %add3A_392, %get3A_430 : vector<16xf32>
        %mul3A_433 = arith.mulf %get3A_430, %get3A_430 : vector<16xf32>
        %add3A_434 = arith.addf %add3A_394, %mul3A_433 : vector<16xf32>
        %add3A_435 = arith.constant 9 : i32
        %add3A_436 = arith.addi %mul3A_58, %add3A_435 : i32
        %get3A_437 = arith.index_cast %add3A_436 : i32 to index
        %get3A_438 = arith.constant 16 : index
        %get3A_439 = tpu.vector_load %arg8[%get3A_437, %get3A_438] {strides = array<i32>} : memref<1280x64xf32, #tpu.memory_space<vmem>>, vector<1x16xf32>,
        %get3A_440 = vector.shape_cast %get3A_439 : vector<1x16xf32> to vector<16xf32>
        %max3A_441 = arith.maximumf %max3A_401, %get3A_440 : vector<16xf32>
        %add3A_442 = arith.addf %add3A_402, %get3A_440 : vector<16xf32>
        %mul3A_443 = arith.mulf %get3A_440, %get3A_440 : vector<16xf32>
        %add3A_444 = arith.addf %add3A_404, %mul3A_443 : vector<16xf32>
        %add3A_445 = arith.constant 9 : i32
        %add3A_446 = arith.addi %mul3A_58, %add3A_445 : i32
        %get3A_447 = arith.index_cast %add3A_446 : i32 to index
        %get3A_448 = arith.constant 32 : index
        %get3A_449 = tpu.vector_load %arg8[%get3A_447, %get3A_448] {strides = array<i32>} : memref<1280x64xf32, #tpu.memory_space<vmem>>, vector<1x16xf32>,
        %get3A_450 = vector.shape_cast %get3A_449 : vector<1x16xf32> to vector<16xf32>
        %max3A_451 = arith.maximumf %max3A_411, %get3A_450 : vector<16xf32>
        %add3A_452 = arith.addf %add3A_412, %get3A_450 : vector<16xf32>
        %mul3A_453 = arith.mulf %get3A_450, %get3A_450 : vector<16xf32>
        %add3A_454 = arith.addf %add3A_414, %mul3A_453 : vector<16xf32>
        %add3A_455 = arith.constant 9 : i32
        %add3A_456 = arith.addi %mul3A_58, %add3A_455 : i32
        %get3A_457 = arith.index_cast %add3A_456 : i32 to index
        %get3A_458 = arith.constant 48 : index
        %get3A_459 = tpu.vector_load %arg8[%get3A_457, %get3A_458] {strides = array<i32>} : memref<1280x64xf32, #tpu.memory_space<vmem>>, vector<1x16xf32>,
        %get3A_460 = vector.shape_cast %get3A_459 : vector<1x16xf32> to vector<16xf32>
        %max3A_461 = arith.maximumf %max3A_421, %get3A_460 : vector<16xf32>
        %add3A_462 = arith.addf %add3A_422, %get3A_460 : vector<16xf32>
        %mul3A_463 = arith.mulf %get3A_460, %get3A_460 : vector<16xf32>
        %add3A_464 = arith.addf %add3A_424, %mul3A_463 : vector<16xf32>
        %add3A_465 = arith.constant 10 : i32
        %add3A_466 = arith.addi %mul3A_58, %add3A_465 : i32
        %get3A_467 = arith.index_cast %add3A_466 : i32 to index
        %get3A_468 = arith.constant 0 : index
        %get3A_469 = tpu.vector_load %arg8[%get3A_467, %get3A_468] {strides = array<i32>} : memref<1280x64xf32, #tpu.memory_space<vmem>>, vector<1x16xf32>,
        %get3A_470 = vector.shape_cast %get3A_469 : vector<1x16xf32> to vector<16xf32>
        %max3A_471 = arith.maximumf %max3A_431, %get3A_470 : vector<16xf32>
        %add3A_472 = arith.addf %add3A_432, %get3A_470 : vector<16xf32>
        %mul3A_473 = arith.mulf %get3A_470, %get3A_470 : vector<16xf32>
        %add3A_474 = arith.addf %add3A_434, %mul3A_473 : vector<16xf32>
        %add3A_475 = arith.constant 10 : i32
        %add3A_476 = arith.addi %mul3A_58, %add3A_475 : i32
        %get3A_477 = arith.index_cast %add3A_476 : i32 to index
        %get3A_478 = arith.constant 16 : index
        %get3A_479 = tpu.vector_load %arg8[%get3A_477, %get3A_478] {strides = array<i32>} : memref<1280x64xf32, #tpu.memory_space<vmem>>, vector<1x16xf32>,
        %get3A_480 = vector.shape_cast %get3A_479 : vector<1x16xf32> to vector<16xf32>
        %max3A_481 = arith.maximumf %max3A_441, %get3A_480 : vector<16xf32>
        %add3A_482 = arith.addf %add3A_442, %get3A_480 : vector<16xf32>
        %mul3A_483 = arith.mulf %get3A_480, %get3A_480 : vector<16xf32>
        %add3A_484 = arith.addf %add3A_444, %mul3A_483 : vector<16xf32>
        %add3A_485 = arith.constant 10 : i32
        %add3A_486 = arith.addi %mul3A_58, %add3A_485 : i32
        %get3A_487 = arith.index_cast %add3A_486 : i32 to index
        %get3A_488 = arith.constant 32 : index
        %get3A_489 = tpu.vector_load %arg8[%get3A_487, %get3A_488] {strides = array<i32>} : memref<1280x64xf32, #tpu.memory_space<vmem>>, vector<1x16xf32>,
        %get3A_490 = vector.shape_cast %get3A_489 : vector<1x16xf32> to vector<16xf32>
        %max3A_491 = arith.maximumf %max3A_451, %get3A_490 : vector<16xf32>
        %add3A_492 = arith.addf %add3A_452, %get3A_490 : vector<16xf32>
        %mul3A_493 = arith.mulf %get3A_490, %get3A_490 : vector<16xf32>
        %add3A_494 = arith.addf %add3A_454, %mul3A_493 : vector<16xf32>
        %add3A_495 = arith.constant 10 : i32
        %add3A_496 = arith.addi %mul3A_58, %add3A_495 : i32
        %get3A_497 = arith.index_cast %add3A_496 : i32 to index
        %get3A_498 = arith.constant 48 : index
        %get3A_499 = tpu.vector_load %arg8[%get3A_497, %get3A_498] {strides = array<i32>} : memref<1280x64xf32, #tpu.memory_space<vmem>>, vector<1x16xf32>,
        %get3A_500 = vector.shape_cast %get3A_499 : vector<1x16xf32> to vector<16xf32>
        %max3A_501 = arith.maximumf %max3A_461, %get3A_500 : vector<16xf32>
        %add3A_502 = arith.addf %add3A_462, %get3A_500 : vector<16xf32>
        %mul3A_503 = arith.mulf %get3A_500, %get3A_500 : vector<16xf32>
        %add3A_504 = arith.addf %add3A_464, %mul3A_503 : vector<16xf32>
        %add3A_505 = arith.constant 11 : i32
        %add3A_506 = arith.addi %mul3A_58, %add3A_505 : i32
        %get3A_507 = arith.index_cast %add3A_506 : i32 to index
        %get3A_508 = arith.constant 0 : index
        %get3A_509 = tpu.vector_load %arg8[%get3A_507, %get3A_508] {strides = array<i32>} : memref<1280x64xf32, #tpu.memory_space<vmem>>, vector<1x16xf32>,
        %get3A_510 = vector.shape_cast %get3A_509 : vector<1x16xf32> to vector<16xf32>
        %max3A_511 = arith.maximumf %max3A_471, %get3A_510 : vector<16xf32>
        %add3A_512 = arith.addf %add3A_472, %get3A_510 : vector<16xf32>
        %mul3A_513 = arith.mulf %get3A_510, %get3A_510 : vector<16xf32>
        %add3A_514 = arith.addf %add3A_474, %mul3A_513 : vector<16xf32>
        %add3A_515 = arith.constant 11 : i32
        %add3A_516 = arith.addi %mul3A_58, %add3A_515 : i32
        %get3A_517 = arith.index_cast %add3A_516 : i32 to index
        %get3A_518 = arith.constant 16 : index
        %get3A_519 = tpu.vector_load %arg8[%get3A_517, %get3A_518] {strides = array<i32>} : memref<1280x64xf32, #tpu.memory_space<vmem>>, vector<1x16xf32>,
        %get3A_520 = vector.shape_cast %get3A_519 : vector<1x16xf32> to vector<16xf32>
        %max3A_521 = arith.maximumf %max3A_481, %get3A_520 : vector<16xf32>
        %add3A_522 = arith.addf %add3A_482, %get3A_520 : vector<16xf32>
        %mul3A_523 = arith.mulf %get3A_520, %get3A_520 : vector<16xf32>
        %add3A_524 = arith.addf %add3A_484, %mul3A_523 : vector<16xf32>
        %add3A_525 = arith.constant 11 : i32
        %add3A_526 = arith.addi %mul3A_58, %add3A_525 : i32
        %get3A_527 = arith.index_cast %add3A_526 : i32 to index
        %get3A_528 = arith.constant 32 : index
        %get3A_529 = tpu.vector_load %arg8[%get3A_527, %get3A_528] {strides = array<i32>} : memref<1280x64xf32, #tpu.memory_space<vmem>>, vector<1x16xf32>,
        %get3A_530 = vector.shape_cast %get3A_529 : vector<1x16xf32> to vector<16xf32>
        %max3A_531 = arith.maximumf %max3A_491, %get3A_530 : vector<16xf32>
        %add3A_532 = arith.addf %add3A_492, %get3A_530 : vector<16xf32>
        %mul3A_533 = arith.mulf %get3A_530, %get3A_530 : vector<16xf32>
        %add3A_534 = arith.addf %add3A_494, %mul3A_533 : vector<16xf32>
        %add3A_535 = arith.constant 11 : i32
        %add3A_536 = arith.addi %mul3A_58, %add3A_535 : i32
        %get3A_537 = arith.index_cast %add3A_536 : i32 to index
        %get3A_538 = arith.constant 48 : index
        %get3A_539 = tpu.vector_load %arg8[%get3A_537, %get3A_538] {strides = array<i32>} : memref<1280x64xf32, #tpu.memory_space<vmem>>, vector<1x16xf32>,
        %get3A_540 = vector.shape_cast %get3A_539 : vector<1x16xf32> to vector<16xf32>
        %max3A_541 = arith.maximumf %max3A_501, %get3A_540 : vector<16xf32>
        %add3A_542 = arith.addf %add3A_502, %get3A_540 : vector<16xf32>
        %mul3A_543 = arith.mulf %get3A_540, %get3A_540 : vector<16xf32>
        %add3A_544 = arith.addf %add3A_504, %mul3A_543 : vector<16xf32>
        %add3A_545 = arith.constant 12 : i32
        %add3A_546 = arith.addi %mul3A_58, %add3A_545 : i32
        %get3A_547 = arith.index_cast %add3A_546 : i32 to index
        %get3A_548 = arith.constant 0 : index
        %get3A_549 = tpu.vector_load %arg8[%get3A_547, %get3A_548] {strides = array<i32>} : memref<1280x64xf32, #tpu.memory_space<vmem>>, vector<1x16xf32>,
        %get3A_550 = vector.shape_cast %get3A_549 : vector<1x16xf32> to vector<16xf32>
        %max3A_551 = arith.maximumf %max3A_511, %get3A_550 : vector<16xf32>
        %add3A_552 = arith.addf %add3A_512, %get3A_550 : vector<16xf32>
        %mul3A_553 = arith.mulf %get3A_550, %get3A_550 : vector<16xf32>
        %add3A_554 = arith.addf %add3A_514, %mul3A_553 : vector<16xf32>
        %add3A_555 = arith.constant 12 : i32
        %add3A_556 = arith.addi %mul3A_58, %add3A_555 : i32
        %get3A_557 = arith.index_cast %add3A_556 : i32 to index
        %get3A_558 = arith.constant 16 : index
        %get3A_559 = tpu.vector_load %arg8[%get3A_557, %get3A_558] {strides = array<i32>} : memref<1280x64xf32, #tpu.memory_space<vmem>>, vector<1x16xf32>,
        %get3A_560 = vector.shape_cast %get3A_559 : vector<1x16xf32> to vector<16xf32>
        %max3A_561 = arith.maximumf %max3A_521, %get3A_560 : vector<16xf32>
        %add3A_562 = arith.addf %add3A_522, %get3A_560 : vector<16xf32>
        %mul3A_563 = arith.mulf %get3A_560, %get3A_560 : vector<16xf32>
        %add3A_564 = arith.addf %add3A_524, %mul3A_563 : vector<16xf32>
        %add3A_565 = arith.constant 12 : i32
        %add3A_566 = arith.addi %mul3A_58, %add3A_565 : i32
        %get3A_567 = arith.index_cast %add3A_566 : i32 to index
        %get3A_568 = arith.constant 32 : index
        %get3A_569 = tpu.vector_load %arg8[%get3A_567, %get3A_568] {strides = array<i32>} : memref<1280x64xf32, #tpu.memory_space<vmem>>, vector<1x16xf32>,
        %get3A_570 = vector.shape_cast %get3A_569 : vector<1x16xf32> to vector<16xf32>
        %max3A_571 = arith.maximumf %max3A_531, %get3A_570 : vector<16xf32>
        %add3A_572 = arith.addf %add3A_532, %get3A_570 : vector<16xf32>
        %mul3A_573 = arith.mulf %get3A_570, %get3A_570 : vector<16xf32>
        %add3A_574 = arith.addf %add3A_534, %mul3A_573 : vector<16xf32>
        %add3A_575 = arith.constant 12 : i32
        %add3A_576 = arith.addi %mul3A_58, %add3A_575 : i32
        %get3A_577 = arith.index_cast %add3A_576 : i32 to index
        %get3A_578 = arith.constant 48 : index
        %get3A_579 = tpu.vector_load %arg8[%get3A_577, %get3A_578] {strides = array<i32>} : memref<1280x64xf32, #tpu.memory_space<vmem>>, vector<1x16xf32>,
        %get3A_580 = vector.shape_cast %get3A_579 : vector<1x16xf32> to vector<16xf32>
        %max3A_581 = arith.maximumf %max3A_541, %get3A_580 : vector<16xf32>
        %add3A_582 = arith.addf %add3A_542, %get3A_580 : vector<16xf32>
        %mul3A_583 = arith.mulf %get3A_580, %get3A_580 : vector<16xf32>
        %add3A_584 = arith.addf %add3A_544, %mul3A_583 : vector<16xf32>
        %add3A_585 = arith.constant 13 : i32
        %add3A_586 = arith.addi %mul3A_58, %add3A_585 : i32
        %get3A_587 = arith.index_cast %add3A_586 : i32 to index
        %get3A_588 = arith.constant 0 : index
        %get3A_589 = tpu.vector_load %arg8[%get3A_587, %get3A_588] {strides = array<i32>} : memref<1280x64xf32, #tpu.memory_space<vmem>>, vector<1x16xf32>,
        %get3A_590 = vector.shape_cast %get3A_589 : vector<1x16xf32> to vector<16xf32>
        %max3A_591 = arith.maximumf %max3A_551, %get3A_590 : vector<16xf32>
        %add3A_592 = arith.addf %add3A_552, %get3A_590 : vector<16xf32>
        %mul3A_593 = arith.mulf %get3A_590, %get3A_590 : vector<16xf32>
        %add3A_594 = arith.addf %add3A_554, %mul3A_593 : vector<16xf32>
        %add3A_595 = arith.constant 13 : i32
        %add3A_596 = arith.addi %mul3A_58, %add3A_595 : i32
        %get3A_597 = arith.index_cast %add3A_596 : i32 to index
        %get3A_598 = arith.constant 16 : index
        %get3A_599 = tpu.vector_load %arg8[%get3A_597, %get3A_598] {strides = array<i32>} : memref<1280x64xf32, #tpu.memory_space<vmem>>, vector<1x16xf32>,
        %get3A_600 = vector.shape_cast %get3A_599 : vector<1x16xf32> to vector<16xf32>
        %max3A_601 = arith.maximumf %max3A_561, %get3A_600 : vector<16xf32>
        %add3A_602 = arith.addf %add3A_562, %get3A_600 : vector<16xf32>
        %mul3A_603 = arith.mulf %get3A_600, %get3A_600 : vector<16xf32>
        %add3A_604 = arith.addf %add3A_564, %mul3A_603 : vector<16xf32>
        %add3A_605 = arith.constant 13 : i32
        %add3A_606 = arith.addi %mul3A_58, %add3A_605 : i32
        %get3A_607 = arith.index_cast %add3A_606 : i32 to index
        %get3A_608 = arith.constant 32 : index
        %get3A_609 = tpu.vector_load %arg8[%get3A_607, %get3A_608] {strides = array<i32>} : memref<1280x64xf32, #tpu.memory_space<vmem>>, vector<1x16xf32>,
        %get3A_610 = vector.shape_cast %get3A_609 : vector<1x16xf32> to vector<16xf32>
        %max3A_611 = arith.maximumf %max3A_571, %get3A_610 : vector<16xf32>
        %add3A_612 = arith.addf %add3A_572, %get3A_610 : vector<16xf32>
        %mul3A_613 = arith.mulf %get3A_610, %get3A_610 : vector<16xf32>
        %add3A_614 = arith.addf %add3A_574, %mul3A_613 : vector<16xf32>
        %add3A_615 = arith.constant 13 : i32
        %add3A_616 = arith.addi %mul3A_58, %add3A_615 : i32
        %get3A_617 = arith.index_cast %add3A_616 : i32 to index
        %get3A_618 = arith.constant 48 : index
        %get3A_619 = tpu.vector_load %arg8[%get3A_617, %get3A_618] {strides = array<i32>} : memref<1280x64xf32, #tpu.memory_space<vmem>>, vector<1x16xf32>,
        %get3A_620 = vector.shape_cast %get3A_619 : vector<1x16xf32> to vector<16xf32>
        %max3A_621 = arith.maximumf %max3A_581, %get3A_620 : vector<16xf32>
        %add3A_622 = arith.addf %add3A_582, %get3A_620 : vector<16xf32>
        %mul3A_623 = arith.mulf %get3A_620, %get3A_620 : vector<16xf32>
        %add3A_624 = arith.addf %add3A_584, %mul3A_623 : vector<16xf32>
        %add3A_625 = arith.constant 14 : i32
        %add3A_626 = arith.addi %mul3A_58, %add3A_625 : i32
        %get3A_627 = arith.index_cast %add3A_626 : i32 to index
        %get3A_628 = arith.constant 0 : index
        %get3A_629 = tpu.vector_load %arg8[%get3A_627, %get3A_628] {strides = array<i32>} : memref<1280x64xf32, #tpu.memory_space<vmem>>, vector<1x16xf32>,
        %get3A_630 = vector.shape_cast %get3A_629 : vector<1x16xf32> to vector<16xf32>
        %max3A_631 = arith.maximumf %max3A_591, %get3A_630 : vector<16xf32>
        %add3A_632 = arith.addf %add3A_592, %get3A_630 : vector<16xf32>
        %mul3A_633 = arith.mulf %get3A_630, %get3A_630 : vector<16xf32>
        %add3A_634 = arith.addf %add3A_594, %mul3A_633 : vector<16xf32>
        %add3A_635 = arith.constant 14 : i32
        %add3A_636 = arith.addi %mul3A_58, %add3A_635 : i32
        %get3A_637 = arith.index_cast %add3A_636 : i32 to index
        %get3A_638 = arith.constant 16 : index
        %get3A_639 = tpu.vector_load %arg8[%get3A_637, %get3A_638] {strides = array<i32>} : memref<1280x64xf32, #tpu.memory_space<vmem>>, vector<1x16xf32>,
        %get3A_640 = vector.shape_cast %get3A_639 : vector<1x16xf32> to vector<16xf32>
        %max3A_641 = arith.maximumf %max3A_601, %get3A_640 : vector<16xf32>
        %add3A_642 = arith.addf %add3A_602, %get3A_640 : vector<16xf32>
        %mul3A_643 = arith.mulf %get3A_640, %get3A_640 : vector<16xf32>
        %add3A_644 = arith.addf %add3A_604, %mul3A_643 : vector<16xf32>
        %add3A_645 = arith.constant 14 : i32
        %add3A_646 = arith.addi %mul3A_58, %add3A_645 : i32
        %get3A_647 = arith.index_cast %add3A_646 : i32 to index
        %get3A_648 = arith.constant 32 : index
        %get3A_649 = tpu.vector_load %arg8[%get3A_647, %get3A_648] {strides = array<i32>} : memref<1280x64xf32, #tpu.memory_space<vmem>>, vector<1x16xf32>,
        %get3A_650 = vector.shape_cast %get3A_649 : vector<1x16xf32> to vector<16xf32>
        %max3A_651 = arith.maximumf %max3A_611, %get3A_650 : vector<16xf32>
        %add3A_652 = arith.addf %add3A_612, %get3A_650 : vector<16xf32>
        %mul3A_653 = arith.mulf %get3A_650, %get3A_650 : vector<16xf32>
        %add3A_654 = arith.addf %add3A_614, %mul3A_653 : vector<16xf32>
        %add3A_655 = arith.constant 14 : i32
        %add3A_656 = arith.addi %mul3A_58, %add3A_655 : i32
        %get3A_657 = arith.index_cast %add3A_656 : i32 to index
        %get3A_658 = arith.constant 48 : index
        %get3A_659 = tpu.vector_load %arg8[%get3A_657, %get3A_658] {strides = array<i32>} : memref<1280x64xf32, #tpu.memory_space<vmem>>, vector<1x16xf32>,
        %get3A_660 = vector.shape_cast %get3A_659 : vector<1x16xf32> to vector<16xf32>
        %max3A_661 = arith.maximumf %max3A_621, %get3A_660 : vector<16xf32>
        %add3A_662 = arith.addf %add3A_622, %get3A_660 : vector<16xf32>
        %mul3A_663 = arith.mulf %get3A_660, %get3A_660 : vector<16xf32>
        %add3A_664 = arith.addf %add3A_624, %mul3A_663 : vector<16xf32>
        %add3A_665 = arith.constant 15 : i32
        %add3A_666 = arith.addi %mul3A_58, %add3A_665 : i32
        %get3A_667 = arith.index_cast %add3A_666 : i32 to index
        %get3A_668 = arith.constant 0 : index
        %get3A_669 = tpu.vector_load %arg8[%get3A_667, %get3A_668] {strides = array<i32>} : memref<1280x64xf32, #tpu.memory_space<vmem>>, vector<1x16xf32>,
        %get3A_670 = vector.shape_cast %get3A_669 : vector<1x16xf32> to vector<16xf32>
        %max3A_671 = arith.maximumf %max3A_631, %get3A_670 : vector<16xf32>
        %add3A_672 = arith.addf %add3A_632, %get3A_670 : vector<16xf32>
        %mul3A_673 = arith.mulf %get3A_670, %get3A_670 : vector<16xf32>
        %add3A_674 = arith.addf %add3A_634, %mul3A_673 : vector<16xf32>
        %add3A_675 = arith.constant 15 : i32
        %add3A_676 = arith.addi %mul3A_58, %add3A_675 : i32
        %get3A_677 = arith.index_cast %add3A_676 : i32 to index
        %get3A_678 = arith.constant 16 : index
        %get3A_679 = tpu.vector_load %arg8[%get3A_677, %get3A_678] {strides = array<i32>} : memref<1280x64xf32, #tpu.memory_space<vmem>>, vector<1x16xf32>,
        %get3A_680 = vector.shape_cast %get3A_679 : vector<1x16xf32> to vector<16xf32>
        %max3A_681 = arith.maximumf %max3A_641, %get3A_680 : vector<16xf32>
        %add3A_682 = arith.addf %add3A_642, %get3A_680 : vector<16xf32>
        %mul3A_683 = arith.mulf %get3A_680, %get3A_680 : vector<16xf32>
        %add3A_684 = arith.addf %add3A_644, %mul3A_683 : vector<16xf32>
        %add3A_685 = arith.constant 15 : i32
        %add3A_686 = arith.addi %mul3A_58, %add3A_685 : i32
        %get3A_687 = arith.index_cast %add3A_686 : i32 to index
        %get3A_688 = arith.constant 32 : index
        %get3A_689 = tpu.vector_load %arg8[%get3A_687, %get3A_688] {strides = array<i32>} : memref<1280x64xf32, #tpu.memory_space<vmem>>, vector<1x16xf32>,
        %get3A_690 = vector.shape_cast %get3A_689 : vector<1x16xf32> to vector<16xf32>
        %max3A_691 = arith.maximumf %max3A_651, %get3A_690 : vector<16xf32>
        %add3A_692 = arith.addf %add3A_652, %get3A_690 : vector<16xf32>
        %mul3A_693 = arith.mulf %get3A_690, %get3A_690 : vector<16xf32>
        %add3A_694 = arith.addf %add3A_654, %mul3A_693 : vector<16xf32>
        %add3A_695 = arith.constant 15 : i32
        %add3A_696 = arith.addi %mul3A_58, %add3A_695 : i32
        %get3A_697 = arith.index_cast %add3A_696 : i32 to index
        %get3A_698 = arith.constant 48 : index
        %get3A_699 = tpu.vector_load %arg8[%get3A_697, %get3A_698] {strides = array<i32>} : memref<1280x64xf32, #tpu.memory_space<vmem>>, vector<1x16xf32>,
        %get3A_700 = vector.shape_cast %get3A_699 : vector<1x16xf32> to vector<16xf32>
        %max3A_701 = arith.maximumf %max3A_661, %get3A_700 : vector<16xf32>
        %add3A_702 = arith.addf %add3A_662, %get3A_700 : vector<16xf32>
        %mul3A_703 = arith.mulf %get3A_700, %get3A_700 : vector<16xf32>
        %add3A_704 = arith.addf %add3A_664, %mul3A_703 : vector<16xf32>
        %add3A_705 = arith.constant 16 : i32
        %add3A_706 = arith.addi %mul3A_58, %add3A_705 : i32
        %get3A_707 = arith.index_cast %add3A_706 : i32 to index
        %get3A_708 = arith.constant 0 : index
        %get3A_709 = tpu.vector_load %arg8[%get3A_707, %get3A_708] {strides = array<i32>} : memref<1280x64xf32, #tpu.memory_space<vmem>>, vector<1x16xf32>,
        %get3A_710 = vector.shape_cast %get3A_709 : vector<1x16xf32> to vector<16xf32>
        %max3A_711 = arith.maximumf %max3A_671, %get3A_710 : vector<16xf32>
        %add3A_712 = arith.addf %add3A_672, %get3A_710 : vector<16xf32>
        %mul3A_713 = arith.mulf %get3A_710, %get3A_710 : vector<16xf32>
        %add3A_714 = arith.addf %add3A_674, %mul3A_713 : vector<16xf32>
        %add3A_715 = arith.constant 16 : i32
        %add3A_716 = arith.addi %mul3A_58, %add3A_715 : i32
        %get3A_717 = arith.index_cast %add3A_716 : i32 to index
        %get3A_718 = arith.constant 16 : index
        %get3A_719 = tpu.vector_load %arg8[%get3A_717, %get3A_718] {strides = array<i32>} : memref<1280x64xf32, #tpu.memory_space<vmem>>, vector<1x16xf32>,
        %get3A_720 = vector.shape_cast %get3A_719 : vector<1x16xf32> to vector<16xf32>
        %max3A_721 = arith.maximumf %max3A_681, %get3A_720 : vector<16xf32>
        %add3A_722 = arith.addf %add3A_682, %get3A_720 : vector<16xf32>
        %mul3A_723 = arith.mulf %get3A_720, %get3A_720 : vector<16xf32>
        %add3A_724 = arith.addf %add3A_684, %mul3A_723 : vector<16xf32>
        %add3A_725 = arith.constant 16 : i32
        %add3A_726 = arith.addi %mul3A_58, %add3A_725 : i32
        %get3A_727 = arith.index_cast %add3A_726 : i32 to index
        %get3A_728 = arith.constant 32 : index
        %get3A_729 = tpu.vector_load %arg8[%get3A_727, %get3A_728] {strides = array<i32>} : memref<1280x64xf32, #tpu.memory_space<vmem>>, vector<1x16xf32>,
        %get3A_730 = vector.shape_cast %get3A_729 : vector<1x16xf32> to vector<16xf32>
        %max3A_731 = arith.maximumf %max3A_691, %get3A_730 : vector<16xf32>
        %add3A_732 = arith.addf %add3A_692, %get3A_730 : vector<16xf32>
        %mul3A_733 = arith.mulf %get3A_730, %get3A_730 : vector<16xf32>
        %add3A_734 = arith.addf %add3A_694, %mul3A_733 : vector<16xf32>
        %add3A_735 = arith.constant 16 : i32
        %add3A_736 = arith.addi %mul3A_58, %add3A_735 : i32
        %get3A_737 = arith.index_cast %add3A_736 : i32 to index
        %get3A_738 = arith.constant 48 : index
        %get3A_739 = tpu.vector_load %arg8[%get3A_737, %get3A_738] {strides = array<i32>} : memref<1280x64xf32, #tpu.memory_space<vmem>>, vector<1x16xf32>,
        %get3A_740 = vector.shape_cast %get3A_739 : vector<1x16xf32> to vector<16xf32>
        %max3A_741 = arith.maximumf %max3A_701, %get3A_740 : vector<16xf32>
        %add3A_742 = arith.addf %add3A_702, %get3A_740 : vector<16xf32>
        %mul3A_743 = arith.mulf %get3A_740, %get3A_740 : vector<16xf32>
        %add3A_744 = arith.addf %add3A_704, %mul3A_743 : vector<16xf32>
        %add3A_745 = arith.constant 17 : i32
        %add3A_746 = arith.addi %mul3A_58, %add3A_745 : i32
        %get3A_747 = arith.index_cast %add3A_746 : i32 to index
        %get3A_748 = arith.constant 0 : index
        %get3A_749 = tpu.vector_load %arg8[%get3A_747, %get3A_748] {strides = array<i32>} : memref<1280x64xf32, #tpu.memory_space<vmem>>, vector<1x16xf32>,
        %get3A_750 = vector.shape_cast %get3A_749 : vector<1x16xf32> to vector<16xf32>
        %max3A_751 = arith.maximumf %max3A_711, %get3A_750 : vector<16xf32>
        %add3A_752 = arith.addf %add3A_712, %get3A_750 : vector<16xf32>
        %mul3A_753 = arith.mulf %get3A_750, %get3A_750 : vector<16xf32>
        %add3A_754 = arith.addf %add3A_714, %mul3A_753 : vector<16xf32>
        %add3A_755 = arith.constant 17 : i32
        %add3A_756 = arith.addi %mul3A_58, %add3A_755 : i32
        %get3A_757 = arith.index_cast %add3A_756 : i32 to index
        %get3A_758 = arith.constant 16 : index
        %get3A_759 = tpu.vector_load %arg8[%get3A_757, %get3A_758] {strides = array<i32>} : memref<1280x64xf32, #tpu.memory_space<vmem>>, vector<1x16xf32>,
        %get3A_760 = vector.shape_cast %get3A_759 : vector<1x16xf32> to vector<16xf32>
        %max3A_761 = arith.maximumf %max3A_721, %get3A_760 : vector<16xf32>
        %add3A_762 = arith.addf %add3A_722, %get3A_760 : vector<16xf32>
        %mul3A_763 = arith.mulf %get3A_760, %get3A_760 : vector<16xf32>
        %add3A_764 = arith.addf %add3A_724, %mul3A_763 : vector<16xf32>
        %add3A_765 = arith.constant 17 : i32
        %add3A_766 = arith.addi %mul3A_58, %add3A_765 : i32
        %get3A_767 = arith.index_cast %add3A_766 : i32 to index
        %get3A_768 = arith.constant 32 : index
        %get3A_769 = tpu.vector_load %arg8[%get3A_767, %get3A_768] {strides = array<i32>} : memref<1280x64xf32, #tpu.memory_space<vmem>>, vector<1x16xf32>,
        %get3A_770 = vector.shape_cast %get3A_769 : vector<1x16xf32> to vector<16xf32>
        %max3A_771 = arith.maximumf %max3A_731, %get3A_770 : vector<16xf32>
        %add3A_772 = arith.addf %add3A_732, %get3A_770 : vector<16xf32>
        %mul3A_773 = arith.mulf %get3A_770, %get3A_770 : vector<16xf32>
        %add3A_774 = arith.addf %add3A_734, %mul3A_773 : vector<16xf32>
        %add3A_775 = arith.constant 17 : i32
        %add3A_776 = arith.addi %mul3A_58, %add3A_775 : i32
        %get3A_777 = arith.index_cast %add3A_776 : i32 to index
        %get3A_778 = arith.constant 48 : index
        %get3A_779 = tpu.vector_load %arg8[%get3A_777, %get3A_778] {strides = array<i32>} : memref<1280x64xf32, #tpu.memory_space<vmem>>, vector<1x16xf32>,
        %get3A_780 = vector.shape_cast %get3A_779 : vector<1x16xf32> to vector<16xf32>
        %max3A_781 = arith.maximumf %max3A_741, %get3A_780 : vector<16xf32>
        %add3A_782 = arith.addf %add3A_742, %get3A_780 : vector<16xf32>
        %mul3A_783 = arith.mulf %get3A_780, %get3A_780 : vector<16xf32>
        %add3A_784 = arith.addf %add3A_744, %mul3A_783 : vector<16xf32>
        %add3A_785 = arith.constant 18 : i32
        %add3A_786 = arith.addi %mul3A_58, %add3A_785 : i32
        %get3A_787 = arith.index_cast %add3A_786 : i32 to index
        %get3A_788 = arith.constant 0 : index
        %get3A_789 = tpu.vector_load %arg8[%get3A_787, %get3A_788] {strides = array<i32>} : memref<1280x64xf32, #tpu.memory_space<vmem>>, vector<1x16xf32>,
        %get3A_790 = vector.shape_cast %get3A_789 : vector<1x16xf32> to vector<16xf32>
        %max3A_791 = arith.maximumf %max3A_751, %get3A_790 : vector<16xf32>
        %add3A_792 = arith.addf %add3A_752, %get3A_790 : vector<16xf32>
        %mul3A_793 = arith.mulf %get3A_790, %get3A_790 : vector<16xf32>
        %add3A_794 = arith.addf %add3A_754, %mul3A_793 : vector<16xf32>
        %add3A_795 = arith.constant 18 : i32
        %add3A_796 = arith.addi %mul3A_58, %add3A_795 : i32
        %get3A_797 = arith.index_cast %add3A_796 : i32 to index
        %get3A_798 = arith.constant 16 : index
        %get3A_799 = tpu.vector_load %arg8[%get3A_797, %get3A_798] {strides = array<i32>} : memref<1280x64xf32, #tpu.memory_space<vmem>>, vector<1x16xf32>,
        %get3A_800 = vector.shape_cast %get3A_799 : vector<1x16xf32> to vector<16xf32>
        %max3A_801 = arith.maximumf %max3A_761, %get3A_800 : vector<16xf32>
        %add3A_802 = arith.addf %add3A_762, %get3A_800 : vector<16xf32>
        %mul3A_803 = arith.mulf %get3A_800, %get3A_800 : vector<16xf32>
        %add3A_804 = arith.addf %add3A_764, %mul3A_803 : vector<16xf32>
        %add3A_805 = arith.constant 18 : i32
        %add3A_806 = arith.addi %mul3A_58, %add3A_805 : i32
        %get3A_807 = arith.index_cast %add3A_806 : i32 to index
        %get3A_808 = arith.constant 32 : index
        %get3A_809 = tpu.vector_load %arg8[%get3A_807, %get3A_808] {strides = array<i32>} : memref<1280x64xf32, #tpu.memory_space<vmem>>, vector<1x16xf32>,
        %get3A_810 = vector.shape_cast %get3A_809 : vector<1x16xf32> to vector<16xf32>
        %max3A_811 = arith.maximumf %max3A_771, %get3A_810 : vector<16xf32>
        %add3A_812 = arith.addf %add3A_772, %get3A_810 : vector<16xf32>
        %mul3A_813 = arith.mulf %get3A_810, %get3A_810 : vector<16xf32>
        %add3A_814 = arith.addf %add3A_774, %mul3A_813 : vector<16xf32>
        %add3A_815 = arith.constant 18 : i32
        %add3A_816 = arith.addi %mul3A_58, %add3A_815 : i32
        %get3A_817 = arith.index_cast %add3A_816 : i32 to index
        %get3A_818 = arith.constant 48 : index
        %get3A_819 = tpu.vector_load %arg8[%get3A_817, %get3A_818] {strides = array<i32>} : memref<1280x64xf32, #tpu.memory_space<vmem>>, vector<1x16xf32>,
        %get3A_820 = vector.shape_cast %get3A_819 : vector<1x16xf32> to vector<16xf32>
        %max3A_821 = arith.maximumf %max3A_781, %get3A_820 : vector<16xf32>
        %add3A_822 = arith.addf %add3A_782, %get3A_820 : vector<16xf32>
        %mul3A_823 = arith.mulf %get3A_820, %get3A_820 : vector<16xf32>
        %add3A_824 = arith.addf %add3A_784, %mul3A_823 : vector<16xf32>
        %add3A_825 = arith.constant 19 : i32
        %add3A_826 = arith.addi %mul3A_58, %add3A_825 : i32
        %get3A_827 = arith.index_cast %add3A_826 : i32 to index
        %get3A_828 = arith.constant 0 : index
        %get3A_829 = tpu.vector_load %arg8[%get3A_827, %get3A_828] {strides = array<i32>} : memref<1280x64xf32, #tpu.memory_space<vmem>>, vector<1x16xf32>,
        %get3A_830 = vector.shape_cast %get3A_829 : vector<1x16xf32> to vector<16xf32>
        %max3A_831 = arith.maximumf %max3A_791, %get3A_830 : vector<16xf32>
        %add3A_832 = arith.addf %add3A_792, %get3A_830 : vector<16xf32>
        %mul3A_833 = arith.mulf %get3A_830, %get3A_830 : vector<16xf32>
        %add3A_834 = arith.addf %add3A_794, %mul3A_833 : vector<16xf32>
        %add3A_835 = arith.constant 19 : i32
        %add3A_836 = arith.addi %mul3A_58, %add3A_835 : i32
        %get3A_837 = arith.index_cast %add3A_836 : i32 to index
        %get3A_838 = arith.constant 16 : index
        %get3A_839 = tpu.vector_load %arg8[%get3A_837, %get3A_838] {strides = array<i32>} : memref<1280x64xf32, #tpu.memory_space<vmem>>, vector<1x16xf32>,
        %get3A_840 = vector.shape_cast %get3A_839 : vector<1x16xf32> to vector<16xf32>
        %max3A_841 = arith.maximumf %max3A_801, %get3A_840 : vector<16xf32>
        %add3A_842 = arith.addf %add3A_802, %get3A_840 : vector<16xf32>
        %mul3A_843 = arith.mulf %get3A_840, %get3A_840 : vector<16xf32>
        %add3A_844 = arith.addf %add3A_804, %mul3A_843 : vector<16xf32>
        %add3A_845 = arith.constant 19 : i32
        %add3A_846 = arith.addi %mul3A_58, %add3A_845 : i32
        %get3A_847 = arith.index_cast %add3A_846 : i32 to index
        %get3A_848 = arith.constant 32 : index
        %get3A_849 = tpu.vector_load %arg8[%get3A_847, %get3A_848] {strides = array<i32>} : memref<1280x64xf32, #tpu.memory_space<vmem>>, vector<1x16xf32>,
        %get3A_850 = vector.shape_cast %get3A_849 : vector<1x16xf32> to vector<16xf32>
        %max3A_851 = arith.maximumf %max3A_811, %get3A_850 : vector<16xf32>
        %add3A_852 = arith.addf %add3A_812, %get3A_850 : vector<16xf32>
        %mul3A_853 = arith.mulf %get3A_850, %get3A_850 : vector<16xf32>
        %add3A_854 = arith.addf %add3A_814, %mul3A_853 : vector<16xf32>
        %add3A_855 = arith.constant 19 : i32
        %add3A_856 = arith.addi %mul3A_58, %add3A_855 : i32
        %get3A_857 = arith.index_cast %add3A_856 : i32 to index
        %get3A_858 = arith.constant 48 : index
        %get3A_859 = tpu.vector_load %arg8[%get3A_857, %get3A_858] {strides = array<i32>} : memref<1280x64xf32, #tpu.memory_space<vmem>>, vector<1x16xf32>,
        %get3A_860 = vector.shape_cast %get3A_859 : vector<1x16xf32> to vector<16xf32>
        %max3A_861 = arith.maximumf %max3A_821, %get3A_860 : vector<16xf32>
        %add3A_862 = arith.addf %add3A_822, %get3A_860 : vector<16xf32>
        %mul3A_863 = arith.mulf %get3A_860, %get3A_860 : vector<16xf32>
        %add3A_864 = arith.addf %add3A_824, %mul3A_863 : vector<16xf32>
        %swap3A_865 = arith.index_cast %scan3A_52 : i32 to index
        %swap3A_866 = arith.constant 0 : index
        %swap3A_867 = tpu.vector_load %arg9[%swap3A_865, %swap3A_866] {strides = array<i32>} : memref<128x64xf32, #tpu.memory_space<vmem>>, vector<1x16xf32>,
        %swap3A_868 = vector.shape_cast %swap3A_867 : vector<1x16xf32> to vector<16xf32>
        %swap3A_869 = vector.shape_cast %max3A_831 : vector<16xf32> to vector<1x16xf32>
        tpu.vector_store %arg9[%swap3A_865, %swap3A_866], %swap3A_869 {strides = array<i32>} : memref<128x64xf32, #tpu.memory_space<vmem>>, vector<1x16xf32>,
        %add3A_870 = arith.constant 64 : i32
        %add3A_871 = arith.addi %scan3A_52, %add3A_870 : i32
        %swap3A_872 = arith.index_cast %add3A_871 : i32 to index
        %swap3A_873 = arith.constant 0 : index
        %swap3A_874 = tpu.vector_load %arg9[%swap3A_872, %swap3A_873] {strides = array<i32>} : memref<128x64xf32, #tpu.memory_space<vmem>>, vector<1x16xf32>,
        %swap3A_875 = vector.shape_cast %swap3A_874 : vector<1x16xf32> to vector<16xf32>
        %swap3A_876 = vector.shape_cast %add3A_832 : vector<16xf32> to vector<1x16xf32>
        tpu.vector_store %arg9[%swap3A_872, %swap3A_873], %swap3A_876 {strides = array<i32>} : memref<128x64xf32, #tpu.memory_space<vmem>>, vector<1x16xf32>,
        %swap3A_877 = arith.index_cast %scan3A_52 : i32 to index
        %swap3A_878 = arith.constant 16 : index
        %swap3A_879 = tpu.vector_load %arg9[%swap3A_877, %swap3A_878] {strides = array<i32>} : memref<128x64xf32, #tpu.memory_space<vmem>>, vector<1x16xf32>,
        %swap3A_880 = vector.shape_cast %swap3A_879 : vector<1x16xf32> to vector<16xf32>
        %swap3A_881 = vector.shape_cast %max3A_841 : vector<16xf32> to vector<1x16xf32>
        tpu.vector_store %arg9[%swap3A_877, %swap3A_878], %swap3A_881 {strides = array<i32>} : memref<128x64xf32, #tpu.memory_space<vmem>>, vector<1x16xf32>,
        %add3A_882 = arith.constant 64 : i32
        %add3A_883 = arith.addi %scan3A_52, %add3A_882 : i32
        %swap3A_884 = arith.index_cast %add3A_883 : i32 to index
        %swap3A_885 = arith.constant 16 : index
        %swap3A_886 = tpu.vector_load %arg9[%swap3A_884, %swap3A_885] {strides = array<i32>} : memref<128x64xf32, #tpu.memory_space<vmem>>, vector<1x16xf32>,
        %swap3A_887 = vector.shape_cast %swap3A_886 : vector<1x16xf32> to vector<16xf32>
        %swap3A_888 = vector.shape_cast %add3A_842 : vector<16xf32> to vector<1x16xf32>
        tpu.vector_store %arg9[%swap3A_884, %swap3A_885], %swap3A_888 {strides = array<i32>} : memref<128x64xf32, #tpu.memory_space<vmem>>, vector<1x16xf32>,
        %swap3A_889 = arith.index_cast %scan3A_52 : i32 to index
        %swap3A_890 = arith.constant 32 : index
        %swap3A_891 = tpu.vector_load %arg9[%swap3A_889, %swap3A_890] {strides = array<i32>} : memref<128x64xf32, #tpu.memory_space<vmem>>, vector<1x16xf32>,
        %swap3A_892 = vector.shape_cast %swap3A_891 : vector<1x16xf32> to vector<16xf32>
        %swap3A_893 = vector.shape_cast %max3A_851 : vector<16xf32> to vector<1x16xf32>
        tpu.vector_store %arg9[%swap3A_889, %swap3A_890], %swap3A_893 {strides = array<i32>} : memref<128x64xf32, #tpu.memory_space<vmem>>, vector<1x16xf32>,
        %add3A_894 = arith.constant 64 : i32
        %add3A_895 = arith.addi %scan3A_52, %add3A_894 : i32
        %swap3A_896 = arith.index_cast %add3A_895 : i32 to index
        %swap3A_897 = arith.constant 32 : index
        %swap3A_898 = tpu.vector_load %arg9[%swap3A_896, %swap3A_897] {strides = array<i32>} : memref<128x64xf32, #tpu.memory_space<vmem>>, vector<1x16xf32>,
        %swap3A_899 = vector.shape_cast %swap3A_898 : vector<1x16xf32> to vector<16xf32>
        %swap3A_900 = vector.shape_cast %add3A_852 : vector<16xf32> to vector<1x16xf32>
        tpu.vector_store %arg9[%swap3A_896, %swap3A_897], %swap3A_900 {strides = array<i32>} : memref<128x64xf32, #tpu.memory_space<vmem>>, vector<1x16xf32>,
        %swap3A_901 = arith.index_cast %scan3A_52 : i32 to index
        %swap3A_902 = arith.constant 48 : index
        %swap3A_903 = tpu.vector_load %arg9[%swap3A_901, %swap3A_902] {strides = array<i32>} : memref<128x64xf32, #tpu.memory_space<vmem>>, vector<1x16xf32>,
        %swap3A_904 = vector.shape_cast %swap3A_903 : vector<1x16xf32> to vector<16xf32>
        %swap3A_905 = vector.shape_cast %max3A_861 : vector<16xf32> to vector<1x16xf32>
        tpu.vector_store %arg9[%swap3A_901, %swap3A_902], %swap3A_905 {strides = array<i32>} : memref<128x64xf32, #tpu.memory_space<vmem>>, vector<1x16xf32>,
        %add3A_906 = arith.constant 64 : i32
        %add3A_907 = arith.addi %scan3A_52, %add3A_906 : i32
        %swap3A_908 = arith.index_cast %add3A_907 : i32 to index
        %swap3A_909 = arith.constant 48 : index
        %swap3A_910 = tpu.vector_load %arg9[%swap3A_908, %swap3A_909] {strides = array<i32>} : memref<128x64xf32, #tpu.memory_space<vmem>>, vector<1x16xf32>,
        %swap3A_911 = vector.shape_cast %swap3A_910 : vector<1x16xf32> to vector<16xf32>
        %swap3A_912 = vector.shape_cast %add3A_862 : vector<16xf32> to vector<1x16xf32>
        tpu.vector_store %arg9[%swap3A_908, %swap3A_909], %swap3A_912 {strides = array<i32>} : memref<128x64xf32, #tpu.memory_space<vmem>>, vector<1x16xf32>,
        scf.yield %add3A_834, %add3A_844, %add3A_854, %add3A_864 : vector<16xf32>, vector<16xf32>, vector<16xf32>, vector<16xf32>
      }
      %scan3A_51 = arith.constant 64 : i32
      "tpu.region"() ({
        %run_scoped3A = tpu.sem_alloc : memref<!tpu.dma_semaphore, #tpu.memory_space<semaphore_mem>>
        %dma_start3A_52 = arith.constant 0 : i32
        %dma_start3A_53 = arith.constant 0 : i32
        %dma_start3A_54 = tpu.memref_slice %arg9[%dma_start3A_52, %dma_start3A_53] : memref<128x64xf32, #tpu.memory_space<vmem>> -> memref<64x64xf32, #tpu.memory_space<vmem>>
        %dma_start3A_55 = arith.constant 0 : i32
        %dma_start3A_56 = tpu.memref_slice %arg4[%add3A_39, %dma_start3A_55] : memref<16384x64xf32, #tpu.memory_space<hbm>> -> memref<64x64xf32, #tpu.memory_space<hbm>>
        %dma_start3A_57 = arith.constant 0 : i32
        %dma_start3A_58 = tpu.memref_slice %arg4[%add3A_39, %dma_start3A_57] : memref<16384x64xf32, #tpu.memory_space<hbm>> -> memref<64x64xf32, #tpu.memory_space<hbm>>
        %dma_start3A_59 = arith.constant 0 : i32
        %dma_start3A_60 = arith.constant 0 : i32
        %dma_start3A_61 = tpu.memref_slice %arg9[%dma_start3A_59, %dma_start3A_60] : memref<128x64xf32, #tpu.memory_space<vmem>> -> memref<64x64xf32, #tpu.memory_space<vmem>>
        tpu.enqueue_dma source(%dma_start3A_61 : memref<64x64xf32, #tpu.memory_space<vmem>>) target(%dma_start3A_58 : memref<64x64xf32, #tpu.memory_space<hbm>>) target_semaphore(%run_scoped3A : memref<!tpu.dma_semaphore, #tpu.memory_space<semaphore_mem>>)
        %dma_wait3A_62 = arith.constant 0 : i32
        %dma_wait3A_63 = arith.constant 0 : i32
        %dma_wait3A_64 = tpu.memref_slice %arg9[%dma_wait3A_62, %dma_wait3A_63] : memref<128x64xf32, #tpu.memory_space<vmem>> -> memref<64x64xf32, #tpu.memory_space<vmem>>
        %dma_wait3A_65 = arith.constant 0 : i32
        %dma_wait3A_66 = tpu.memref_slice %arg4[%add3A_39, %dma_wait3A_65] : memref<16384x64xf32, #tpu.memory_space<hbm>> -> memref<64x64xf32, #tpu.memory_space<hbm>>
        %dma_wait3A_67 = arith.constant 0 : i32
        %dma_wait3A_68 = tpu.memref_slice %arg4[%add3A_39, %dma_wait3A_67] : memref<16384x64xf32, #tpu.memory_space<hbm>> -> memref<64x64xf32, #tpu.memory_space<hbm>>
        %dma_wait3A_69 = arith.constant 0 : i32
        %dma_wait3A_70 = arith.constant 0 : i32
        %dma_wait3A_71 = tpu.memref_slice %arg9[%dma_wait3A_69, %dma_wait3A_70] : memref<128x64xf32, #tpu.memory_space<vmem>> -> memref<64x64xf32, #tpu.memory_space<vmem>>
        tpu.wait_dma2 semaphore(%run_scoped3A : memref<!tpu.dma_semaphore, #tpu.memory_space<semaphore_mem>>) src(%dma_wait3A_71 : memref<64x64xf32, #tpu.memory_space<vmem>>) dst(%dma_wait3A_68 : memref<64x64xf32, #tpu.memory_space<hbm>>)
        tpu.yield
      }) : () -> ()
      "tpu.region"() ({
        %run_scoped3A = tpu.sem_alloc : memref<!tpu.dma_semaphore, #tpu.memory_space<semaphore_mem>>
        %dma_start3A_52 = arith.constant 64 : i32
        %dma_start3A_53 = arith.constant 0 : i32
        %dma_start3A_54 = tpu.memref_slice %arg9[%dma_start3A_52, %dma_start3A_53] : memref<128x64xf32, #tpu.memory_space<vmem>> -> memref<64x64xf32, #tpu.memory_space<vmem>>
        %dma_start3A_55 = arith.constant 0 : i32
        %dma_start3A_56 = tpu.memref_slice %arg5[%add3A_39, %dma_start3A_55] : memref<16384x64xf32, #tpu.memory_space<hbm>> -> memref<64x64xf32, #tpu.memory_space<hbm>>
        %dma_start3A_57 = arith.constant 0 : i32
        %dma_start3A_58 = tpu.memref_slice %arg5[%add3A_39, %dma_start3A_57] : memref<16384x64xf32, #tpu.memory_space<hbm>> -> memref<64x64xf32, #tpu.memory_space<hbm>>
        %dma_start3A_59 = arith.constant 64 : i32
        %dma_start3A_60 = arith.constant 0 : i32
        %dma_start3A_61 = tpu.memref_slice %arg9[%dma_start3A_59, %dma_start3A_60] : memref<128x64xf32, #tpu.memory_space<vmem>> -> memref<64x64xf32, #tpu.memory_space<vmem>>
        tpu.enqueue_dma source(%dma_start3A_61 : memref<64x64xf32, #tpu.memory_space<vmem>>) target(%dma_start3A_58 : memref<64x64xf32, #tpu.memory_space<hbm>>) target_semaphore(%run_scoped3A : memref<!tpu.dma_semaphore, #tpu.memory_space<semaphore_mem>>)
        %dma_wait3A_62 = arith.constant 64 : i32
        %dma_wait3A_63 = arith.constant 0 : i32
        %dma_wait3A_64 = tpu.memref_slice %arg9[%dma_wait3A_62, %dma_wait3A_63] : memref<128x64xf32, #tpu.memory_space<vmem>> -> memref<64x64xf32, #tpu.memory_space<vmem>>
        %dma_wait3A_65 = arith.constant 0 : i32
        %dma_wait3A_66 = tpu.memref_slice %arg5[%add3A_39, %dma_wait3A_65] : memref<16384x64xf32, #tpu.memory_space<hbm>> -> memref<64x64xf32, #tpu.memory_space<hbm>>
        %dma_wait3A_67 = arith.constant 0 : i32
        %dma_wait3A_68 = tpu.memref_slice %arg5[%add3A_39, %dma_wait3A_67] : memref<16384x64xf32, #tpu.memory_space<hbm>> -> memref<64x64xf32, #tpu.memory_space<hbm>>
        %dma_wait3A_69 = arith.constant 64 : i32
        %dma_wait3A_70 = arith.constant 0 : i32
        %dma_wait3A_71 = tpu.memref_slice %arg9[%dma_wait3A_69, %dma_wait3A_70] : memref<128x64xf32, #tpu.memory_space<vmem>> -> memref<64x64xf32, #tpu.memory_space<vmem>>
        tpu.wait_dma2 semaphore(%run_scoped3A : memref<!tpu.dma_semaphore, #tpu.memory_space<semaphore_mem>>) src(%dma_wait3A_71 : memref<64x64xf32, #tpu.memory_space<vmem>>) dst(%dma_wait3A_68 : memref<64x64xf32, #tpu.memory_space<hbm>>)
        tpu.yield
      }) : () -> ()
      scf.yield %scan3A_50#0, %scan3A_50#1, %scan3A_50#2, %scan3A_50#3 : vector<16xf32>, vector<16xf32>, vector<16xf32>, vector<16xf32>
    }
    %scan3A_6 = arith.constant 8 : i32
    %swap3A = arith.constant 0 : i32
    %swap3A_7 = arith.index_cast %swap3A : i32 to index
    %swap3A_8 = arith.constant 0 : index
    %swap3A_9 = tpu.vector_load %arg10[%swap3A_7, %swap3A_8] {strides = array<i32>} : memref<1x64xf32, #tpu.memory_space<vmem>>, vector<1x16xf32>,
    %swap3A_10 = vector.shape_cast %swap3A_9 : vector<1x16xf32> to vector<16xf32>
    %swap3A_11 = vector.shape_cast %scan3A_5#0 : vector<16xf32> to vector<1x16xf32>
    tpu.vector_store %arg10[%swap3A_7, %swap3A_8], %swap3A_11 {strides = array<i32>} : memref<1x64xf32, #tpu.memory_space<vmem>>, vector<1x16xf32>,
    %swap3A_12 = arith.constant 0 : i32
    %swap3A_13 = arith.index_cast %swap3A_12 : i32 to index
    %swap3A_14 = arith.constant 16 : index
    %swap3A_15 = tpu.vector_load %arg10[%swap3A_13, %swap3A_14] {strides = array<i32>} : memref<1x64xf32, #tpu.memory_space<vmem>>, vector<1x16xf32>,
    %swap3A_16 = vector.shape_cast %swap3A_15 : vector<1x16xf32> to vector<16xf32>
    %swap3A_17 = vector.shape_cast %scan3A_5#1 : vector<16xf32> to vector<1x16xf32>
    tpu.vector_store %arg10[%swap3A_13, %swap3A_14], %swap3A_17 {strides = array<i32>} : memref<1x64xf32, #tpu.memory_space<vmem>>, vector<1x16xf32>,
    %swap3A_18 = arith.constant 0 : i32
    %swap3A_19 = arith.index_cast %swap3A_18 : i32 to index
    %swap3A_20 = arith.constant 32 : index
    %swap3A_21 = tpu.vector_load %arg10[%swap3A_19, %swap3A_20] {strides = array<i32>} : memref<1x64xf32, #tpu.memory_space<vmem>>, vector<1x16xf32>,
    %swap3A_22 = vector.shape_cast %swap3A_21 : vector<1x16xf32> to vector<16xf32>
    %swap3A_23 = vector.shape_cast %scan3A_5#2 : vector<16xf32> to vector<1x16xf32>
    tpu.vector_store %arg10[%swap3A_19, %swap3A_20], %swap3A_23 {strides = array<i32>} : memref<1x64xf32, #tpu.memory_space<vmem>>, vector<1x16xf32>,
    %swap3A_24 = arith.constant 0 : i32
    %swap3A_25 = arith.index_cast %swap3A_24 : i32 to index
    %swap3A_26 = arith.constant 48 : index
    %swap3A_27 = tpu.vector_load %arg10[%swap3A_25, %swap3A_26] {strides = array<i32>} : memref<1x64xf32, #tpu.memory_space<vmem>>, vector<1x16xf32>,
    %swap3A_28 = vector.shape_cast %swap3A_27 : vector<1x16xf32> to vector<16xf32>
    %swap3A_29 = vector.shape_cast %scan3A_5#3 : vector<16xf32> to vector<1x16xf32>
    tpu.vector_store %arg10[%swap3A_25, %swap3A_26], %swap3A_29 {strides = array<i32>} : memref<1x64xf32, #tpu.memory_space<vmem>>, vector<1x16xf32>,
    "tpu.region"() ({
      %run_scoped3A = tpu.sem_alloc : memref<!tpu.dma_semaphore, #tpu.memory_space<semaphore_mem>>
      %dma_start3A = arith.constant 0 : i32
      %dma_start3A_30 = tpu.memref_slice %arg6[%add3A, %dma_start3A] : memref<32x64xf32, #tpu.memory_space<hbm>> -> memref<1x64xf32, #tpu.memory_space<hbm>>
      %dma_start3A_31 = arith.constant 0 : i32
      %dma_start3A_32 = tpu.memref_slice %arg6[%add3A, %dma_start3A_31] : memref<32x64xf32, #tpu.memory_space<hbm>> -> memref<1x64xf32, #tpu.memory_space<hbm>>
      tpu.enqueue_dma source(%arg10 : memref<1x64xf32, #tpu.memory_space<vmem>>) target(%dma_start3A_32 : memref<1x64xf32, #tpu.memory_space<hbm>>) target_semaphore(%run_scoped3A : memref<!tpu.dma_semaphore, #tpu.memory_space<semaphore_mem>>)
      %dma_wait3A = arith.constant 0 : i32
      %dma_wait3A_33 = tpu.memref_slice %arg6[%add3A, %dma_wait3A] : memref<32x64xf32, #tpu.memory_space<hbm>> -> memref<1x64xf32, #tpu.memory_space<hbm>>
      %dma_wait3A_34 = arith.constant 0 : i32
      %dma_wait3A_35 = tpu.memref_slice %arg6[%add3A, %dma_wait3A_34] : memref<32x64xf32, #tpu.memory_space<hbm>> -> memref<1x64xf32, #tpu.memory_space<hbm>>
      tpu.wait_dma2 semaphore(%run_scoped3A : memref<!tpu.dma_semaphore, #tpu.memory_space<semaphore_mem>>) src(%arg10 : memref<1x64xf32, #tpu.memory_space<vmem>>) dst(%dma_wait3A_35 : memref<1x64xf32, #tpu.memory_space<hbm>>)
      tpu.yield
    }) : () -> ()
    return
  }
}

module attributes {stable_mosaic.version = 14 : i64} {
  func.func @_knn_body(%arg0: i32, %arg1: i32, %arg2: memref<1x2048x3xf32, #tpu.memory_space<vmem>>, %arg3: memref<1x512x3xf32, #tpu.memory_space<vmem>>, %arg4: memref<1x512x20xi32, #tpu.memory_space<vmem>>) attributes {dimension_semantics = [#tpu.dimension_semantics<arbitrary>, #tpu.dimension_semantics<arbitrary>], iteration_bounds = array<i64: 8, 4>, scalar_prefetch = 0 : i64, scratch_operands = 0 : i64, tpu.core_type = #tpu.core_type<tc>, window_params = [{transform_indices = @transform_0, window_bounds = array<i64: 1, 2048, 3>}, {transform_indices = @transform_1, window_bounds = array<i64: 1, 512, 3>}, {transform_indices = @transform_2, window_bounds = array<i64: 1, 512, 20>}]} {
    %get3A = arith.constant 0 : index
    %get3A_0 = arith.constant 0 : index
    %get3A_1 = arith.constant 0 : index
    %get3A_2 = vector.load %arg2[%get3A, %get3A_0, %get3A_1] : memref<1x2048x3xf32, #tpu.memory_space<vmem>>, vector<1x2048x3xf32>
    %get3A_3 = vector.shape_cast %get3A_2 : vector<1x2048x3xf32> to vector<2048x3xf32>
    %get3A_4 = arith.constant 0 : index
    %get3A_5 = arith.constant 0 : index
    %get3A_6 = arith.constant 0 : index
    %get3A_7 = vector.load %arg3[%get3A_4, %get3A_5, %get3A_6] : memref<1x512x3xf32, #tpu.memory_space<vmem>>, vector<1x512x3xf32>
    %get3A_8 = vector.shape_cast %get3A_7 : vector<1x512x3xf32> to vector<512x3xf32>
    %mul3A = arith.mulf %get3A_3, %get3A_3 : vector<2048x3xf32>
    %reduce_sum3A = arith.constant dense<0.000000e+00> : vector<2048xf32>
    %reduce_sum3A_9 = vector.multi_reduction <add>, %mul3A, %reduce_sum3A [1] : vector<2048x3xf32> to vector<2048xf32>
    %broadcast_in_dim3A = vector.shape_cast %reduce_sum3A_9 : vector<2048xf32> to vector<2048x1xf32>
    %reshape3A = vector.shape_cast %broadcast_in_dim3A : vector<2048x1xf32> to vector<1x2048xf32>
    %mul3A_10 = arith.mulf %get3A_8, %get3A_8 : vector<512x3xf32>
    %reduce_sum3A_11 = arith.constant dense<0.000000e+00> : vector<512xf32>
    %reduce_sum3A_12 = vector.multi_reduction <add>, %mul3A_10, %reduce_sum3A_11 [1] : vector<512x3xf32> to vector<512xf32>
    %broadcast_in_dim3A_13 = vector.shape_cast %reduce_sum3A_12 : vector<512xf32> to vector<512x1xf32>
    %dot_general3A = arith.constant dense<0.000000e+00> : vector<512x2048xf32>
    %dot_general3A_14 = tpu.matmul %get3A_8, %get3A_3, %dot_general3A {dimension_numbers = #tpu.dot_dimension_numbers<[1], [1], [0], [0], [0, 0, 1, 0], [], []>, transpose_lhs_hint = false} : vector<512x3xf32>, vector<2048x3xf32>, vector<512x2048xf32> -> vector<512x2048xf32>
    %mul3A_15 = arith.constant 2.000000e+00 : f32
    %mul3A_16 = vector.broadcast %mul3A_15 : f32 to vector<512x2048xf32>
    %mul3A_17 = arith.mulf %mul3A_16, %dot_general3A_14 : vector<512x2048xf32>
    %sub3A = vector.broadcast %broadcast_in_dim3A_13 : vector<512x1xf32> to vector<512x2048xf32>
    %sub3A_18 = arith.subf %mul3A_17, %sub3A : vector<512x2048xf32>
    %sub3A_19 = vector.broadcast %reshape3A : vector<1x2048xf32> to vector<512x2048xf32>
    %sub3A_20 = arith.subf %sub3A_18, %sub3A_19 : vector<512x2048xf32>
    %iota3A = tpu.iota {dimensions = array<i32: 1>} : vector<512x2048xi32>
    %reduce_max3A = arith.constant dense<0xFF800000> : vector<512xf32>
    %reduce_max3A_21 = vector.multi_reduction <maximumf>, %sub3A_20, %reduce_max3A [1] : vector<512x2048xf32> to vector<512xf32>
    %broadcast_in_dim3A_22 = vector.shape_cast %reduce_max3A_21 : vector<512xf32> to vector<512x1xf32>
    %ge3A = vector.broadcast %broadcast_in_dim3A_22 : vector<512x1xf32> to vector<512x2048xf32>
    %ge3A_23 = arith.cmpf oge, %sub3A_20, %ge3A : vector<512x2048xf32>
    %jit3A = arith.constant 2048 : i32
    %broadcast_in_dim3A_24 = vector.broadcast %jit3A : i32 to vector<512x2048xi32>
    %select_n3A = arith.select %ge3A_23, %iota3A, %broadcast_in_dim3A_24 : vector<512x2048xi1>, vector<512x2048xi32>
    %reduce_min3A = arith.constant dense<2147483647> : vector<512xi32>
    %reduce_min3A_25 = vector.multi_reduction <minsi>, %select_n3A, %reduce_min3A [1] : vector<512x2048xi32> to vector<512xi32>
    %broadcast_in_dim3A_26 = vector.shape_cast %reduce_min3A_25 : vector<512xi32> to vector<512x1xi32>
    %eq3A = vector.broadcast %broadcast_in_dim3A_26 : vector<512x1xi32> to vector<512x2048xi32>
    %eq3A_27 = arith.cmpi eq, %iota3A, %eq3A : vector<512x2048xi32>
    %jit3A_28 = arith.constant -3.000000e+38 : f32
    %broadcast_in_dim3A_29 = vector.broadcast %jit3A_28 : f32 to vector<512x2048xf32>
    %select_n3A_30 = arith.select %eq3A_27, %broadcast_in_dim3A_29, %sub3A_20 : vector<512x2048xi1>, vector<512x2048xf32>
    %reduce_max3A_31 = arith.constant dense<0xFF800000> : vector<512xf32>
    %reduce_max3A_32 = vector.multi_reduction <maximumf>, %select_n3A_30, %reduce_max3A_31 [1] : vector<512x2048xf32> to vector<512xf32>
    %broadcast_in_dim3A_33 = vector.shape_cast %reduce_max3A_32 : vector<512xf32> to vector<512x1xf32>
    %ge3A_34 = vector.broadcast %broadcast_in_dim3A_33 : vector<512x1xf32> to vector<512x2048xf32>
    %ge3A_35 = arith.cmpf oge, %select_n3A_30, %ge3A_34 : vector<512x2048xf32>
    %jit3A_36 = arith.constant 2048 : i32
    %broadcast_in_dim3A_37 = vector.broadcast %jit3A_36 : i32 to vector<512x2048xi32>
    %select_n3A_38 = arith.select %ge3A_35, %iota3A, %broadcast_in_dim3A_37 : vector<512x2048xi1>, vector<512x2048xi32>
    %reduce_min3A_39 = arith.constant dense<2147483647> : vector<512xi32>
    %reduce_min3A_40 = vector.multi_reduction <minsi>, %select_n3A_38, %reduce_min3A_39 [1] : vector<512x2048xi32> to vector<512xi32>
    %broadcast_in_dim3A_41 = vector.shape_cast %reduce_min3A_40 : vector<512xi32> to vector<512x1xi32>
    %eq3A_42 = vector.broadcast %broadcast_in_dim3A_41 : vector<512x1xi32> to vector<512x2048xi32>
    %eq3A_43 = arith.cmpi eq, %iota3A, %eq3A_42 : vector<512x2048xi32>
    %jit3A_44 = arith.constant -3.000000e+38 : f32
    %broadcast_in_dim3A_45 = vector.broadcast %jit3A_44 : f32 to vector<512x2048xf32>
    %select_n3A_46 = arith.select %eq3A_43, %broadcast_in_dim3A_45, %select_n3A_30 : vector<512x2048xi1>, vector<512x2048xf32>
    %reduce_max3A_47 = arith.constant dense<0xFF800000> : vector<512xf32>
    %reduce_max3A_48 = vector.multi_reduction <maximumf>, %select_n3A_46, %reduce_max3A_47 [1] : vector<512x2048xf32> to vector<512xf32>
    %broadcast_in_dim3A_49 = vector.shape_cast %reduce_max3A_48 : vector<512xf32> to vector<512x1xf32>
    %ge3A_50 = vector.broadcast %broadcast_in_dim3A_49 : vector<512x1xf32> to vector<512x2048xf32>
    %ge3A_51 = arith.cmpf oge, %select_n3A_46, %ge3A_50 : vector<512x2048xf32>
    %jit3A_52 = arith.constant 2048 : i32
    %broadcast_in_dim3A_53 = vector.broadcast %jit3A_52 : i32 to vector<512x2048xi32>
    %select_n3A_54 = arith.select %ge3A_51, %iota3A, %broadcast_in_dim3A_53 : vector<512x2048xi1>, vector<512x2048xi32>
    %reduce_min3A_55 = arith.constant dense<2147483647> : vector<512xi32>
    %reduce_min3A_56 = vector.multi_reduction <minsi>, %select_n3A_54, %reduce_min3A_55 [1] : vector<512x2048xi32> to vector<512xi32>
    %broadcast_in_dim3A_57 = vector.shape_cast %reduce_min3A_56 : vector<512xi32> to vector<512x1xi32>
    %eq3A_58 = vector.broadcast %broadcast_in_dim3A_57 : vector<512x1xi32> to vector<512x2048xi32>
    %eq3A_59 = arith.cmpi eq, %iota3A, %eq3A_58 : vector<512x2048xi32>
    %jit3A_60 = arith.constant -3.000000e+38 : f32
    %broadcast_in_dim3A_61 = vector.broadcast %jit3A_60 : f32 to vector<512x2048xf32>
    %select_n3A_62 = arith.select %eq3A_59, %broadcast_in_dim3A_61, %select_n3A_46 : vector<512x2048xi1>, vector<512x2048xf32>
    %reduce_max3A_63 = arith.constant dense<0xFF800000> : vector<512xf32>
    %reduce_max3A_64 = vector.multi_reduction <maximumf>, %select_n3A_62, %reduce_max3A_63 [1] : vector<512x2048xf32> to vector<512xf32>
    %broadcast_in_dim3A_65 = vector.shape_cast %reduce_max3A_64 : vector<512xf32> to vector<512x1xf32>
    %ge3A_66 = vector.broadcast %broadcast_in_dim3A_65 : vector<512x1xf32> to vector<512x2048xf32>
    %ge3A_67 = arith.cmpf oge, %select_n3A_62, %ge3A_66 : vector<512x2048xf32>
    %jit3A_68 = arith.constant 2048 : i32
    %broadcast_in_dim3A_69 = vector.broadcast %jit3A_68 : i32 to vector<512x2048xi32>
    %select_n3A_70 = arith.select %ge3A_67, %iota3A, %broadcast_in_dim3A_69 : vector<512x2048xi1>, vector<512x2048xi32>
    %reduce_min3A_71 = arith.constant dense<2147483647> : vector<512xi32>
    %reduce_min3A_72 = vector.multi_reduction <minsi>, %select_n3A_70, %reduce_min3A_71 [1] : vector<512x2048xi32> to vector<512xi32>
    %broadcast_in_dim3A_73 = vector.shape_cast %reduce_min3A_72 : vector<512xi32> to vector<512x1xi32>
    %eq3A_74 = vector.broadcast %broadcast_in_dim3A_73 : vector<512x1xi32> to vector<512x2048xi32>
    %eq3A_75 = arith.cmpi eq, %iota3A, %eq3A_74 : vector<512x2048xi32>
    %jit3A_76 = arith.constant -3.000000e+38 : f32
    %broadcast_in_dim3A_77 = vector.broadcast %jit3A_76 : f32 to vector<512x2048xf32>
    %select_n3A_78 = arith.select %eq3A_75, %broadcast_in_dim3A_77, %select_n3A_62 : vector<512x2048xi1>, vector<512x2048xf32>
    %reduce_max3A_79 = arith.constant dense<0xFF800000> : vector<512xf32>
    %reduce_max3A_80 = vector.multi_reduction <maximumf>, %select_n3A_78, %reduce_max3A_79 [1] : vector<512x2048xf32> to vector<512xf32>
    %broadcast_in_dim3A_81 = vector.shape_cast %reduce_max3A_80 : vector<512xf32> to vector<512x1xf32>
    %ge3A_82 = vector.broadcast %broadcast_in_dim3A_81 : vector<512x1xf32> to vector<512x2048xf32>
    %ge3A_83 = arith.cmpf oge, %select_n3A_78, %ge3A_82 : vector<512x2048xf32>
    %jit3A_84 = arith.constant 2048 : i32
    %broadcast_in_dim3A_85 = vector.broadcast %jit3A_84 : i32 to vector<512x2048xi32>
    %select_n3A_86 = arith.select %ge3A_83, %iota3A, %broadcast_in_dim3A_85 : vector<512x2048xi1>, vector<512x2048xi32>
    %reduce_min3A_87 = arith.constant dense<2147483647> : vector<512xi32>
    %reduce_min3A_88 = vector.multi_reduction <minsi>, %select_n3A_86, %reduce_min3A_87 [1] : vector<512x2048xi32> to vector<512xi32>
    %broadcast_in_dim3A_89 = vector.shape_cast %reduce_min3A_88 : vector<512xi32> to vector<512x1xi32>
    %eq3A_90 = vector.broadcast %broadcast_in_dim3A_89 : vector<512x1xi32> to vector<512x2048xi32>
    %eq3A_91 = arith.cmpi eq, %iota3A, %eq3A_90 : vector<512x2048xi32>
    %jit3A_92 = arith.constant -3.000000e+38 : f32
    %broadcast_in_dim3A_93 = vector.broadcast %jit3A_92 : f32 to vector<512x2048xf32>
    %select_n3A_94 = arith.select %eq3A_91, %broadcast_in_dim3A_93, %select_n3A_78 : vector<512x2048xi1>, vector<512x2048xf32>
    %reduce_max3A_95 = arith.constant dense<0xFF800000> : vector<512xf32>
    %reduce_max3A_96 = vector.multi_reduction <maximumf>, %select_n3A_94, %reduce_max3A_95 [1] : vector<512x2048xf32> to vector<512xf32>
    %broadcast_in_dim3A_97 = vector.shape_cast %reduce_max3A_96 : vector<512xf32> to vector<512x1xf32>
    %ge3A_98 = vector.broadcast %broadcast_in_dim3A_97 : vector<512x1xf32> to vector<512x2048xf32>
    %ge3A_99 = arith.cmpf oge, %select_n3A_94, %ge3A_98 : vector<512x2048xf32>
    %jit3A_100 = arith.constant 2048 : i32
    %broadcast_in_dim3A_101 = vector.broadcast %jit3A_100 : i32 to vector<512x2048xi32>
    %select_n3A_102 = arith.select %ge3A_99, %iota3A, %broadcast_in_dim3A_101 : vector<512x2048xi1>, vector<512x2048xi32>
    %reduce_min3A_103 = arith.constant dense<2147483647> : vector<512xi32>
    %reduce_min3A_104 = vector.multi_reduction <minsi>, %select_n3A_102, %reduce_min3A_103 [1] : vector<512x2048xi32> to vector<512xi32>
    %broadcast_in_dim3A_105 = vector.shape_cast %reduce_min3A_104 : vector<512xi32> to vector<512x1xi32>
    %eq3A_106 = vector.broadcast %broadcast_in_dim3A_105 : vector<512x1xi32> to vector<512x2048xi32>
    %eq3A_107 = arith.cmpi eq, %iota3A, %eq3A_106 : vector<512x2048xi32>
    %jit3A_108 = arith.constant -3.000000e+38 : f32
    %broadcast_in_dim3A_109 = vector.broadcast %jit3A_108 : f32 to vector<512x2048xf32>
    %select_n3A_110 = arith.select %eq3A_107, %broadcast_in_dim3A_109, %select_n3A_94 : vector<512x2048xi1>, vector<512x2048xf32>
    %reduce_max3A_111 = arith.constant dense<0xFF800000> : vector<512xf32>
    %reduce_max3A_112 = vector.multi_reduction <maximumf>, %select_n3A_110, %reduce_max3A_111 [1] : vector<512x2048xf32> to vector<512xf32>
    %broadcast_in_dim3A_113 = vector.shape_cast %reduce_max3A_112 : vector<512xf32> to vector<512x1xf32>
    %ge3A_114 = vector.broadcast %broadcast_in_dim3A_113 : vector<512x1xf32> to vector<512x2048xf32>
    %ge3A_115 = arith.cmpf oge, %select_n3A_110, %ge3A_114 : vector<512x2048xf32>
    %jit3A_116 = arith.constant 2048 : i32
    %broadcast_in_dim3A_117 = vector.broadcast %jit3A_116 : i32 to vector<512x2048xi32>
    %select_n3A_118 = arith.select %ge3A_115, %iota3A, %broadcast_in_dim3A_117 : vector<512x2048xi1>, vector<512x2048xi32>
    %reduce_min3A_119 = arith.constant dense<2147483647> : vector<512xi32>
    %reduce_min3A_120 = vector.multi_reduction <minsi>, %select_n3A_118, %reduce_min3A_119 [1] : vector<512x2048xi32> to vector<512xi32>
    %broadcast_in_dim3A_121 = vector.shape_cast %reduce_min3A_120 : vector<512xi32> to vector<512x1xi32>
    %eq3A_122 = vector.broadcast %broadcast_in_dim3A_121 : vector<512x1xi32> to vector<512x2048xi32>
    %eq3A_123 = arith.cmpi eq, %iota3A, %eq3A_122 : vector<512x2048xi32>
    %jit3A_124 = arith.constant -3.000000e+38 : f32
    %broadcast_in_dim3A_125 = vector.broadcast %jit3A_124 : f32 to vector<512x2048xf32>
    %select_n3A_126 = arith.select %eq3A_123, %broadcast_in_dim3A_125, %select_n3A_110 : vector<512x2048xi1>, vector<512x2048xf32>
    %reduce_max3A_127 = arith.constant dense<0xFF800000> : vector<512xf32>
    %reduce_max3A_128 = vector.multi_reduction <maximumf>, %select_n3A_126, %reduce_max3A_127 [1] : vector<512x2048xf32> to vector<512xf32>
    %broadcast_in_dim3A_129 = vector.shape_cast %reduce_max3A_128 : vector<512xf32> to vector<512x1xf32>
    %ge3A_130 = vector.broadcast %broadcast_in_dim3A_129 : vector<512x1xf32> to vector<512x2048xf32>
    %ge3A_131 = arith.cmpf oge, %select_n3A_126, %ge3A_130 : vector<512x2048xf32>
    %jit3A_132 = arith.constant 2048 : i32
    %broadcast_in_dim3A_133 = vector.broadcast %jit3A_132 : i32 to vector<512x2048xi32>
    %select_n3A_134 = arith.select %ge3A_131, %iota3A, %broadcast_in_dim3A_133 : vector<512x2048xi1>, vector<512x2048xi32>
    %reduce_min3A_135 = arith.constant dense<2147483647> : vector<512xi32>
    %reduce_min3A_136 = vector.multi_reduction <minsi>, %select_n3A_134, %reduce_min3A_135 [1] : vector<512x2048xi32> to vector<512xi32>
    %broadcast_in_dim3A_137 = vector.shape_cast %reduce_min3A_136 : vector<512xi32> to vector<512x1xi32>
    %eq3A_138 = vector.broadcast %broadcast_in_dim3A_137 : vector<512x1xi32> to vector<512x2048xi32>
    %eq3A_139 = arith.cmpi eq, %iota3A, %eq3A_138 : vector<512x2048xi32>
    %jit3A_140 = arith.constant -3.000000e+38 : f32
    %broadcast_in_dim3A_141 = vector.broadcast %jit3A_140 : f32 to vector<512x2048xf32>
    %select_n3A_142 = arith.select %eq3A_139, %broadcast_in_dim3A_141, %select_n3A_126 : vector<512x2048xi1>, vector<512x2048xf32>
    %reduce_max3A_143 = arith.constant dense<0xFF800000> : vector<512xf32>
    %reduce_max3A_144 = vector.multi_reduction <maximumf>, %select_n3A_142, %reduce_max3A_143 [1] : vector<512x2048xf32> to vector<512xf32>
    %broadcast_in_dim3A_145 = vector.shape_cast %reduce_max3A_144 : vector<512xf32> to vector<512x1xf32>
    %ge3A_146 = vector.broadcast %broadcast_in_dim3A_145 : vector<512x1xf32> to vector<512x2048xf32>
    %ge3A_147 = arith.cmpf oge, %select_n3A_142, %ge3A_146 : vector<512x2048xf32>
    %jit3A_148 = arith.constant 2048 : i32
    %broadcast_in_dim3A_149 = vector.broadcast %jit3A_148 : i32 to vector<512x2048xi32>
    %select_n3A_150 = arith.select %ge3A_147, %iota3A, %broadcast_in_dim3A_149 : vector<512x2048xi1>, vector<512x2048xi32>
    %reduce_min3A_151 = arith.constant dense<2147483647> : vector<512xi32>
    %reduce_min3A_152 = vector.multi_reduction <minsi>, %select_n3A_150, %reduce_min3A_151 [1] : vector<512x2048xi32> to vector<512xi32>
    %broadcast_in_dim3A_153 = vector.shape_cast %reduce_min3A_152 : vector<512xi32> to vector<512x1xi32>
    %eq3A_154 = vector.broadcast %broadcast_in_dim3A_153 : vector<512x1xi32> to vector<512x2048xi32>
    %eq3A_155 = arith.cmpi eq, %iota3A, %eq3A_154 : vector<512x2048xi32>
    %jit3A_156 = arith.constant -3.000000e+38 : f32
    %broadcast_in_dim3A_157 = vector.broadcast %jit3A_156 : f32 to vector<512x2048xf32>
    %select_n3A_158 = arith.select %eq3A_155, %broadcast_in_dim3A_157, %select_n3A_142 : vector<512x2048xi1>, vector<512x2048xf32>
    %reduce_max3A_159 = arith.constant dense<0xFF800000> : vector<512xf32>
    %reduce_max3A_160 = vector.multi_reduction <maximumf>, %select_n3A_158, %reduce_max3A_159 [1] : vector<512x2048xf32> to vector<512xf32>
    %broadcast_in_dim3A_161 = vector.shape_cast %reduce_max3A_160 : vector<512xf32> to vector<512x1xf32>
    %ge3A_162 = vector.broadcast %broadcast_in_dim3A_161 : vector<512x1xf32> to vector<512x2048xf32>
    %ge3A_163 = arith.cmpf oge, %select_n3A_158, %ge3A_162 : vector<512x2048xf32>
    %jit3A_164 = arith.constant 2048 : i32
    %broadcast_in_dim3A_165 = vector.broadcast %jit3A_164 : i32 to vector<512x2048xi32>
    %select_n3A_166 = arith.select %ge3A_163, %iota3A, %broadcast_in_dim3A_165 : vector<512x2048xi1>, vector<512x2048xi32>
    %reduce_min3A_167 = arith.constant dense<2147483647> : vector<512xi32>
    %reduce_min3A_168 = vector.multi_reduction <minsi>, %select_n3A_166, %reduce_min3A_167 [1] : vector<512x2048xi32> to vector<512xi32>
    %broadcast_in_dim3A_169 = vector.shape_cast %reduce_min3A_168 : vector<512xi32> to vector<512x1xi32>
    %eq3A_170 = vector.broadcast %broadcast_in_dim3A_169 : vector<512x1xi32> to vector<512x2048xi32>
    %eq3A_171 = arith.cmpi eq, %iota3A, %eq3A_170 : vector<512x2048xi32>
    %jit3A_172 = arith.constant -3.000000e+38 : f32
    %broadcast_in_dim3A_173 = vector.broadcast %jit3A_172 : f32 to vector<512x2048xf32>
    %select_n3A_174 = arith.select %eq3A_171, %broadcast_in_dim3A_173, %select_n3A_158 : vector<512x2048xi1>, vector<512x2048xf32>
    %reduce_max3A_175 = arith.constant dense<0xFF800000> : vector<512xf32>
    %reduce_max3A_176 = vector.multi_reduction <maximumf>, %select_n3A_174, %reduce_max3A_175 [1] : vector<512x2048xf32> to vector<512xf32>
    %broadcast_in_dim3A_177 = vector.shape_cast %reduce_max3A_176 : vector<512xf32> to vector<512x1xf32>
    %ge3A_178 = vector.broadcast %broadcast_in_dim3A_177 : vector<512x1xf32> to vector<512x2048xf32>
    %ge3A_179 = arith.cmpf oge, %select_n3A_174, %ge3A_178 : vector<512x2048xf32>
    %jit3A_180 = arith.constant 2048 : i32
    %broadcast_in_dim3A_181 = vector.broadcast %jit3A_180 : i32 to vector<512x2048xi32>
    %select_n3A_182 = arith.select %ge3A_179, %iota3A, %broadcast_in_dim3A_181 : vector<512x2048xi1>, vector<512x2048xi32>
    %reduce_min3A_183 = arith.constant dense<2147483647> : vector<512xi32>
    %reduce_min3A_184 = vector.multi_reduction <minsi>, %select_n3A_182, %reduce_min3A_183 [1] : vector<512x2048xi32> to vector<512xi32>
    %broadcast_in_dim3A_185 = vector.shape_cast %reduce_min3A_184 : vector<512xi32> to vector<512x1xi32>
    %eq3A_186 = vector.broadcast %broadcast_in_dim3A_185 : vector<512x1xi32> to vector<512x2048xi32>
    %eq3A_187 = arith.cmpi eq, %iota3A, %eq3A_186 : vector<512x2048xi32>
    %jit3A_188 = arith.constant -3.000000e+38 : f32
    %broadcast_in_dim3A_189 = vector.broadcast %jit3A_188 : f32 to vector<512x2048xf32>
    %select_n3A_190 = arith.select %eq3A_187, %broadcast_in_dim3A_189, %select_n3A_174 : vector<512x2048xi1>, vector<512x2048xf32>
    %reduce_max3A_191 = arith.constant dense<0xFF800000> : vector<512xf32>
    %reduce_max3A_192 = vector.multi_reduction <maximumf>, %select_n3A_190, %reduce_max3A_191 [1] : vector<512x2048xf32> to vector<512xf32>
    %broadcast_in_dim3A_193 = vector.shape_cast %reduce_max3A_192 : vector<512xf32> to vector<512x1xf32>
    %ge3A_194 = vector.broadcast %broadcast_in_dim3A_193 : vector<512x1xf32> to vector<512x2048xf32>
    %ge3A_195 = arith.cmpf oge, %select_n3A_190, %ge3A_194 : vector<512x2048xf32>
    %jit3A_196 = arith.constant 2048 : i32
    %broadcast_in_dim3A_197 = vector.broadcast %jit3A_196 : i32 to vector<512x2048xi32>
    %select_n3A_198 = arith.select %ge3A_195, %iota3A, %broadcast_in_dim3A_197 : vector<512x2048xi1>, vector<512x2048xi32>
    %reduce_min3A_199 = arith.constant dense<2147483647> : vector<512xi32>
    %reduce_min3A_200 = vector.multi_reduction <minsi>, %select_n3A_198, %reduce_min3A_199 [1] : vector<512x2048xi32> to vector<512xi32>
    %broadcast_in_dim3A_201 = vector.shape_cast %reduce_min3A_200 : vector<512xi32> to vector<512x1xi32>
    %eq3A_202 = vector.broadcast %broadcast_in_dim3A_201 : vector<512x1xi32> to vector<512x2048xi32>
    %eq3A_203 = arith.cmpi eq, %iota3A, %eq3A_202 : vector<512x2048xi32>
    %jit3A_204 = arith.constant -3.000000e+38 : f32
    %broadcast_in_dim3A_205 = vector.broadcast %jit3A_204 : f32 to vector<512x2048xf32>
    %select_n3A_206 = arith.select %eq3A_203, %broadcast_in_dim3A_205, %select_n3A_190 : vector<512x2048xi1>, vector<512x2048xf32>
    %reduce_max3A_207 = arith.constant dense<0xFF800000> : vector<512xf32>
    %reduce_max3A_208 = vector.multi_reduction <maximumf>, %select_n3A_206, %reduce_max3A_207 [1] : vector<512x2048xf32> to vector<512xf32>
    %broadcast_in_dim3A_209 = vector.shape_cast %reduce_max3A_208 : vector<512xf32> to vector<512x1xf32>
    %ge3A_210 = vector.broadcast %broadcast_in_dim3A_209 : vector<512x1xf32> to vector<512x2048xf32>
    %ge3A_211 = arith.cmpf oge, %select_n3A_206, %ge3A_210 : vector<512x2048xf32>
    %jit3A_212 = arith.constant 2048 : i32
    %broadcast_in_dim3A_213 = vector.broadcast %jit3A_212 : i32 to vector<512x2048xi32>
    %select_n3A_214 = arith.select %ge3A_211, %iota3A, %broadcast_in_dim3A_213 : vector<512x2048xi1>, vector<512x2048xi32>
    %reduce_min3A_215 = arith.constant dense<2147483647> : vector<512xi32>
    %reduce_min3A_216 = vector.multi_reduction <minsi>, %select_n3A_214, %reduce_min3A_215 [1] : vector<512x2048xi32> to vector<512xi32>
    %broadcast_in_dim3A_217 = vector.shape_cast %reduce_min3A_216 : vector<512xi32> to vector<512x1xi32>
    %eq3A_218 = vector.broadcast %broadcast_in_dim3A_217 : vector<512x1xi32> to vector<512x2048xi32>
    %eq3A_219 = arith.cmpi eq, %iota3A, %eq3A_218 : vector<512x2048xi32>
    %jit3A_220 = arith.constant -3.000000e+38 : f32
    %broadcast_in_dim3A_221 = vector.broadcast %jit3A_220 : f32 to vector<512x2048xf32>
    %select_n3A_222 = arith.select %eq3A_219, %broadcast_in_dim3A_221, %select_n3A_206 : vector<512x2048xi1>, vector<512x2048xf32>
    %reduce_max3A_223 = arith.constant dense<0xFF800000> : vector<512xf32>
    %reduce_max3A_224 = vector.multi_reduction <maximumf>, %select_n3A_222, %reduce_max3A_223 [1] : vector<512x2048xf32> to vector<512xf32>
    %broadcast_in_dim3A_225 = vector.shape_cast %reduce_max3A_224 : vector<512xf32> to vector<512x1xf32>
    %ge3A_226 = vector.broadcast %broadcast_in_dim3A_225 : vector<512x1xf32> to vector<512x2048xf32>
    %ge3A_227 = arith.cmpf oge, %select_n3A_222, %ge3A_226 : vector<512x2048xf32>
    %jit3A_228 = arith.constant 2048 : i32
    %broadcast_in_dim3A_229 = vector.broadcast %jit3A_228 : i32 to vector<512x2048xi32>
    %select_n3A_230 = arith.select %ge3A_227, %iota3A, %broadcast_in_dim3A_229 : vector<512x2048xi1>, vector<512x2048xi32>
    %reduce_min3A_231 = arith.constant dense<2147483647> : vector<512xi32>
    %reduce_min3A_232 = vector.multi_reduction <minsi>, %select_n3A_230, %reduce_min3A_231 [1] : vector<512x2048xi32> to vector<512xi32>
    %broadcast_in_dim3A_233 = vector.shape_cast %reduce_min3A_232 : vector<512xi32> to vector<512x1xi32>
    %eq3A_234 = vector.broadcast %broadcast_in_dim3A_233 : vector<512x1xi32> to vector<512x2048xi32>
    %eq3A_235 = arith.cmpi eq, %iota3A, %eq3A_234 : vector<512x2048xi32>
    %jit3A_236 = arith.constant -3.000000e+38 : f32
    %broadcast_in_dim3A_237 = vector.broadcast %jit3A_236 : f32 to vector<512x2048xf32>
    %select_n3A_238 = arith.select %eq3A_235, %broadcast_in_dim3A_237, %select_n3A_222 : vector<512x2048xi1>, vector<512x2048xf32>
    %reduce_max3A_239 = arith.constant dense<0xFF800000> : vector<512xf32>
    %reduce_max3A_240 = vector.multi_reduction <maximumf>, %select_n3A_238, %reduce_max3A_239 [1] : vector<512x2048xf32> to vector<512xf32>
    %broadcast_in_dim3A_241 = vector.shape_cast %reduce_max3A_240 : vector<512xf32> to vector<512x1xf32>
    %ge3A_242 = vector.broadcast %broadcast_in_dim3A_241 : vector<512x1xf32> to vector<512x2048xf32>
    %ge3A_243 = arith.cmpf oge, %select_n3A_238, %ge3A_242 : vector<512x2048xf32>
    %jit3A_244 = arith.constant 2048 : i32
    %broadcast_in_dim3A_245 = vector.broadcast %jit3A_244 : i32 to vector<512x2048xi32>
    %select_n3A_246 = arith.select %ge3A_243, %iota3A, %broadcast_in_dim3A_245 : vector<512x2048xi1>, vector<512x2048xi32>
    %reduce_min3A_247 = arith.constant dense<2147483647> : vector<512xi32>
    %reduce_min3A_248 = vector.multi_reduction <minsi>, %select_n3A_246, %reduce_min3A_247 [1] : vector<512x2048xi32> to vector<512xi32>
    %broadcast_in_dim3A_249 = vector.shape_cast %reduce_min3A_248 : vector<512xi32> to vector<512x1xi32>
    %eq3A_250 = vector.broadcast %broadcast_in_dim3A_249 : vector<512x1xi32> to vector<512x2048xi32>
    %eq3A_251 = arith.cmpi eq, %iota3A, %eq3A_250 : vector<512x2048xi32>
    %jit3A_252 = arith.constant -3.000000e+38 : f32
    %broadcast_in_dim3A_253 = vector.broadcast %jit3A_252 : f32 to vector<512x2048xf32>
    %select_n3A_254 = arith.select %eq3A_251, %broadcast_in_dim3A_253, %select_n3A_238 : vector<512x2048xi1>, vector<512x2048xf32>
    %reduce_max3A_255 = arith.constant dense<0xFF800000> : vector<512xf32>
    %reduce_max3A_256 = vector.multi_reduction <maximumf>, %select_n3A_254, %reduce_max3A_255 [1] : vector<512x2048xf32> to vector<512xf32>
    %broadcast_in_dim3A_257 = vector.shape_cast %reduce_max3A_256 : vector<512xf32> to vector<512x1xf32>
    %ge3A_258 = vector.broadcast %broadcast_in_dim3A_257 : vector<512x1xf32> to vector<512x2048xf32>
    %ge3A_259 = arith.cmpf oge, %select_n3A_254, %ge3A_258 : vector<512x2048xf32>
    %jit3A_260 = arith.constant 2048 : i32
    %broadcast_in_dim3A_261 = vector.broadcast %jit3A_260 : i32 to vector<512x2048xi32>
    %select_n3A_262 = arith.select %ge3A_259, %iota3A, %broadcast_in_dim3A_261 : vector<512x2048xi1>, vector<512x2048xi32>
    %reduce_min3A_263 = arith.constant dense<2147483647> : vector<512xi32>
    %reduce_min3A_264 = vector.multi_reduction <minsi>, %select_n3A_262, %reduce_min3A_263 [1] : vector<512x2048xi32> to vector<512xi32>
    %broadcast_in_dim3A_265 = vector.shape_cast %reduce_min3A_264 : vector<512xi32> to vector<512x1xi32>
    %eq3A_266 = vector.broadcast %broadcast_in_dim3A_265 : vector<512x1xi32> to vector<512x2048xi32>
    %eq3A_267 = arith.cmpi eq, %iota3A, %eq3A_266 : vector<512x2048xi32>
    %jit3A_268 = arith.constant -3.000000e+38 : f32
    %broadcast_in_dim3A_269 = vector.broadcast %jit3A_268 : f32 to vector<512x2048xf32>
    %select_n3A_270 = arith.select %eq3A_267, %broadcast_in_dim3A_269, %select_n3A_254 : vector<512x2048xi1>, vector<512x2048xf32>
    %reduce_max3A_271 = arith.constant dense<0xFF800000> : vector<512xf32>
    %reduce_max3A_272 = vector.multi_reduction <maximumf>, %select_n3A_270, %reduce_max3A_271 [1] : vector<512x2048xf32> to vector<512xf32>
    %broadcast_in_dim3A_273 = vector.shape_cast %reduce_max3A_272 : vector<512xf32> to vector<512x1xf32>
    %ge3A_274 = vector.broadcast %broadcast_in_dim3A_273 : vector<512x1xf32> to vector<512x2048xf32>
    %ge3A_275 = arith.cmpf oge, %select_n3A_270, %ge3A_274 : vector<512x2048xf32>
    %jit3A_276 = arith.constant 2048 : i32
    %broadcast_in_dim3A_277 = vector.broadcast %jit3A_276 : i32 to vector<512x2048xi32>
    %select_n3A_278 = arith.select %ge3A_275, %iota3A, %broadcast_in_dim3A_277 : vector<512x2048xi1>, vector<512x2048xi32>
    %reduce_min3A_279 = arith.constant dense<2147483647> : vector<512xi32>
    %reduce_min3A_280 = vector.multi_reduction <minsi>, %select_n3A_278, %reduce_min3A_279 [1] : vector<512x2048xi32> to vector<512xi32>
    %broadcast_in_dim3A_281 = vector.shape_cast %reduce_min3A_280 : vector<512xi32> to vector<512x1xi32>
    %eq3A_282 = vector.broadcast %broadcast_in_dim3A_281 : vector<512x1xi32> to vector<512x2048xi32>
    %eq3A_283 = arith.cmpi eq, %iota3A, %eq3A_282 : vector<512x2048xi32>
    %jit3A_284 = arith.constant -3.000000e+38 : f32
    %broadcast_in_dim3A_285 = vector.broadcast %jit3A_284 : f32 to vector<512x2048xf32>
    %select_n3A_286 = arith.select %eq3A_283, %broadcast_in_dim3A_285, %select_n3A_270 : vector<512x2048xi1>, vector<512x2048xf32>
    %reduce_max3A_287 = arith.constant dense<0xFF800000> : vector<512xf32>
    %reduce_max3A_288 = vector.multi_reduction <maximumf>, %select_n3A_286, %reduce_max3A_287 [1] : vector<512x2048xf32> to vector<512xf32>
    %broadcast_in_dim3A_289 = vector.shape_cast %reduce_max3A_288 : vector<512xf32> to vector<512x1xf32>
    %ge3A_290 = vector.broadcast %broadcast_in_dim3A_289 : vector<512x1xf32> to vector<512x2048xf32>
    %ge3A_291 = arith.cmpf oge, %select_n3A_286, %ge3A_290 : vector<512x2048xf32>
    %jit3A_292 = arith.constant 2048 : i32
    %broadcast_in_dim3A_293 = vector.broadcast %jit3A_292 : i32 to vector<512x2048xi32>
    %select_n3A_294 = arith.select %ge3A_291, %iota3A, %broadcast_in_dim3A_293 : vector<512x2048xi1>, vector<512x2048xi32>
    %reduce_min3A_295 = arith.constant dense<2147483647> : vector<512xi32>
    %reduce_min3A_296 = vector.multi_reduction <minsi>, %select_n3A_294, %reduce_min3A_295 [1] : vector<512x2048xi32> to vector<512xi32>
    %broadcast_in_dim3A_297 = vector.shape_cast %reduce_min3A_296 : vector<512xi32> to vector<512x1xi32>
    %eq3A_298 = vector.broadcast %broadcast_in_dim3A_297 : vector<512x1xi32> to vector<512x2048xi32>
    %eq3A_299 = arith.cmpi eq, %iota3A, %eq3A_298 : vector<512x2048xi32>
    %jit3A_300 = arith.constant -3.000000e+38 : f32
    %broadcast_in_dim3A_301 = vector.broadcast %jit3A_300 : f32 to vector<512x2048xf32>
    %select_n3A_302 = arith.select %eq3A_299, %broadcast_in_dim3A_301, %select_n3A_286 : vector<512x2048xi1>, vector<512x2048xf32>
    %reduce_max3A_303 = arith.constant dense<0xFF800000> : vector<512xf32>
    %reduce_max3A_304 = vector.multi_reduction <maximumf>, %select_n3A_302, %reduce_max3A_303 [1] : vector<512x2048xf32> to vector<512xf32>
    %broadcast_in_dim3A_305 = vector.shape_cast %reduce_max3A_304 : vector<512xf32> to vector<512x1xf32>
    %ge3A_306 = vector.broadcast %broadcast_in_dim3A_305 : vector<512x1xf32> to vector<512x2048xf32>
    %ge3A_307 = arith.cmpf oge, %select_n3A_302, %ge3A_306 : vector<512x2048xf32>
    %jit3A_308 = arith.constant 2048 : i32
    %broadcast_in_dim3A_309 = vector.broadcast %jit3A_308 : i32 to vector<512x2048xi32>
    %select_n3A_310 = arith.select %ge3A_307, %iota3A, %broadcast_in_dim3A_309 : vector<512x2048xi1>, vector<512x2048xi32>
    %reduce_min3A_311 = arith.constant dense<2147483647> : vector<512xi32>
    %reduce_min3A_312 = vector.multi_reduction <minsi>, %select_n3A_310, %reduce_min3A_311 [1] : vector<512x2048xi32> to vector<512xi32>
    %broadcast_in_dim3A_313 = vector.shape_cast %reduce_min3A_312 : vector<512xi32> to vector<512x1xi32>
    %eq3A_314 = vector.broadcast %broadcast_in_dim3A_313 : vector<512x1xi32> to vector<512x2048xi32>
    %eq3A_315 = arith.cmpi eq, %iota3A, %eq3A_314 : vector<512x2048xi32>
    %jit3A_316 = arith.constant -3.000000e+38 : f32
    %broadcast_in_dim3A_317 = vector.broadcast %jit3A_316 : f32 to vector<512x2048xf32>
    %select_n3A_318 = arith.select %eq3A_315, %broadcast_in_dim3A_317, %select_n3A_302 : vector<512x2048xi1>, vector<512x2048xf32>
    %reduce_max3A_319 = arith.constant dense<0xFF800000> : vector<512xf32>
    %reduce_max3A_320 = vector.multi_reduction <maximumf>, %select_n3A_318, %reduce_max3A_319 [1] : vector<512x2048xf32> to vector<512xf32>
    %broadcast_in_dim3A_321 = vector.shape_cast %reduce_max3A_320 : vector<512xf32> to vector<512x1xf32>
    %ge3A_322 = vector.broadcast %broadcast_in_dim3A_321 : vector<512x1xf32> to vector<512x2048xf32>
    %ge3A_323 = arith.cmpf oge, %select_n3A_318, %ge3A_322 : vector<512x2048xf32>
    %jit3A_324 = arith.constant 2048 : i32
    %broadcast_in_dim3A_325 = vector.broadcast %jit3A_324 : i32 to vector<512x2048xi32>
    %select_n3A_326 = arith.select %ge3A_323, %iota3A, %broadcast_in_dim3A_325 : vector<512x2048xi1>, vector<512x2048xi32>
    %reduce_min3A_327 = arith.constant dense<2147483647> : vector<512xi32>
    %reduce_min3A_328 = vector.multi_reduction <minsi>, %select_n3A_326, %reduce_min3A_327 [1] : vector<512x2048xi32> to vector<512xi32>
    %broadcast_in_dim3A_329 = vector.shape_cast %reduce_min3A_328 : vector<512xi32> to vector<512x1xi32>
    %concatenate3A = tpu.concatenate %broadcast_in_dim3A_26, %broadcast_in_dim3A_41, %broadcast_in_dim3A_57, %broadcast_in_dim3A_73, %broadcast_in_dim3A_89, %broadcast_in_dim3A_105, %broadcast_in_dim3A_121, %broadcast_in_dim3A_137, %broadcast_in_dim3A_153, %broadcast_in_dim3A_169, %broadcast_in_dim3A_185, %broadcast_in_dim3A_201, %broadcast_in_dim3A_217, %broadcast_in_dim3A_233, %broadcast_in_dim3A_249, %broadcast_in_dim3A_265, %broadcast_in_dim3A_281, %broadcast_in_dim3A_297, %broadcast_in_dim3A_313, %broadcast_in_dim3A_329 in 1 : vector<512x1xi32>, vector<512x1xi32>, vector<512x1xi32>, vector<512x1xi32>, vector<512x1xi32>, vector<512x1xi32>, vector<512x1xi32>, vector<512x1xi32>, vector<512x1xi32>, vector<512x1xi32>, vector<512x1xi32>, vector<512x1xi32>, vector<512x1xi32>, vector<512x1xi32>, vector<512x1xi32>, vector<512x1xi32>, vector<512x1xi32>, vector<512x1xi32>, vector<512x1xi32>, vector<512x1xi32> -> vector<512x20xi32>
    %mul3A_330 = arith.constant 2048 : i32
    %mul3A_331 = arith.muli %arg0, %mul3A_330 : i32
    %add3A = vector.broadcast %mul3A_331 : i32 to vector<512x20xi32>
    %add3A_332 = arith.addi %concatenate3A, %add3A : vector<512x20xi32>
    %swap3A = arith.constant 0 : index
    %swap3A_333 = arith.constant 0 : index
    %swap3A_334 = arith.constant 0 : index
    %swap3A_335 = vector.load %arg4[%swap3A, %swap3A_333, %swap3A_334] : memref<1x512x20xi32, #tpu.memory_space<vmem>>, vector<1x512x20xi32>
    %swap3A_336 = vector.shape_cast %swap3A_335 : vector<1x512x20xi32> to vector<512x20xi32>
    %swap3A_337 = vector.shape_cast %add3A_332 : vector<512x20xi32> to vector<1x512x20xi32>
    tpu.vector_store %arg4[%swap3A, %swap3A_333, %swap3A_334], %swap3A_337 {strides = array<i32>} : memref<1x512x20xi32, #tpu.memory_space<vmem>>, vector<1x512x20xi32>,
    return
  }
  func.func @transform_0(%arg0: i32, %arg1: i32) -> (i32, i32, i32) {
    %c0_i32 = arith.constant 0 : i32
    %c0_i32_0 = arith.constant 0 : i32
    %c0_i32_1 = arith.constant 0 : i32
    return %arg0, %c0_i32, %c0_i32_0 : i32, i32, i32
  }
  func.func @transform_1(%arg0: i32, %arg1: i32) -> (i32, i32, i32) {
    %c0_i32 = arith.constant 0 : i32
    %c0_i32_0 = arith.constant 0 : i32
    return %arg0, %arg1, %c0_i32 : i32, i32, i32
  }
  func.func @transform_2(%arg0: i32, %arg1: i32) -> (i32, i32, i32) {
    %c0_i32 = arith.constant 0 : i32
    %c0_i32_0 = arith.constant 0 : i32
    return %arg0, %arg1, %c0_i32 : i32, i32, i32
  }
}

module attributes {stable_mosaic.version = 14 : i64} {
  func.func @_conv1_body(%arg0: i32, %arg1: i32, %arg2: memref<1x10240x16xf32, #tpu.memory_space<vmem>>, %arg3: memref<1x512x16xf32, #tpu.memory_space<vmem>>, %arg4: memref<8x64xbf16, #tpu.memory_space<vmem>>, %arg5: memref<1x512x64xf32, #tpu.memory_space<vmem>>, %arg6: memref<1x64xf32, #tpu.memory_space<vmem>>, %arg7: memref<1x64xf32, #tpu.memory_space<vmem>>) attributes {dimension_semantics = [#tpu.dimension_semantics<arbitrary>, #tpu.dimension_semantics<arbitrary>], iteration_bounds = array<i64: 8, 4>, scalar_prefetch = 0 : i64, scratch_operands = 0 : i64, tpu.core_type = #tpu.core_type<tc>, window_params = [{transform_indices = @transform_0, window_bounds = array<i64: 1, 10240, 16>}, {transform_indices = @transform_1, window_bounds = array<i64: 1, 512, 16>}, {pipeline_mode = #tpu.pipeline_mode<synchronous>, transform_indices = @transform_2, window_bounds = array<i64: 8, 64>}, {transform_indices = @transform_3, window_bounds = array<i64: 1, 512, 64>}, {pipeline_mode = #tpu.pipeline_mode<synchronous>, transform_indices = @transform_4, window_bounds = array<i64: 1, 64>}, {pipeline_mode = #tpu.pipeline_mode<synchronous>, transform_indices = @transform_5, window_bounds = array<i64: 1, 64>}]} {
    %eq3A = arith.constant 0 : i32
    %eq3A_0 = arith.cmpi eq, %arg0, %eq3A : i32
    %eq3A_1 = arith.constant 0 : i32
    %eq3A_2 = arith.cmpi eq, %arg1, %eq3A_1 : i32
    %and3A = arith.andi %eq3A_0, %eq3A_2 : i1
    %get3A = arith.constant 0 : index
    %get3A_3 = arith.constant 0 : index
    %get3A_4 = arith.constant 0 : index
    %get3A_5 = vector.load %arg2[%get3A, %get3A_3, %get3A_4] : memref<1x10240x16xf32, #tpu.memory_space<vmem>>, vector<1x10240x16xf32>
    %get3A_6 = vector.shape_cast %get3A_5 : vector<1x10240x16xf32> to vector<10240x16xf32>
    %get3A_7 = arith.constant 0 : index
    %get3A_8 = arith.constant 0 : index
    %get3A_9 = arith.constant 0 : index
    %get3A_10 = vector.load %arg3[%get3A_7, %get3A_8, %get3A_9] : memref<1x512x16xf32, #tpu.memory_space<vmem>>, vector<1x512x16xf32>
    %get3A_11 = vector.shape_cast %get3A_10 : vector<1x512x16xf32> to vector<512x16xf32>
    %broadcast_in_dim3A = vector.shape_cast %get3A_11 : vector<512x16xf32> to vector<512x1x16xf32>
    %broadcast_in_dim3A_12 = vector.shape_cast %broadcast_in_dim3A : vector<512x1x16xf32> to vector<512x1x16xf32>
    %broadcast_in_dim3A_13 = vector.broadcast %broadcast_in_dim3A_12 : vector<512x1x16xf32> to vector<512x20x16xf32>
    %reshape3A = vector.shape_cast %broadcast_in_dim3A_13 : vector<512x20x16xf32> to vector<10240x16xf32>
    %slice3A = vector.extract_strided_slice %get3A_6 {offsets = [0, 0], sizes = [10240, 3], strides = [1, 1]} : vector<10240x16xf32> to vector<10240x3xf32>
    %slice3A_14 = vector.extract_strided_slice %reshape3A {offsets = [0, 0], sizes = [10240, 3], strides = [1, 1]} : vector<10240x16xf32> to vector<10240x3xf32>
    %sub3A = arith.subf %slice3A, %slice3A_14 : vector<10240x3xf32>
    %slice3A_15 = vector.extract_strided_slice %reshape3A {offsets = [0, 0], sizes = [10240, 3], strides = [1, 1]} : vector<10240x16xf32> to vector<10240x3xf32>
    %broadcast_in_dim3A_16 = arith.constant 0.000000e+00 : f32
    %broadcast_in_dim3A_17 = vector.broadcast %broadcast_in_dim3A_16 : f32 to vector<10240x2xf32>
    %concatenate3A = tpu.concatenate %sub3A, %slice3A_15, %broadcast_in_dim3A_17 in 1 : vector<10240x3xf32>, vector<10240x3xf32>, vector<10240x2xf32> -> vector<10240x8xf32>
    %convert_element_type3A = arith.truncf %concatenate3A : vector<10240x8xf32> to vector<10240x8xbf16>
    %get3A_18 = arith.constant 0 : index
    %get3A_19 = arith.constant 0 : index
    %get3A_20 = vector.load %arg4[%get3A_18, %get3A_19] : memref<8x64xbf16, #tpu.memory_space<vmem>>, vector<8x64xbf16>
    %dot_general3A = arith.constant dense<0.000000e+00> : vector<10240x64xf32>
    %dot_general3A_21 = tpu.matmul %convert_element_type3A, %get3A_20, %dot_general3A {dimension_numbers = #tpu.dot_dimension_numbers<[1], [0], [0], [1], [0, 0, 1, 1], [], []>, transpose_lhs_hint = false} : vector<10240x8xbf16>, vector<8x64xbf16>, vector<10240x64xf32> -> vector<10240x64xf32>
    %reshape3A_22 = vector.shape_cast %dot_general3A_21 : vector<10240x64xf32> to vector<512x20x64xf32>
    %reduce_max3A = arith.constant dense<0xFF800000> : vector<512x64xf32>
    %reduce_max3A_23 = vector.multi_reduction <maximumf>, %reshape3A_22, %reduce_max3A [1] : vector<512x20x64xf32> to vector<512x64xf32>
    %swap3A = arith.constant 0 : index
    %swap3A_24 = arith.constant 0 : index
    %swap3A_25 = arith.constant 0 : index
    %swap3A_26 = vector.load %arg5[%swap3A, %swap3A_24, %swap3A_25] : memref<1x512x64xf32, #tpu.memory_space<vmem>>, vector<1x512x64xf32>
    %swap3A_27 = vector.shape_cast %swap3A_26 : vector<1x512x64xf32> to vector<512x64xf32>
    %swap3A_28 = vector.shape_cast %reduce_max3A_23 : vector<512x64xf32> to vector<1x512x64xf32>
    tpu.vector_store %arg5[%swap3A, %swap3A_24, %swap3A_25], %swap3A_28 {strides = array<i32>} : memref<1x512x64xf32, #tpu.memory_space<vmem>>, vector<1x512x64xf32>,
    %reduce_sum3A = arith.constant dense<0.000000e+00> : vector<64xf32>
    %reduce_sum3A_29 = vector.multi_reduction <add>, %dot_general3A_21, %reduce_sum3A [0] : vector<10240x64xf32> to vector<64xf32>
    %broadcast_in_dim3A_30 = vector.shape_cast %reduce_sum3A_29 : vector<64xf32> to vector<1x64xf32>
    %mul3A = arith.mulf %dot_general3A_21, %dot_general3A_21 : vector<10240x64xf32>
    %reduce_sum3A_31 = arith.constant dense<0.000000e+00> : vector<64xf32>
    %reduce_sum3A_32 = vector.multi_reduction <add>, %mul3A, %reduce_sum3A_31 [0] : vector<10240x64xf32> to vector<64xf32>
    %broadcast_in_dim3A_33 = vector.shape_cast %reduce_sum3A_32 : vector<64xf32> to vector<1x64xf32>
    %convert_element_type3A_34 = arith.extui %and3A : i1 to i32
    %cond3A = arith.constant 0 : i32
    %cond3A_35 = arith.cmpi ne, %convert_element_type3A_34, %cond3A : i32
    scf.if %cond3A_35 {
      %swap3A_40 = arith.constant 0 : index
      %swap3A_41 = arith.constant 0 : index
      %swap3A_42 = vector.load %arg6[%swap3A_40, %swap3A_41] : memref<1x64xf32, #tpu.memory_space<vmem>>, vector<1x64xf32>
      tpu.vector_store %arg6[%swap3A_40, %swap3A_41], %broadcast_in_dim3A_30 {strides = array<i32>} : memref<1x64xf32, #tpu.memory_space<vmem>>, vector<1x64xf32>,
      %swap3A_43 = arith.constant 0 : index
      %swap3A_44 = arith.constant 0 : index
      %swap3A_45 = vector.load %arg7[%swap3A_43, %swap3A_44] : memref<1x64xf32, #tpu.memory_space<vmem>>, vector<1x64xf32>
      tpu.vector_store %arg7[%swap3A_43, %swap3A_44], %broadcast_in_dim3A_33 {strides = array<i32>} : memref<1x64xf32, #tpu.memory_space<vmem>>, vector<1x64xf32>,
    } else {
    }
    %not3A = arith.constant true
    %not3A_36 = arith.xori %and3A, %not3A : i1
    %convert_element_type3A_37 = arith.extui %not3A_36 : i1 to i32
    %cond3A_38 = arith.constant 0 : i32
    %cond3A_39 = arith.cmpi ne, %convert_element_type3A_37, %cond3A_38 : i32
    scf.if %cond3A_39 {
      %get3A_40 = arith.constant 0 : index
      %get3A_41 = arith.constant 0 : index
      %get3A_42 = vector.load %arg6[%get3A_40, %get3A_41] : memref<1x64xf32, #tpu.memory_space<vmem>>, vector<1x64xf32>
      %add3A = arith.addf %get3A_42, %broadcast_in_dim3A_30 : vector<1x64xf32>
      %swap3A_43 = arith.constant 0 : index
      %swap3A_44 = arith.constant 0 : index
      %swap3A_45 = vector.load %arg6[%swap3A_43, %swap3A_44] : memref<1x64xf32, #tpu.memory_space<vmem>>, vector<1x64xf32>
      tpu.vector_store %arg6[%swap3A_43, %swap3A_44], %add3A {strides = array<i32>} : memref<1x64xf32, #tpu.memory_space<vmem>>, vector<1x64xf32>,
      %get3A_46 = arith.constant 0 : index
      %get3A_47 = arith.constant 0 : index
      %get3A_48 = vector.load %arg7[%get3A_46, %get3A_47] : memref<1x64xf32, #tpu.memory_space<vmem>>, vector<1x64xf32>
      %add3A_49 = arith.addf %get3A_48, %broadcast_in_dim3A_33 : vector<1x64xf32>
      %swap3A_50 = arith.constant 0 : index
      %swap3A_51 = arith.constant 0 : index
      %swap3A_52 = vector.load %arg7[%swap3A_50, %swap3A_51] : memref<1x64xf32, #tpu.memory_space<vmem>>, vector<1x64xf32>
      tpu.vector_store %arg7[%swap3A_50, %swap3A_51], %add3A_49 {strides = array<i32>} : memref<1x64xf32, #tpu.memory_space<vmem>>, vector<1x64xf32>,
    } else {
    }
    return
  }
  func.func @transform_0(%arg0: i32, %arg1: i32) -> (i32, i32, i32) {
    %c0_i32 = arith.constant 0 : i32
    %c0_i32_0 = arith.constant 0 : i32
    return %arg0, %arg1, %c0_i32 : i32, i32, i32
  }
  func.func @transform_1(%arg0: i32, %arg1: i32) -> (i32, i32, i32) {
    %c0_i32 = arith.constant 0 : i32
    %c0_i32_0 = arith.constant 0 : i32
    return %arg0, %arg1, %c0_i32 : i32, i32, i32
  }
  func.func @transform_2(%arg0: i32, %arg1: i32) -> (i32, i32) {
    %c0_i32 = arith.constant 0 : i32
    %c0_i32_0 = arith.constant 0 : i32
    %c0_i32_1 = arith.constant 0 : i32
    return %c0_i32, %c0_i32_0 : i32, i32
  }
  func.func @transform_3(%arg0: i32, %arg1: i32) -> (i32, i32, i32) {
    %c0_i32 = arith.constant 0 : i32
    %c0_i32_0 = arith.constant 0 : i32
    return %arg0, %arg1, %c0_i32 : i32, i32, i32
  }
  func.func @transform_4(%arg0: i32, %arg1: i32) -> (i32, i32) {
    %c0_i32 = arith.constant 0 : i32
    %c0_i32_0 = arith.constant 0 : i32
    %c0_i32_1 = arith.constant 0 : i32
    return %c0_i32, %c0_i32_0 : i32, i32
  }
  func.func @transform_5(%arg0: i32, %arg1: i32) -> (i32, i32) {
    %c0_i32 = arith.constant 0 : i32
    %c0_i32_0 = arith.constant 0 : i32
    %c0_i32_1 = arith.constant 0 : i32
    return %c0_i32, %c0_i32_0 : i32, i32
  }
}

module attributes {stable_mosaic.version = 14 : i64} {
  func.func @_fin1_body(%arg0: memref<16384x64xf32, #tpu.memory_space<vmem>>, %arg1: memref<1x64xf32, #tpu.memory_space<vmem>>, %arg2: memref<1x64xf32, #tpu.memory_space<vmem>>, %arg3: memref<1x64xf32, #tpu.memory_space<vmem>>, %arg4: memref<1x64xf32, #tpu.memory_space<vmem>>, %arg5: memref<64x64xf32, #tpu.memory_space<vmem>>, %arg6: memref<64x64xf32, #tpu.memory_space<vmem>>, %arg7: memref<16384x64xf32, #tpu.memory_space<vmem>>, %arg8: memref<16384x64xf32, #tpu.memory_space<vmem>>, %arg9: memref<16384x64xf32, #tpu.memory_space<vmem>>) attributes {dimension_semantics = [], scalar_prefetch = 0 : i64, scratch_operands = 0 : i64, tpu.core_type = #tpu.core_type<tc>} {
    %get3A = arith.constant 0 : index
    %get3A_0 = arith.constant 0 : index
    %get3A_1 = vector.load %arg0[%get3A, %get3A_0] : memref<16384x64xf32, #tpu.memory_space<vmem>>, vector<16384x64xf32>
    %get3A_2 = arith.constant 0 : index
    %get3A_3 = arith.constant 0 : index
    %get3A_4 = vector.load %arg1[%get3A_2, %get3A_3] : memref<1x64xf32, #tpu.memory_space<vmem>>, vector<1x64xf32>
    %div3A = arith.constant 3.276800e+05 : f32
    %div3A_5 = vector.broadcast %div3A : f32 to vector<1x64xf32>
    %div3A_6 = arith.divf %get3A_4, %div3A_5 : vector<1x64xf32>
    %get3A_7 = arith.constant 0 : index
    %get3A_8 = arith.constant 0 : index
    %get3A_9 = vector.load %arg2[%get3A_7, %get3A_8] : memref<1x64xf32, #tpu.memory_space<vmem>>, vector<1x64xf32>
    %div3A_10 = arith.constant 3.276800e+05 : f32
    %div3A_11 = vector.broadcast %div3A_10 : f32 to vector<1x64xf32>
    %div3A_12 = arith.divf %get3A_9, %div3A_11 : vector<1x64xf32>
    %mul3A = arith.mulf %div3A_6, %div3A_6 : vector<1x64xf32>
    %sub3A = arith.subf %div3A_12, %mul3A : vector<1x64xf32>
    %sub3A_13 = vector.broadcast %div3A_6 : vector<1x64xf32> to vector<16384x64xf32>
    %sub3A_14 = arith.subf %get3A_1, %sub3A_13 : vector<16384x64xf32>
    %add3A = arith.constant 9.99999974E-6 : f32
    %add3A_15 = vector.broadcast %add3A : f32 to vector<1x64xf32>
    %add3A_16 = arith.addf %sub3A, %add3A_15 : vector<1x64xf32>
    %sqrt3A = math.sqrt %add3A_16 : vector<1x64xf32>
    %div3A_17 = vector.broadcast %sqrt3A : vector<1x64xf32> to vector<16384x64xf32>
    %div3A_18 = arith.divf %sub3A_14, %div3A_17 : vector<16384x64xf32>
    %get3A_19 = arith.constant 0 : index
    %get3A_20 = arith.constant 0 : index
    %get3A_21 = vector.load %arg3[%get3A_19, %get3A_20] : memref<1x64xf32, #tpu.memory_space<vmem>>, vector<1x64xf32>
    %mul3A_22 = vector.broadcast %get3A_21 : vector<1x64xf32> to vector<16384x64xf32>
    %mul3A_23 = arith.mulf %div3A_18, %mul3A_22 : vector<16384x64xf32>
    %get3A_24 = arith.constant 0 : index
    %get3A_25 = arith.constant 0 : index
    %get3A_26 = vector.load %arg4[%get3A_24, %get3A_25] : memref<1x64xf32, #tpu.memory_space<vmem>>, vector<1x64xf32>
    %add3A_27 = vector.broadcast %get3A_26 : vector<1x64xf32> to vector<16384x64xf32>
    %add3A_28 = arith.addf %mul3A_23, %add3A_27 : vector<16384x64xf32>
    %ge3A = arith.constant 0.000000e+00 : f32
    %ge3A_29 = vector.broadcast %ge3A : f32 to vector<16384x64xf32>
    %ge3A_30 = arith.cmpf oge, %add3A_28, %ge3A_29 : vector<16384x64xf32>
    %mul3A_31 = arith.constant 2.000000e-01 : f32
    %mul3A_32 = vector.broadcast %mul3A_31 : f32 to vector<16384x64xf32>
    %mul3A_33 = arith.mulf %mul3A_32, %add3A_28 : vector<16384x64xf32>
    %select_n3A = arith.select %ge3A_30, %add3A_28, %mul3A_33 : vector<16384x64xi1>, vector<16384x64xf32>
    %swap3A = arith.constant 0 : index
    %swap3A_34 = arith.constant 0 : index
    %swap3A_35 = vector.load %arg7[%swap3A, %swap3A_34] : memref<16384x64xf32, #tpu.memory_space<vmem>>, vector<16384x64xf32>
    tpu.vector_store %arg7[%swap3A, %swap3A_34], %select_n3A {strides = array<i32>} : memref<16384x64xf32, #tpu.memory_space<vmem>>, vector<16384x64xf32>,
    %get3A_36 = arith.constant 0 : index
    %get3A_37 = arith.constant 0 : index
    %get3A_38 = vector.load %arg5[%get3A_36, %get3A_37] : memref<64x64xf32, #tpu.memory_space<vmem>>, vector<64x64xf32>
    %dot_general3A = arith.constant dense<0.000000e+00> : vector<16384x64xf32>
    %dot_general3A_39 = tpu.matmul %select_n3A, %get3A_38, %dot_general3A {dimension_numbers = #tpu.dot_dimension_numbers<[1], [0], [0], [1], [0, 0, 1, 1], [], []>, transpose_lhs_hint = false} : vector<16384x64xf32>, vector<64x64xf32>, vector<16384x64xf32> -> vector<16384x64xf32>
    %swap3A_40 = arith.constant 0 : index
    %swap3A_41 = arith.constant 0 : index
    %swap3A_42 = vector.load %arg8[%swap3A_40, %swap3A_41] : memref<16384x64xf32, #tpu.memory_space<vmem>>, vector<16384x64xf32>
    tpu.vector_store %arg8[%swap3A_40, %swap3A_41], %dot_general3A_39 {strides = array<i32>} : memref<16384x64xf32, #tpu.memory_space<vmem>>, vector<16384x64xf32>,
    %get3A_43 = arith.constant 0 : index
    %get3A_44 = arith.constant 0 : index
    %get3A_45 = vector.load %arg6[%get3A_43, %get3A_44] : memref<64x64xf32, #tpu.memory_space<vmem>>, vector<64x64xf32>
    %dot_general3A_46 = arith.constant dense<0.000000e+00> : vector<16384x64xf32>
    %dot_general3A_47 = tpu.matmul %select_n3A, %get3A_45, %dot_general3A_46 {dimension_numbers = #tpu.dot_dimension_numbers<[1], [0], [0], [1], [0, 0, 1, 1], [], []>, transpose_lhs_hint = false} : vector<16384x64xf32>, vector<64x64xf32>, vector<16384x64xf32> -> vector<16384x64xf32>
    %swap3A_48 = arith.constant 0 : index
    %swap3A_49 = arith.constant 0 : index
    %swap3A_50 = vector.load %arg9[%swap3A_48, %swap3A_49] : memref<16384x64xf32, #tpu.memory_space<vmem>>, vector<16384x64xf32>
    tpu.vector_store %arg9[%swap3A_48, %swap3A_49], %dot_general3A_47 {strides = array<i32>} : memref<16384x64xf32, #tpu.memory_space<vmem>>, vector<16384x64xf32>,
    return
  }
}

module attributes {stable_mosaic.version = 14 : i64} {
  func.func @_knn_body(%arg0: i32, %arg1: i32, %arg2: memref<1x2048x64xf32, #tpu.memory_space<vmem>>, %arg3: memref<1x512x64xf32, #tpu.memory_space<vmem>>, %arg4: memref<1x512x20xi32, #tpu.memory_space<vmem>>) attributes {dimension_semantics = [#tpu.dimension_semantics<arbitrary>, #tpu.dimension_semantics<arbitrary>], iteration_bounds = array<i64: 8, 4>, scalar_prefetch = 0 : i64, scratch_operands = 0 : i64, tpu.core_type = #tpu.core_type<tc>, window_params = [{transform_indices = @transform_0, window_bounds = array<i64: 1, 2048, 64>}, {transform_indices = @transform_1, window_bounds = array<i64: 1, 512, 64>}, {transform_indices = @transform_2, window_bounds = array<i64: 1, 512, 20>}]} {
    %get3A = arith.constant 0 : index
    %get3A_0 = arith.constant 0 : index
    %get3A_1 = arith.constant 0 : index
    %get3A_2 = vector.load %arg2[%get3A, %get3A_0, %get3A_1] : memref<1x2048x64xf32, #tpu.memory_space<vmem>>, vector<1x2048x64xf32>
    %get3A_3 = vector.shape_cast %get3A_2 : vector<1x2048x64xf32> to vector<2048x64xf32>
    %get3A_4 = arith.constant 0 : index
    %get3A_5 = arith.constant 0 : index
    %get3A_6 = arith.constant 0 : index
    %get3A_7 = vector.load %arg3[%get3A_4, %get3A_5, %get3A_6] : memref<1x512x64xf32, #tpu.memory_space<vmem>>, vector<1x512x64xf32>
    %get3A_8 = vector.shape_cast %get3A_7 : vector<1x512x64xf32> to vector<512x64xf32>
    %mul3A = arith.mulf %get3A_3, %get3A_3 : vector<2048x64xf32>
    %reduce_sum3A = arith.constant dense<0.000000e+00> : vector<2048xf32>
    %reduce_sum3A_9 = vector.multi_reduction <add>, %mul3A, %reduce_sum3A [1] : vector<2048x64xf32> to vector<2048xf32>
    %broadcast_in_dim3A = vector.shape_cast %reduce_sum3A_9 : vector<2048xf32> to vector<2048x1xf32>
    %reshape3A = vector.shape_cast %broadcast_in_dim3A : vector<2048x1xf32> to vector<1x2048xf32>
    %mul3A_10 = arith.mulf %get3A_8, %get3A_8 : vector<512x64xf32>
    %reduce_sum3A_11 = arith.constant dense<0.000000e+00> : vector<512xf32>
    %reduce_sum3A_12 = vector.multi_reduction <add>, %mul3A_10, %reduce_sum3A_11 [1] : vector<512x64xf32> to vector<512xf32>
    %broadcast_in_dim3A_13 = vector.shape_cast %reduce_sum3A_12 : vector<512xf32> to vector<512x1xf32>
    %dot_general3A = arith.constant dense<0.000000e+00> : vector<512x2048xf32>
    %dot_general3A_14 = tpu.matmul %get3A_8, %get3A_3, %dot_general3A {dimension_numbers = #tpu.dot_dimension_numbers<[1], [1], [0], [0], [0, 0, 1, 0], [], []>, transpose_lhs_hint = false} : vector<512x64xf32>, vector<2048x64xf32>, vector<512x2048xf32> -> vector<512x2048xf32>
    %mul3A_15 = arith.constant 2.000000e+00 : f32
    %mul3A_16 = vector.broadcast %mul3A_15 : f32 to vector<512x2048xf32>
    %mul3A_17 = arith.mulf %mul3A_16, %dot_general3A_14 : vector<512x2048xf32>
    %sub3A = vector.broadcast %broadcast_in_dim3A_13 : vector<512x1xf32> to vector<512x2048xf32>
    %sub3A_18 = arith.subf %mul3A_17, %sub3A : vector<512x2048xf32>
    %sub3A_19 = vector.broadcast %reshape3A : vector<1x2048xf32> to vector<512x2048xf32>
    %sub3A_20 = arith.subf %sub3A_18, %sub3A_19 : vector<512x2048xf32>
    %iota3A = tpu.iota {dimensions = array<i32: 1>} : vector<512x2048xi32>
    %reduce_max3A = arith.constant dense<0xFF800000> : vector<512xf32>
    %reduce_max3A_21 = vector.multi_reduction <maximumf>, %sub3A_20, %reduce_max3A [1] : vector<512x2048xf32> to vector<512xf32>
    %broadcast_in_dim3A_22 = vector.shape_cast %reduce_max3A_21 : vector<512xf32> to vector<512x1xf32>
    %ge3A = vector.broadcast %broadcast_in_dim3A_22 : vector<512x1xf32> to vector<512x2048xf32>
    %ge3A_23 = arith.cmpf oge, %sub3A_20, %ge3A : vector<512x2048xf32>
    %jit3A = arith.constant 2048 : i32
    %broadcast_in_dim3A_24 = vector.broadcast %jit3A : i32 to vector<512x2048xi32>
    %select_n3A = arith.select %ge3A_23, %iota3A, %broadcast_in_dim3A_24 : vector<512x2048xi1>, vector<512x2048xi32>
    %reduce_min3A = arith.constant dense<2147483647> : vector<512xi32>
    %reduce_min3A_25 = vector.multi_reduction <minsi>, %select_n3A, %reduce_min3A [1] : vector<512x2048xi32> to vector<512xi32>
    %broadcast_in_dim3A_26 = vector.shape_cast %reduce_min3A_25 : vector<512xi32> to vector<512x1xi32>
    %eq3A = vector.broadcast %broadcast_in_dim3A_26 : vector<512x1xi32> to vector<512x2048xi32>
    %eq3A_27 = arith.cmpi eq, %iota3A, %eq3A : vector<512x2048xi32>
    %jit3A_28 = arith.constant -3.000000e+38 : f32
    %broadcast_in_dim3A_29 = vector.broadcast %jit3A_28 : f32 to vector<512x2048xf32>
    %select_n3A_30 = arith.select %eq3A_27, %broadcast_in_dim3A_29, %sub3A_20 : vector<512x2048xi1>, vector<512x2048xf32>
    %reduce_max3A_31 = arith.constant dense<0xFF800000> : vector<512xf32>
    %reduce_max3A_32 = vector.multi_reduction <maximumf>, %select_n3A_30, %reduce_max3A_31 [1] : vector<512x2048xf32> to vector<512xf32>
    %broadcast_in_dim3A_33 = vector.shape_cast %reduce_max3A_32 : vector<512xf32> to vector<512x1xf32>
    %ge3A_34 = vector.broadcast %broadcast_in_dim3A_33 : vector<512x1xf32> to vector<512x2048xf32>
    %ge3A_35 = arith.cmpf oge, %select_n3A_30, %ge3A_34 : vector<512x2048xf32>
    %jit3A_36 = arith.constant 2048 : i32
    %broadcast_in_dim3A_37 = vector.broadcast %jit3A_36 : i32 to vector<512x2048xi32>
    %select_n3A_38 = arith.select %ge3A_35, %iota3A, %broadcast_in_dim3A_37 : vector<512x2048xi1>, vector<512x2048xi32>
    %reduce_min3A_39 = arith.constant dense<2147483647> : vector<512xi32>
    %reduce_min3A_40 = vector.multi_reduction <minsi>, %select_n3A_38, %reduce_min3A_39 [1] : vector<512x2048xi32> to vector<512xi32>
    %broadcast_in_dim3A_41 = vector.shape_cast %reduce_min3A_40 : vector<512xi32> to vector<512x1xi32>
    %eq3A_42 = vector.broadcast %broadcast_in_dim3A_41 : vector<512x1xi32> to vector<512x2048xi32>
    %eq3A_43 = arith.cmpi eq, %iota3A, %eq3A_42 : vector<512x2048xi32>
    %jit3A_44 = arith.constant -3.000000e+38 : f32
    %broadcast_in_dim3A_45 = vector.broadcast %jit3A_44 : f32 to vector<512x2048xf32>
    %select_n3A_46 = arith.select %eq3A_43, %broadcast_in_dim3A_45, %select_n3A_30 : vector<512x2048xi1>, vector<512x2048xf32>
    %reduce_max3A_47 = arith.constant dense<0xFF800000> : vector<512xf32>
    %reduce_max3A_48 = vector.multi_reduction <maximumf>, %select_n3A_46, %reduce_max3A_47 [1] : vector<512x2048xf32> to vector<512xf32>
    %broadcast_in_dim3A_49 = vector.shape_cast %reduce_max3A_48 : vector<512xf32> to vector<512x1xf32>
    %ge3A_50 = vector.broadcast %broadcast_in_dim3A_49 : vector<512x1xf32> to vector<512x2048xf32>
    %ge3A_51 = arith.cmpf oge, %select_n3A_46, %ge3A_50 : vector<512x2048xf32>
    %jit3A_52 = arith.constant 2048 : i32
    %broadcast_in_dim3A_53 = vector.broadcast %jit3A_52 : i32 to vector<512x2048xi32>
    %select_n3A_54 = arith.select %ge3A_51, %iota3A, %broadcast_in_dim3A_53 : vector<512x2048xi1>, vector<512x2048xi32>
    %reduce_min3A_55 = arith.constant dense<2147483647> : vector<512xi32>
    %reduce_min3A_56 = vector.multi_reduction <minsi>, %select_n3A_54, %reduce_min3A_55 [1] : vector<512x2048xi32> to vector<512xi32>
    %broadcast_in_dim3A_57 = vector.shape_cast %reduce_min3A_56 : vector<512xi32> to vector<512x1xi32>
    %eq3A_58 = vector.broadcast %broadcast_in_dim3A_57 : vector<512x1xi32> to vector<512x2048xi32>
    %eq3A_59 = arith.cmpi eq, %iota3A, %eq3A_58 : vector<512x2048xi32>
    %jit3A_60 = arith.constant -3.000000e+38 : f32
    %broadcast_in_dim3A_61 = vector.broadcast %jit3A_60 : f32 to vector<512x2048xf32>
    %select_n3A_62 = arith.select %eq3A_59, %broadcast_in_dim3A_61, %select_n3A_46 : vector<512x2048xi1>, vector<512x2048xf32>
    %reduce_max3A_63 = arith.constant dense<0xFF800000> : vector<512xf32>
    %reduce_max3A_64 = vector.multi_reduction <maximumf>, %select_n3A_62, %reduce_max3A_63 [1] : vector<512x2048xf32> to vector<512xf32>
    %broadcast_in_dim3A_65 = vector.shape_cast %reduce_max3A_64 : vector<512xf32> to vector<512x1xf32>
    %ge3A_66 = vector.broadcast %broadcast_in_dim3A_65 : vector<512x1xf32> to vector<512x2048xf32>
    %ge3A_67 = arith.cmpf oge, %select_n3A_62, %ge3A_66 : vector<512x2048xf32>
    %jit3A_68 = arith.constant 2048 : i32
    %broadcast_in_dim3A_69 = vector.broadcast %jit3A_68 : i32 to vector<512x2048xi32>
    %select_n3A_70 = arith.select %ge3A_67, %iota3A, %broadcast_in_dim3A_69 : vector<512x2048xi1>, vector<512x2048xi32>
    %reduce_min3A_71 = arith.constant dense<2147483647> : vector<512xi32>
    %reduce_min3A_72 = vector.multi_reduction <minsi>, %select_n3A_70, %reduce_min3A_71 [1] : vector<512x2048xi32> to vector<512xi32>
    %broadcast_in_dim3A_73 = vector.shape_cast %reduce_min3A_72 : vector<512xi32> to vector<512x1xi32>
    %eq3A_74 = vector.broadcast %broadcast_in_dim3A_73 : vector<512x1xi32> to vector<512x2048xi32>
    %eq3A_75 = arith.cmpi eq, %iota3A, %eq3A_74 : vector<512x2048xi32>
    %jit3A_76 = arith.constant -3.000000e+38 : f32
    %broadcast_in_dim3A_77 = vector.broadcast %jit3A_76 : f32 to vector<512x2048xf32>
    %select_n3A_78 = arith.select %eq3A_75, %broadcast_in_dim3A_77, %select_n3A_62 : vector<512x2048xi1>, vector<512x2048xf32>
    %reduce_max3A_79 = arith.constant dense<0xFF800000> : vector<512xf32>
    %reduce_max3A_80 = vector.multi_reduction <maximumf>, %select_n3A_78, %reduce_max3A_79 [1] : vector<512x2048xf32> to vector<512xf32>
    %broadcast_in_dim3A_81 = vector.shape_cast %reduce_max3A_80 : vector<512xf32> to vector<512x1xf32>
    %ge3A_82 = vector.broadcast %broadcast_in_dim3A_81 : vector<512x1xf32> to vector<512x2048xf32>
    %ge3A_83 = arith.cmpf oge, %select_n3A_78, %ge3A_82 : vector<512x2048xf32>
    %jit3A_84 = arith.constant 2048 : i32
    %broadcast_in_dim3A_85 = vector.broadcast %jit3A_84 : i32 to vector<512x2048xi32>
    %select_n3A_86 = arith.select %ge3A_83, %iota3A, %broadcast_in_dim3A_85 : vector<512x2048xi1>, vector<512x2048xi32>
    %reduce_min3A_87 = arith.constant dense<2147483647> : vector<512xi32>
    %reduce_min3A_88 = vector.multi_reduction <minsi>, %select_n3A_86, %reduce_min3A_87 [1] : vector<512x2048xi32> to vector<512xi32>
    %broadcast_in_dim3A_89 = vector.shape_cast %reduce_min3A_88 : vector<512xi32> to vector<512x1xi32>
    %eq3A_90 = vector.broadcast %broadcast_in_dim3A_89 : vector<512x1xi32> to vector<512x2048xi32>
    %eq3A_91 = arith.cmpi eq, %iota3A, %eq3A_90 : vector<512x2048xi32>
    %jit3A_92 = arith.constant -3.000000e+38 : f32
    %broadcast_in_dim3A_93 = vector.broadcast %jit3A_92 : f32 to vector<512x2048xf32>
    %select_n3A_94 = arith.select %eq3A_91, %broadcast_in_dim3A_93, %select_n3A_78 : vector<512x2048xi1>, vector<512x2048xf32>
    %reduce_max3A_95 = arith.constant dense<0xFF800000> : vector<512xf32>
    %reduce_max3A_96 = vector.multi_reduction <maximumf>, %select_n3A_94, %reduce_max3A_95 [1] : vector<512x2048xf32> to vector<512xf32>
    %broadcast_in_dim3A_97 = vector.shape_cast %reduce_max3A_96 : vector<512xf32> to vector<512x1xf32>
    %ge3A_98 = vector.broadcast %broadcast_in_dim3A_97 : vector<512x1xf32> to vector<512x2048xf32>
    %ge3A_99 = arith.cmpf oge, %select_n3A_94, %ge3A_98 : vector<512x2048xf32>
    %jit3A_100 = arith.constant 2048 : i32
    %broadcast_in_dim3A_101 = vector.broadcast %jit3A_100 : i32 to vector<512x2048xi32>
    %select_n3A_102 = arith.select %ge3A_99, %iota3A, %broadcast_in_dim3A_101 : vector<512x2048xi1>, vector<512x2048xi32>
    %reduce_min3A_103 = arith.constant dense<2147483647> : vector<512xi32>
    %reduce_min3A_104 = vector.multi_reduction <minsi>, %select_n3A_102, %reduce_min3A_103 [1] : vector<512x2048xi32> to vector<512xi32>
    %broadcast_in_dim3A_105 = vector.shape_cast %reduce_min3A_104 : vector<512xi32> to vector<512x1xi32>
    %eq3A_106 = vector.broadcast %broadcast_in_dim3A_105 : vector<512x1xi32> to vector<512x2048xi32>
    %eq3A_107 = arith.cmpi eq, %iota3A, %eq3A_106 : vector<512x2048xi32>
    %jit3A_108 = arith.constant -3.000000e+38 : f32
    %broadcast_in_dim3A_109 = vector.broadcast %jit3A_108 : f32 to vector<512x2048xf32>
    %select_n3A_110 = arith.select %eq3A_107, %broadcast_in_dim3A_109, %select_n3A_94 : vector<512x2048xi1>, vector<512x2048xf32>
    %reduce_max3A_111 = arith.constant dense<0xFF800000> : vector<512xf32>
    %reduce_max3A_112 = vector.multi_reduction <maximumf>, %select_n3A_110, %reduce_max3A_111 [1] : vector<512x2048xf32> to vector<512xf32>
    %broadcast_in_dim3A_113 = vector.shape_cast %reduce_max3A_112 : vector<512xf32> to vector<512x1xf32>
    %ge3A_114 = vector.broadcast %broadcast_in_dim3A_113 : vector<512x1xf32> to vector<512x2048xf32>
    %ge3A_115 = arith.cmpf oge, %select_n3A_110, %ge3A_114 : vector<512x2048xf32>
    %jit3A_116 = arith.constant 2048 : i32
    %broadcast_in_dim3A_117 = vector.broadcast %jit3A_116 : i32 to vector<512x2048xi32>
    %select_n3A_118 = arith.select %ge3A_115, %iota3A, %broadcast_in_dim3A_117 : vector<512x2048xi1>, vector<512x2048xi32>
    %reduce_min3A_119 = arith.constant dense<2147483647> : vector<512xi32>
    %reduce_min3A_120 = vector.multi_reduction <minsi>, %select_n3A_118, %reduce_min3A_119 [1] : vector<512x2048xi32> to vector<512xi32>
    %broadcast_in_dim3A_121 = vector.shape_cast %reduce_min3A_120 : vector<512xi32> to vector<512x1xi32>
    %eq3A_122 = vector.broadcast %broadcast_in_dim3A_121 : vector<512x1xi32> to vector<512x2048xi32>
    %eq3A_123 = arith.cmpi eq, %iota3A, %eq3A_122 : vector<512x2048xi32>
    %jit3A_124 = arith.constant -3.000000e+38 : f32
    %broadcast_in_dim3A_125 = vector.broadcast %jit3A_124 : f32 to vector<512x2048xf32>
    %select_n3A_126 = arith.select %eq3A_123, %broadcast_in_dim3A_125, %select_n3A_110 : vector<512x2048xi1>, vector<512x2048xf32>
    %reduce_max3A_127 = arith.constant dense<0xFF800000> : vector<512xf32>
    %reduce_max3A_128 = vector.multi_reduction <maximumf>, %select_n3A_126, %reduce_max3A_127 [1] : vector<512x2048xf32> to vector<512xf32>
    %broadcast_in_dim3A_129 = vector.shape_cast %reduce_max3A_128 : vector<512xf32> to vector<512x1xf32>
    %ge3A_130 = vector.broadcast %broadcast_in_dim3A_129 : vector<512x1xf32> to vector<512x2048xf32>
    %ge3A_131 = arith.cmpf oge, %select_n3A_126, %ge3A_130 : vector<512x2048xf32>
    %jit3A_132 = arith.constant 2048 : i32
    %broadcast_in_dim3A_133 = vector.broadcast %jit3A_132 : i32 to vector<512x2048xi32>
    %select_n3A_134 = arith.select %ge3A_131, %iota3A, %broadcast_in_dim3A_133 : vector<512x2048xi1>, vector<512x2048xi32>
    %reduce_min3A_135 = arith.constant dense<2147483647> : vector<512xi32>
    %reduce_min3A_136 = vector.multi_reduction <minsi>, %select_n3A_134, %reduce_min3A_135 [1] : vector<512x2048xi32> to vector<512xi32>
    %broadcast_in_dim3A_137 = vector.shape_cast %reduce_min3A_136 : vector<512xi32> to vector<512x1xi32>
    %eq3A_138 = vector.broadcast %broadcast_in_dim3A_137 : vector<512x1xi32> to vector<512x2048xi32>
    %eq3A_139 = arith.cmpi eq, %iota3A, %eq3A_138 : vector<512x2048xi32>
    %jit3A_140 = arith.constant -3.000000e+38 : f32
    %broadcast_in_dim3A_141 = vector.broadcast %jit3A_140 : f32 to vector<512x2048xf32>
    %select_n3A_142 = arith.select %eq3A_139, %broadcast_in_dim3A_141, %select_n3A_126 : vector<512x2048xi1>, vector<512x2048xf32>
    %reduce_max3A_143 = arith.constant dense<0xFF800000> : vector<512xf32>
    %reduce_max3A_144 = vector.multi_reduction <maximumf>, %select_n3A_142, %reduce_max3A_143 [1] : vector<512x2048xf32> to vector<512xf32>
    %broadcast_in_dim3A_145 = vector.shape_cast %reduce_max3A_144 : vector<512xf32> to vector<512x1xf32>
    %ge3A_146 = vector.broadcast %broadcast_in_dim3A_145 : vector<512x1xf32> to vector<512x2048xf32>
    %ge3A_147 = arith.cmpf oge, %select_n3A_142, %ge3A_146 : vector<512x2048xf32>
    %jit3A_148 = arith.constant 2048 : i32
    %broadcast_in_dim3A_149 = vector.broadcast %jit3A_148 : i32 to vector<512x2048xi32>
    %select_n3A_150 = arith.select %ge3A_147, %iota3A, %broadcast_in_dim3A_149 : vector<512x2048xi1>, vector<512x2048xi32>
    %reduce_min3A_151 = arith.constant dense<2147483647> : vector<512xi32>
    %reduce_min3A_152 = vector.multi_reduction <minsi>, %select_n3A_150, %reduce_min3A_151 [1] : vector<512x2048xi32> to vector<512xi32>
    %broadcast_in_dim3A_153 = vector.shape_cast %reduce_min3A_152 : vector<512xi32> to vector<512x1xi32>
    %eq3A_154 = vector.broadcast %broadcast_in_dim3A_153 : vector<512x1xi32> to vector<512x2048xi32>
    %eq3A_155 = arith.cmpi eq, %iota3A, %eq3A_154 : vector<512x2048xi32>
    %jit3A_156 = arith.constant -3.000000e+38 : f32
    %broadcast_in_dim3A_157 = vector.broadcast %jit3A_156 : f32 to vector<512x2048xf32>
    %select_n3A_158 = arith.select %eq3A_155, %broadcast_in_dim3A_157, %select_n3A_142 : vector<512x2048xi1>, vector<512x2048xf32>
    %reduce_max3A_159 = arith.constant dense<0xFF800000> : vector<512xf32>
    %reduce_max3A_160 = vector.multi_reduction <maximumf>, %select_n3A_158, %reduce_max3A_159 [1] : vector<512x2048xf32> to vector<512xf32>
    %broadcast_in_dim3A_161 = vector.shape_cast %reduce_max3A_160 : vector<512xf32> to vector<512x1xf32>
    %ge3A_162 = vector.broadcast %broadcast_in_dim3A_161 : vector<512x1xf32> to vector<512x2048xf32>
    %ge3A_163 = arith.cmpf oge, %select_n3A_158, %ge3A_162 : vector<512x2048xf32>
    %jit3A_164 = arith.constant 2048 : i32
    %broadcast_in_dim3A_165 = vector.broadcast %jit3A_164 : i32 to vector<512x2048xi32>
    %select_n3A_166 = arith.select %ge3A_163, %iota3A, %broadcast_in_dim3A_165 : vector<512x2048xi1>, vector<512x2048xi32>
    %reduce_min3A_167 = arith.constant dense<2147483647> : vector<512xi32>
    %reduce_min3A_168 = vector.multi_reduction <minsi>, %select_n3A_166, %reduce_min3A_167 [1] : vector<512x2048xi32> to vector<512xi32>
    %broadcast_in_dim3A_169 = vector.shape_cast %reduce_min3A_168 : vector<512xi32> to vector<512x1xi32>
    %eq3A_170 = vector.broadcast %broadcast_in_dim3A_169 : vector<512x1xi32> to vector<512x2048xi32>
    %eq3A_171 = arith.cmpi eq, %iota3A, %eq3A_170 : vector<512x2048xi32>
    %jit3A_172 = arith.constant -3.000000e+38 : f32
    %broadcast_in_dim3A_173 = vector.broadcast %jit3A_172 : f32 to vector<512x2048xf32>
    %select_n3A_174 = arith.select %eq3A_171, %broadcast_in_dim3A_173, %select_n3A_158 : vector<512x2048xi1>, vector<512x2048xf32>
    %reduce_max3A_175 = arith.constant dense<0xFF800000> : vector<512xf32>
    %reduce_max3A_176 = vector.multi_reduction <maximumf>, %select_n3A_174, %reduce_max3A_175 [1] : vector<512x2048xf32> to vector<512xf32>
    %broadcast_in_dim3A_177 = vector.shape_cast %reduce_max3A_176 : vector<512xf32> to vector<512x1xf32>
    %ge3A_178 = vector.broadcast %broadcast_in_dim3A_177 : vector<512x1xf32> to vector<512x2048xf32>
    %ge3A_179 = arith.cmpf oge, %select_n3A_174, %ge3A_178 : vector<512x2048xf32>
    %jit3A_180 = arith.constant 2048 : i32
    %broadcast_in_dim3A_181 = vector.broadcast %jit3A_180 : i32 to vector<512x2048xi32>
    %select_n3A_182 = arith.select %ge3A_179, %iota3A, %broadcast_in_dim3A_181 : vector<512x2048xi1>, vector<512x2048xi32>
    %reduce_min3A_183 = arith.constant dense<2147483647> : vector<512xi32>
    %reduce_min3A_184 = vector.multi_reduction <minsi>, %select_n3A_182, %reduce_min3A_183 [1] : vector<512x2048xi32> to vector<512xi32>
    %broadcast_in_dim3A_185 = vector.shape_cast %reduce_min3A_184 : vector<512xi32> to vector<512x1xi32>
    %eq3A_186 = vector.broadcast %broadcast_in_dim3A_185 : vector<512x1xi32> to vector<512x2048xi32>
    %eq3A_187 = arith.cmpi eq, %iota3A, %eq3A_186 : vector<512x2048xi32>
    %jit3A_188 = arith.constant -3.000000e+38 : f32
    %broadcast_in_dim3A_189 = vector.broadcast %jit3A_188 : f32 to vector<512x2048xf32>
    %select_n3A_190 = arith.select %eq3A_187, %broadcast_in_dim3A_189, %select_n3A_174 : vector<512x2048xi1>, vector<512x2048xf32>
    %reduce_max3A_191 = arith.constant dense<0xFF800000> : vector<512xf32>
    %reduce_max3A_192 = vector.multi_reduction <maximumf>, %select_n3A_190, %reduce_max3A_191 [1] : vector<512x2048xf32> to vector<512xf32>
    %broadcast_in_dim3A_193 = vector.shape_cast %reduce_max3A_192 : vector<512xf32> to vector<512x1xf32>
    %ge3A_194 = vector.broadcast %broadcast_in_dim3A_193 : vector<512x1xf32> to vector<512x2048xf32>
    %ge3A_195 = arith.cmpf oge, %select_n3A_190, %ge3A_194 : vector<512x2048xf32>
    %jit3A_196 = arith.constant 2048 : i32
    %broadcast_in_dim3A_197 = vector.broadcast %jit3A_196 : i32 to vector<512x2048xi32>
    %select_n3A_198 = arith.select %ge3A_195, %iota3A, %broadcast_in_dim3A_197 : vector<512x2048xi1>, vector<512x2048xi32>
    %reduce_min3A_199 = arith.constant dense<2147483647> : vector<512xi32>
    %reduce_min3A_200 = vector.multi_reduction <minsi>, %select_n3A_198, %reduce_min3A_199 [1] : vector<512x2048xi32> to vector<512xi32>
    %broadcast_in_dim3A_201 = vector.shape_cast %reduce_min3A_200 : vector<512xi32> to vector<512x1xi32>
    %eq3A_202 = vector.broadcast %broadcast_in_dim3A_201 : vector<512x1xi32> to vector<512x2048xi32>
    %eq3A_203 = arith.cmpi eq, %iota3A, %eq3A_202 : vector<512x2048xi32>
    %jit3A_204 = arith.constant -3.000000e+38 : f32
    %broadcast_in_dim3A_205 = vector.broadcast %jit3A_204 : f32 to vector<512x2048xf32>
    %select_n3A_206 = arith.select %eq3A_203, %broadcast_in_dim3A_205, %select_n3A_190 : vector<512x2048xi1>, vector<512x2048xf32>
    %reduce_max3A_207 = arith.constant dense<0xFF800000> : vector<512xf32>
    %reduce_max3A_208 = vector.multi_reduction <maximumf>, %select_n3A_206, %reduce_max3A_207 [1] : vector<512x2048xf32> to vector<512xf32>
    %broadcast_in_dim3A_209 = vector.shape_cast %reduce_max3A_208 : vector<512xf32> to vector<512x1xf32>
    %ge3A_210 = vector.broadcast %broadcast_in_dim3A_209 : vector<512x1xf32> to vector<512x2048xf32>
    %ge3A_211 = arith.cmpf oge, %select_n3A_206, %ge3A_210 : vector<512x2048xf32>
    %jit3A_212 = arith.constant 2048 : i32
    %broadcast_in_dim3A_213 = vector.broadcast %jit3A_212 : i32 to vector<512x2048xi32>
    %select_n3A_214 = arith.select %ge3A_211, %iota3A, %broadcast_in_dim3A_213 : vector<512x2048xi1>, vector<512x2048xi32>
    %reduce_min3A_215 = arith.constant dense<2147483647> : vector<512xi32>
    %reduce_min3A_216 = vector.multi_reduction <minsi>, %select_n3A_214, %reduce_min3A_215 [1] : vector<512x2048xi32> to vector<512xi32>
    %broadcast_in_dim3A_217 = vector.shape_cast %reduce_min3A_216 : vector<512xi32> to vector<512x1xi32>
    %eq3A_218 = vector.broadcast %broadcast_in_dim3A_217 : vector<512x1xi32> to vector<512x2048xi32>
    %eq3A_219 = arith.cmpi eq, %iota3A, %eq3A_218 : vector<512x2048xi32>
    %jit3A_220 = arith.constant -3.000000e+38 : f32
    %broadcast_in_dim3A_221 = vector.broadcast %jit3A_220 : f32 to vector<512x2048xf32>
    %select_n3A_222 = arith.select %eq3A_219, %broadcast_in_dim3A_221, %select_n3A_206 : vector<512x2048xi1>, vector<512x2048xf32>
    %reduce_max3A_223 = arith.constant dense<0xFF800000> : vector<512xf32>
    %reduce_max3A_224 = vector.multi_reduction <maximumf>, %select_n3A_222, %reduce_max3A_223 [1] : vector<512x2048xf32> to vector<512xf32>
    %broadcast_in_dim3A_225 = vector.shape_cast %reduce_max3A_224 : vector<512xf32> to vector<512x1xf32>
    %ge3A_226 = vector.broadcast %broadcast_in_dim3A_225 : vector<512x1xf32> to vector<512x2048xf32>
    %ge3A_227 = arith.cmpf oge, %select_n3A_222, %ge3A_226 : vector<512x2048xf32>
    %jit3A_228 = arith.constant 2048 : i32
    %broadcast_in_dim3A_229 = vector.broadcast %jit3A_228 : i32 to vector<512x2048xi32>
    %select_n3A_230 = arith.select %ge3A_227, %iota3A, %broadcast_in_dim3A_229 : vector<512x2048xi1>, vector<512x2048xi32>
    %reduce_min3A_231 = arith.constant dense<2147483647> : vector<512xi32>
    %reduce_min3A_232 = vector.multi_reduction <minsi>, %select_n3A_230, %reduce_min3A_231 [1] : vector<512x2048xi32> to vector<512xi32>
    %broadcast_in_dim3A_233 = vector.shape_cast %reduce_min3A_232 : vector<512xi32> to vector<512x1xi32>
    %eq3A_234 = vector.broadcast %broadcast_in_dim3A_233 : vector<512x1xi32> to vector<512x2048xi32>
    %eq3A_235 = arith.cmpi eq, %iota3A, %eq3A_234 : vector<512x2048xi32>
    %jit3A_236 = arith.constant -3.000000e+38 : f32
    %broadcast_in_dim3A_237 = vector.broadcast %jit3A_236 : f32 to vector<512x2048xf32>
    %select_n3A_238 = arith.select %eq3A_235, %broadcast_in_dim3A_237, %select_n3A_222 : vector<512x2048xi1>, vector<512x2048xf32>
    %reduce_max3A_239 = arith.constant dense<0xFF800000> : vector<512xf32>
    %reduce_max3A_240 = vector.multi_reduction <maximumf>, %select_n3A_238, %reduce_max3A_239 [1] : vector<512x2048xf32> to vector<512xf32>
    %broadcast_in_dim3A_241 = vector.shape_cast %reduce_max3A_240 : vector<512xf32> to vector<512x1xf32>
    %ge3A_242 = vector.broadcast %broadcast_in_dim3A_241 : vector<512x1xf32> to vector<512x2048xf32>
    %ge3A_243 = arith.cmpf oge, %select_n3A_238, %ge3A_242 : vector<512x2048xf32>
    %jit3A_244 = arith.constant 2048 : i32
    %broadcast_in_dim3A_245 = vector.broadcast %jit3A_244 : i32 to vector<512x2048xi32>
    %select_n3A_246 = arith.select %ge3A_243, %iota3A, %broadcast_in_dim3A_245 : vector<512x2048xi1>, vector<512x2048xi32>
    %reduce_min3A_247 = arith.constant dense<2147483647> : vector<512xi32>
    %reduce_min3A_248 = vector.multi_reduction <minsi>, %select_n3A_246, %reduce_min3A_247 [1] : vector<512x2048xi32> to vector<512xi32>
    %broadcast_in_dim3A_249 = vector.shape_cast %reduce_min3A_248 : vector<512xi32> to vector<512x1xi32>
    %eq3A_250 = vector.broadcast %broadcast_in_dim3A_249 : vector<512x1xi32> to vector<512x2048xi32>
    %eq3A_251 = arith.cmpi eq, %iota3A, %eq3A_250 : vector<512x2048xi32>
    %jit3A_252 = arith.constant -3.000000e+38 : f32
    %broadcast_in_dim3A_253 = vector.broadcast %jit3A_252 : f32 to vector<512x2048xf32>
    %select_n3A_254 = arith.select %eq3A_251, %broadcast_in_dim3A_253, %select_n3A_238 : vector<512x2048xi1>, vector<512x2048xf32>
    %reduce_max3A_255 = arith.constant dense<0xFF800000> : vector<512xf32>
    %reduce_max3A_256 = vector.multi_reduction <maximumf>, %select_n3A_254, %reduce_max3A_255 [1] : vector<512x2048xf32> to vector<512xf32>
    %broadcast_in_dim3A_257 = vector.shape_cast %reduce_max3A_256 : vector<512xf32> to vector<512x1xf32>
    %ge3A_258 = vector.broadcast %broadcast_in_dim3A_257 : vector<512x1xf32> to vector<512x2048xf32>
    %ge3A_259 = arith.cmpf oge, %select_n3A_254, %ge3A_258 : vector<512x2048xf32>
    %jit3A_260 = arith.constant 2048 : i32
    %broadcast_in_dim3A_261 = vector.broadcast %jit3A_260 : i32 to vector<512x2048xi32>
    %select_n3A_262 = arith.select %ge3A_259, %iota3A, %broadcast_in_dim3A_261 : vector<512x2048xi1>, vector<512x2048xi32>
    %reduce_min3A_263 = arith.constant dense<2147483647> : vector<512xi32>
    %reduce_min3A_264 = vector.multi_reduction <minsi>, %select_n3A_262, %reduce_min3A_263 [1] : vector<512x2048xi32> to vector<512xi32>
    %broadcast_in_dim3A_265 = vector.shape_cast %reduce_min3A_264 : vector<512xi32> to vector<512x1xi32>
    %eq3A_266 = vector.broadcast %broadcast_in_dim3A_265 : vector<512x1xi32> to vector<512x2048xi32>
    %eq3A_267 = arith.cmpi eq, %iota3A, %eq3A_266 : vector<512x2048xi32>
    %jit3A_268 = arith.constant -3.000000e+38 : f32
    %broadcast_in_dim3A_269 = vector.broadcast %jit3A_268 : f32 to vector<512x2048xf32>
    %select_n3A_270 = arith.select %eq3A_267, %broadcast_in_dim3A_269, %select_n3A_254 : vector<512x2048xi1>, vector<512x2048xf32>
    %reduce_max3A_271 = arith.constant dense<0xFF800000> : vector<512xf32>
    %reduce_max3A_272 = vector.multi_reduction <maximumf>, %select_n3A_270, %reduce_max3A_271 [1] : vector<512x2048xf32> to vector<512xf32>
    %broadcast_in_dim3A_273 = vector.shape_cast %reduce_max3A_272 : vector<512xf32> to vector<512x1xf32>
    %ge3A_274 = vector.broadcast %broadcast_in_dim3A_273 : vector<512x1xf32> to vector<512x2048xf32>
    %ge3A_275 = arith.cmpf oge, %select_n3A_270, %ge3A_274 : vector<512x2048xf32>
    %jit3A_276 = arith.constant 2048 : i32
    %broadcast_in_dim3A_277 = vector.broadcast %jit3A_276 : i32 to vector<512x2048xi32>
    %select_n3A_278 = arith.select %ge3A_275, %iota3A, %broadcast_in_dim3A_277 : vector<512x2048xi1>, vector<512x2048xi32>
    %reduce_min3A_279 = arith.constant dense<2147483647> : vector<512xi32>
    %reduce_min3A_280 = vector.multi_reduction <minsi>, %select_n3A_278, %reduce_min3A_279 [1] : vector<512x2048xi32> to vector<512xi32>
    %broadcast_in_dim3A_281 = vector.shape_cast %reduce_min3A_280 : vector<512xi32> to vector<512x1xi32>
    %eq3A_282 = vector.broadcast %broadcast_in_dim3A_281 : vector<512x1xi32> to vector<512x2048xi32>
    %eq3A_283 = arith.cmpi eq, %iota3A, %eq3A_282 : vector<512x2048xi32>
    %jit3A_284 = arith.constant -3.000000e+38 : f32
    %broadcast_in_dim3A_285 = vector.broadcast %jit3A_284 : f32 to vector<512x2048xf32>
    %select_n3A_286 = arith.select %eq3A_283, %broadcast_in_dim3A_285, %select_n3A_270 : vector<512x2048xi1>, vector<512x2048xf32>
    %reduce_max3A_287 = arith.constant dense<0xFF800000> : vector<512xf32>
    %reduce_max3A_288 = vector.multi_reduction <maximumf>, %select_n3A_286, %reduce_max3A_287 [1] : vector<512x2048xf32> to vector<512xf32>
    %broadcast_in_dim3A_289 = vector.shape_cast %reduce_max3A_288 : vector<512xf32> to vector<512x1xf32>
    %ge3A_290 = vector.broadcast %broadcast_in_dim3A_289 : vector<512x1xf32> to vector<512x2048xf32>
    %ge3A_291 = arith.cmpf oge, %select_n3A_286, %ge3A_290 : vector<512x2048xf32>
    %jit3A_292 = arith.constant 2048 : i32
    %broadcast_in_dim3A_293 = vector.broadcast %jit3A_292 : i32 to vector<512x2048xi32>
    %select_n3A_294 = arith.select %ge3A_291, %iota3A, %broadcast_in_dim3A_293 : vector<512x2048xi1>, vector<512x2048xi32>
    %reduce_min3A_295 = arith.constant dense<2147483647> : vector<512xi32>
    %reduce_min3A_296 = vector.multi_reduction <minsi>, %select_n3A_294, %reduce_min3A_295 [1] : vector<512x2048xi32> to vector<512xi32>
    %broadcast_in_dim3A_297 = vector.shape_cast %reduce_min3A_296 : vector<512xi32> to vector<512x1xi32>
    %eq3A_298 = vector.broadcast %broadcast_in_dim3A_297 : vector<512x1xi32> to vector<512x2048xi32>
    %eq3A_299 = arith.cmpi eq, %iota3A, %eq3A_298 : vector<512x2048xi32>
    %jit3A_300 = arith.constant -3.000000e+38 : f32
    %broadcast_in_dim3A_301 = vector.broadcast %jit3A_300 : f32 to vector<512x2048xf32>
    %select_n3A_302 = arith.select %eq3A_299, %broadcast_in_dim3A_301, %select_n3A_286 : vector<512x2048xi1>, vector<512x2048xf32>
    %reduce_max3A_303 = arith.constant dense<0xFF800000> : vector<512xf32>
    %reduce_max3A_304 = vector.multi_reduction <maximumf>, %select_n3A_302, %reduce_max3A_303 [1] : vector<512x2048xf32> to vector<512xf32>
    %broadcast_in_dim3A_305 = vector.shape_cast %reduce_max3A_304 : vector<512xf32> to vector<512x1xf32>
    %ge3A_306 = vector.broadcast %broadcast_in_dim3A_305 : vector<512x1xf32> to vector<512x2048xf32>
    %ge3A_307 = arith.cmpf oge, %select_n3A_302, %ge3A_306 : vector<512x2048xf32>
    %jit3A_308 = arith.constant 2048 : i32
    %broadcast_in_dim3A_309 = vector.broadcast %jit3A_308 : i32 to vector<512x2048xi32>
    %select_n3A_310 = arith.select %ge3A_307, %iota3A, %broadcast_in_dim3A_309 : vector<512x2048xi1>, vector<512x2048xi32>
    %reduce_min3A_311 = arith.constant dense<2147483647> : vector<512xi32>
    %reduce_min3A_312 = vector.multi_reduction <minsi>, %select_n3A_310, %reduce_min3A_311 [1] : vector<512x2048xi32> to vector<512xi32>
    %broadcast_in_dim3A_313 = vector.shape_cast %reduce_min3A_312 : vector<512xi32> to vector<512x1xi32>
    %eq3A_314 = vector.broadcast %broadcast_in_dim3A_313 : vector<512x1xi32> to vector<512x2048xi32>
    %eq3A_315 = arith.cmpi eq, %iota3A, %eq3A_314 : vector<512x2048xi32>
    %jit3A_316 = arith.constant -3.000000e+38 : f32
    %broadcast_in_dim3A_317 = vector.broadcast %jit3A_316 : f32 to vector<512x2048xf32>
    %select_n3A_318 = arith.select %eq3A_315, %broadcast_in_dim3A_317, %select_n3A_302 : vector<512x2048xi1>, vector<512x2048xf32>
    %reduce_max3A_319 = arith.constant dense<0xFF800000> : vector<512xf32>
    %reduce_max3A_320 = vector.multi_reduction <maximumf>, %select_n3A_318, %reduce_max3A_319 [1] : vector<512x2048xf32> to vector<512xf32>
    %broadcast_in_dim3A_321 = vector.shape_cast %reduce_max3A_320 : vector<512xf32> to vector<512x1xf32>
    %ge3A_322 = vector.broadcast %broadcast_in_dim3A_321 : vector<512x1xf32> to vector<512x2048xf32>
    %ge3A_323 = arith.cmpf oge, %select_n3A_318, %ge3A_322 : vector<512x2048xf32>
    %jit3A_324 = arith.constant 2048 : i32
    %broadcast_in_dim3A_325 = vector.broadcast %jit3A_324 : i32 to vector<512x2048xi32>
    %select_n3A_326 = arith.select %ge3A_323, %iota3A, %broadcast_in_dim3A_325 : vector<512x2048xi1>, vector<512x2048xi32>
    %reduce_min3A_327 = arith.constant dense<2147483647> : vector<512xi32>
    %reduce_min3A_328 = vector.multi_reduction <minsi>, %select_n3A_326, %reduce_min3A_327 [1] : vector<512x2048xi32> to vector<512xi32>
    %broadcast_in_dim3A_329 = vector.shape_cast %reduce_min3A_328 : vector<512xi32> to vector<512x1xi32>
    %concatenate3A = tpu.concatenate %broadcast_in_dim3A_26, %broadcast_in_dim3A_41, %broadcast_in_dim3A_57, %broadcast_in_dim3A_73, %broadcast_in_dim3A_89, %broadcast_in_dim3A_105, %broadcast_in_dim3A_121, %broadcast_in_dim3A_137, %broadcast_in_dim3A_153, %broadcast_in_dim3A_169, %broadcast_in_dim3A_185, %broadcast_in_dim3A_201, %broadcast_in_dim3A_217, %broadcast_in_dim3A_233, %broadcast_in_dim3A_249, %broadcast_in_dim3A_265, %broadcast_in_dim3A_281, %broadcast_in_dim3A_297, %broadcast_in_dim3A_313, %broadcast_in_dim3A_329 in 1 : vector<512x1xi32>, vector<512x1xi32>, vector<512x1xi32>, vector<512x1xi32>, vector<512x1xi32>, vector<512x1xi32>, vector<512x1xi32>, vector<512x1xi32>, vector<512x1xi32>, vector<512x1xi32>, vector<512x1xi32>, vector<512x1xi32>, vector<512x1xi32>, vector<512x1xi32>, vector<512x1xi32>, vector<512x1xi32>, vector<512x1xi32>, vector<512x1xi32>, vector<512x1xi32>, vector<512x1xi32> -> vector<512x20xi32>
    %mul3A_330 = arith.constant 2048 : i32
    %mul3A_331 = arith.muli %arg0, %mul3A_330 : i32
    %add3A = vector.broadcast %mul3A_331 : i32 to vector<512x20xi32>
    %add3A_332 = arith.addi %concatenate3A, %add3A : vector<512x20xi32>
    %swap3A = arith.constant 0 : index
    %swap3A_333 = arith.constant 0 : index
    %swap3A_334 = arith.constant 0 : index
    %swap3A_335 = vector.load %arg4[%swap3A, %swap3A_333, %swap3A_334] : memref<1x512x20xi32, #tpu.memory_space<vmem>>, vector<1x512x20xi32>
    %swap3A_336 = vector.shape_cast %swap3A_335 : vector<1x512x20xi32> to vector<512x20xi32>
    %swap3A_337 = vector.shape_cast %add3A_332 : vector<512x20xi32> to vector<1x512x20xi32>
    tpu.vector_store %arg4[%swap3A, %swap3A_333, %swap3A_334], %swap3A_337 {strides = array<i32>} : memref<1x512x20xi32, #tpu.memory_space<vmem>>, vector<1x512x20xi32>,
    return
  }
  func.func @transform_0(%arg0: i32, %arg1: i32) -> (i32, i32, i32) {
    %c0_i32 = arith.constant 0 : i32
    %c0_i32_0 = arith.constant 0 : i32
    %c0_i32_1 = arith.constant 0 : i32
    return %arg0, %c0_i32, %c0_i32_0 : i32, i32, i32
  }
  func.func @transform_1(%arg0: i32, %arg1: i32) -> (i32, i32, i32) {
    %c0_i32 = arith.constant 0 : i32
    %c0_i32_0 = arith.constant 0 : i32
    return %arg0, %arg1, %c0_i32 : i32, i32, i32
  }
  func.func @transform_2(%arg0: i32, %arg1: i32) -> (i32, i32, i32) {
    %c0_i32 = arith.constant 0 : i32
    %c0_i32_0 = arith.constant 0 : i32
    return %arg0, %arg1, %c0_i32 : i32, i32, i32
  }
}

module attributes {stable_mosaic.version = 14 : i64} {
  func.func @_stats2_body(%arg0: memref<16384x64xf32, #tpu.memory_space<vmem>>, %arg1: memref<16384x64xf32, #tpu.memory_space<vmem>>, %arg2: memref<32x64xf32, #tpu.memory_space<vmem>>, %arg3: memref<1x64xf32, #tpu.memory_space<vmem>>, %arg4: memref<1x64xf32, #tpu.memory_space<vmem>>) attributes {dimension_semantics = [], scalar_prefetch = 0 : i64, scratch_operands = 0 : i64, tpu.core_type = #tpu.core_type<tc>} {
    %get3A = arith.constant 0 : index
    %get3A_0 = arith.constant 0 : index
    %get3A_1 = vector.load %arg0[%get3A, %get3A_0] : memref<16384x64xf32, #tpu.memory_space<vmem>>, vector<16384x64xf32>
    %get3A_2 = arith.constant 0 : index
    %get3A_3 = arith.constant 0 : index
    %get3A_4 = vector.load %arg1[%get3A_2, %get3A_3] : memref<16384x64xf32, #tpu.memory_space<vmem>>, vector<16384x64xf32>
    %reduce_sum3A = arith.constant dense<0.000000e+00> : vector<64xf32>
    %reduce_sum3A_5 = vector.multi_reduction <add>, %get3A_1, %reduce_sum3A [0] : vector<16384x64xf32> to vector<64xf32>
    %broadcast_in_dim3A = vector.shape_cast %reduce_sum3A_5 : vector<64xf32> to vector<1x64xf32>
    %reduce_sum3A_6 = arith.constant dense<0.000000e+00> : vector<64xf32>
    %reduce_sum3A_7 = vector.multi_reduction <add>, %get3A_4, %reduce_sum3A_6 [0] : vector<16384x64xf32> to vector<64xf32>
    %broadcast_in_dim3A_8 = vector.shape_cast %reduce_sum3A_7 : vector<64xf32> to vector<1x64xf32>
    %mul3A = arith.mulf %get3A_4, %get3A_1 : vector<16384x64xf32>
    %reduce_sum3A_9 = arith.constant dense<0.000000e+00> : vector<64xf32>
    %reduce_sum3A_10 = vector.multi_reduction <add>, %mul3A, %reduce_sum3A_9 [0] : vector<16384x64xf32> to vector<64xf32>
    %broadcast_in_dim3A_11 = vector.shape_cast %reduce_sum3A_10 : vector<64xf32> to vector<1x64xf32>
    %mul3A_12 = arith.mulf %get3A_4, %get3A_4 : vector<16384x64xf32>
    %reduce_sum3A_13 = arith.constant dense<0.000000e+00> : vector<64xf32>
    %reduce_sum3A_14 = vector.multi_reduction <add>, %mul3A_12, %reduce_sum3A_13 [0] : vector<16384x64xf32> to vector<64xf32>
    %broadcast_in_dim3A_15 = vector.shape_cast %reduce_sum3A_14 : vector<64xf32> to vector<1x64xf32>
    %get3A_16 = arith.constant 0 : index
    %get3A_17 = arith.constant 0 : index
    %get3A_18 = vector.load %arg2[%get3A_16, %get3A_17] : memref<32x64xf32, #tpu.memory_space<vmem>>, vector<32x64xf32>
    %reduce_sum3A_19 = arith.constant dense<0.000000e+00> : vector<64xf32>
    %reduce_sum3A_20 = vector.multi_reduction <add>, %get3A_18, %reduce_sum3A_19 [0] : vector<32x64xf32> to vector<64xf32>
    %broadcast_in_dim3A_21 = vector.shape_cast %reduce_sum3A_20 : vector<64xf32> to vector<1x64xf32>
    %mul3A_22 = arith.constant 2.000000e+01 : f32
    %mul3A_23 = vector.broadcast %mul3A_22 : f32 to vector<1x64xf32>
    %mul3A_24 = arith.mulf %mul3A_23, %broadcast_in_dim3A_8 : vector<1x64xf32>
    %add3A = arith.addf %broadcast_in_dim3A, %mul3A_24 : vector<1x64xf32>
    %div3A = arith.constant 3.276800e+05 : f32
    %div3A_25 = vector.broadcast %div3A : f32 to vector<1x64xf32>
    %div3A_26 = arith.divf %add3A, %div3A_25 : vector<1x64xf32>
    %mul3A_27 = arith.constant 2.000000e+00 : f32
    %mul3A_28 = vector.broadcast %mul3A_27 : f32 to vector<1x64xf32>
    %mul3A_29 = arith.mulf %mul3A_28, %broadcast_in_dim3A_11 : vector<1x64xf32>
    %add3A_30 = arith.addf %broadcast_in_dim3A_21, %mul3A_29 : vector<1x64xf32>
    %mul3A_31 = arith.constant 2.000000e+01 : f32
    %mul3A_32 = vector.broadcast %mul3A_31 : f32 to vector<1x64xf32>
    %mul3A_33 = arith.mulf %mul3A_32, %broadcast_in_dim3A_15 : vector<1x64xf32>
    %add3A_34 = arith.addf %add3A_30, %mul3A_33 : vector<1x64xf32>
    %div3A_35 = arith.constant 3.276800e+05 : f32
    %div3A_36 = vector.broadcast %div3A_35 : f32 to vector<1x64xf32>
    %div3A_37 = arith.divf %add3A_34, %div3A_36 : vector<1x64xf32>
    %swap3A = arith.constant 0 : index
    %swap3A_38 = arith.constant 0 : index
    %swap3A_39 = vector.load %arg3[%swap3A, %swap3A_38] : memref<1x64xf32, #tpu.memory_space<vmem>>, vector<1x64xf32>
    tpu.vector_store %arg3[%swap3A, %swap3A_38], %div3A_26 {strides = array<i32>} : memref<1x64xf32, #tpu.memory_space<vmem>>, vector<1x64xf32>,
    %mul3A_40 = arith.mulf %div3A_26, %div3A_26 : vector<1x64xf32>
    %sub3A = arith.subf %div3A_37, %mul3A_40 : vector<1x64xf32>
    %add3A_41 = arith.constant 9.99999974E-6 : f32
    %add3A_42 = vector.broadcast %add3A_41 : f32 to vector<1x64xf32>
    %add3A_43 = arith.addf %sub3A, %add3A_42 : vector<1x64xf32>
    %sqrt3A = math.sqrt %add3A_43 : vector<1x64xf32>
    %div3A_44 = arith.constant 1.000000e+00 : f32
    %div3A_45 = vector.broadcast %div3A_44 : f32 to vector<1x64xf32>
    %div3A_46 = arith.divf %div3A_45, %sqrt3A : vector<1x64xf32>
    %swap3A_47 = arith.constant 0 : index
    %swap3A_48 = arith.constant 0 : index
    %swap3A_49 = vector.load %arg4[%swap3A_47, %swap3A_48] : memref<1x64xf32, #tpu.memory_space<vmem>>, vector<1x64xf32>
    tpu.vector_store %arg4[%swap3A_47, %swap3A_48], %div3A_46 {strides = array<i32>} : memref<1x64xf32, #tpu.memory_space<vmem>>, vector<1x64xf32>,
    return
  }
}

module attributes {stable_mosaic.version = 14 : i64} {
  func.func @_fin2_body(%arg0: i32, %arg1: i32, %arg2: memref<1x256x64xf32, #tpu.memory_space<vmem>>, %arg3: memref<1x256x64xf32, #tpu.memory_space<vmem>>, %arg4: memref<1x256x64xf32, #tpu.memory_space<vmem>>, %arg5: memref<1x64xf32, #tpu.memory_space<vmem>>, %arg6: memref<1x64xf32, #tpu.memory_space<vmem>>, %arg7: memref<1x64xf32, #tpu.memory_space<vmem>>, %arg8: memref<1x64xf32, #tpu.memory_space<vmem>>, %arg9: memref<64x1024xf32, #tpu.memory_space<vmem>>, %arg10: memref<64x1024xf32, #tpu.memory_space<vmem>>, %arg11: memref<1x1x1024xf32, #tpu.memory_space<vmem>>, %arg12: memref<1x1024xf32, #tpu.memory_space<vmem>>, %arg13: memref<1x1024xf32, #tpu.memory_space<vmem>>) attributes {dimension_semantics = [#tpu.dimension_semantics<arbitrary>, #tpu.dimension_semantics<arbitrary>], iteration_bounds = array<i64: 8, 8>, scalar_prefetch = 0 : i64, scratch_operands = 0 : i64, tpu.core_type = #tpu.core_type<tc>, window_params = [{transform_indices = @transform_0, window_bounds = array<i64: 1, 256, 64>}, {transform_indices = @transform_1, window_bounds = array<i64: 1, 256, 64>}, {transform_indices = @transform_2, window_bounds = array<i64: 1, 256, 64>}, {pipeline_mode = #tpu.pipeline_mode<synchronous>, transform_indices = @transform_3, window_bounds = array<i64: 1, 64>}, {pipeline_mode = #tpu.pipeline_mode<synchronous>, transform_indices = @transform_4, window_bounds = array<i64: 1, 64>}, {pipeline_mode = #tpu.pipeline_mode<synchronous>, transform_indices = @transform_5, window_bounds = array<i64: 1, 64>}, {pipeline_mode = #tpu.pipeline_mode<synchronous>, transform_indices = @transform_6, window_bounds = array<i64: 1, 64>}, {pipeline_mode = #tpu.pipeline_mode<synchronous>, transform_indices = @transform_7, window_bounds = array<i64: 64, 1024>}, {pipeline_mode = #tpu.pipeline_mode<synchronous>, transform_indices = @transform_8, window_bounds = array<i64: 64, 1024>}, {transform_indices = @transform_9, window_bounds = array<i64: 1, 1, 1024>}, {pipeline_mode = #tpu.pipeline_mode<synchronous>, transform_indices = @transform_10, window_bounds = array<i64: 1, 1024>}, {pipeline_mode = #tpu.pipeline_mode<synchronous>, transform_indices = @transform_11, window_bounds = array<i64: 1, 1024>}]} {
    %eq3A = arith.constant 0 : i32
    %eq3A_0 = arith.cmpi eq, %arg0, %eq3A : i32
    %eq3A_1 = arith.constant 0 : i32
    %eq3A_2 = arith.cmpi eq, %arg1, %eq3A_1 : i32
    %and3A = arith.andi %eq3A_0, %eq3A_2 : i1
    %get3A = arith.constant 0 : index
    %get3A_3 = arith.constant 0 : index
    %get3A_4 = arith.constant 0 : index
    %get3A_5 = vector.load %arg3[%get3A, %get3A_3, %get3A_4] : memref<1x256x64xf32, #tpu.memory_space<vmem>>, vector<1x256x64xf32>
    %get3A_6 = vector.shape_cast %get3A_5 : vector<1x256x64xf32> to vector<256x64xf32>
    %get3A_7 = arith.constant 0 : index
    %get3A_8 = arith.constant 0 : index
    %get3A_9 = arith.constant 0 : index
    %get3A_10 = vector.load %arg4[%get3A_7, %get3A_8, %get3A_9] : memref<1x256x64xf32, #tpu.memory_space<vmem>>, vector<1x256x64xf32>
    %get3A_11 = vector.shape_cast %get3A_10 : vector<1x256x64xf32> to vector<256x64xf32>
    %add3A = arith.addf %get3A_6, %get3A_11 : vector<256x64xf32>
    %get3A_12 = arith.constant 0 : index
    %get3A_13 = arith.constant 0 : index
    %get3A_14 = vector.load %arg5[%get3A_12, %get3A_13] : memref<1x64xf32, #tpu.memory_space<vmem>>, vector<1x64xf32>
    %sub3A = vector.broadcast %get3A_14 : vector<1x64xf32> to vector<256x64xf32>
    %sub3A_15 = arith.subf %add3A, %sub3A : vector<256x64xf32>
    %get3A_16 = arith.constant 0 : index
    %get3A_17 = arith.constant 0 : index
    %get3A_18 = vector.load %arg6[%get3A_16, %get3A_17] : memref<1x64xf32, #tpu.memory_space<vmem>>, vector<1x64xf32>
    %mul3A = vector.broadcast %get3A_18 : vector<1x64xf32> to vector<256x64xf32>
    %mul3A_19 = arith.mulf %sub3A_15, %mul3A : vector<256x64xf32>
    %get3A_20 = arith.constant 0 : index
    %get3A_21 = arith.constant 0 : index
    %get3A_22 = vector.load %arg7[%get3A_20, %get3A_21] : memref<1x64xf32, #tpu.memory_space<vmem>>, vector<1x64xf32>
    %mul3A_23 = vector.broadcast %get3A_22 : vector<1x64xf32> to vector<256x64xf32>
    %mul3A_24 = arith.mulf %mul3A_19, %mul3A_23 : vector<256x64xf32>
    %get3A_25 = arith.constant 0 : index
    %get3A_26 = arith.constant 0 : index
    %get3A_27 = vector.load %arg8[%get3A_25, %get3A_26] : memref<1x64xf32, #tpu.memory_space<vmem>>, vector<1x64xf32>
    %add3A_28 = vector.broadcast %get3A_27 : vector<1x64xf32> to vector<256x64xf32>
    %add3A_29 = arith.addf %mul3A_24, %add3A_28 : vector<256x64xf32>
    %ge3A = arith.constant 0.000000e+00 : f32
    %ge3A_30 = vector.broadcast %ge3A : f32 to vector<256x64xf32>
    %ge3A_31 = arith.cmpf oge, %add3A_29, %ge3A_30 : vector<256x64xf32>
    %mul3A_32 = arith.constant 2.000000e-01 : f32
    %mul3A_33 = vector.broadcast %mul3A_32 : f32 to vector<256x64xf32>
    %mul3A_34 = arith.mulf %mul3A_33, %add3A_29 : vector<256x64xf32>
    %select_n3A = arith.select %ge3A_31, %add3A_29, %mul3A_34 : vector<256x64xi1>, vector<256x64xf32>
    %get3A_35 = arith.constant 0 : index
    %get3A_36 = arith.constant 0 : index
    %get3A_37 = arith.constant 0 : index
    %get3A_38 = vector.load %arg2[%get3A_35, %get3A_36, %get3A_37] : memref<1x256x64xf32, #tpu.memory_space<vmem>>, vector<1x256x64xf32>
    %get3A_39 = vector.shape_cast %get3A_38 : vector<1x256x64xf32> to vector<256x64xf32>
    %get3A_40 = arith.constant 0 : index
    %get3A_41 = arith.constant 0 : index
    %get3A_42 = vector.load %arg9[%get3A_40, %get3A_41] : memref<64x1024xf32, #tpu.memory_space<vmem>>, vector<64x1024xf32>
    %dot_general3A = arith.constant dense<0.000000e+00> : vector<256x1024xf32>
    %dot_general3A_43 = tpu.matmul %get3A_39, %get3A_42, %dot_general3A {dimension_numbers = #tpu.dot_dimension_numbers<[1], [0], [0], [1], [0, 0, 1, 1], [], []>, transpose_lhs_hint = false} : vector<256x64xf32>, vector<64x1024xf32>, vector<256x1024xf32> -> vector<256x1024xf32>
    %get3A_44 = arith.constant 0 : index
    %get3A_45 = arith.constant 0 : index
    %get3A_46 = vector.load %arg10[%get3A_44, %get3A_45] : memref<64x1024xf32, #tpu.memory_space<vmem>>, vector<64x1024xf32>
    %dot_general3A_47 = arith.constant dense<0.000000e+00> : vector<256x1024xf32>
    %dot_general3A_48 = tpu.matmul %select_n3A, %get3A_46, %dot_general3A_47 {dimension_numbers = #tpu.dot_dimension_numbers<[1], [0], [0], [1], [0, 0, 1, 1], [], []>, transpose_lhs_hint = false} : vector<256x64xf32>, vector<64x1024xf32>, vector<256x1024xf32> -> vector<256x1024xf32>
    %add3A_49 = arith.addf %dot_general3A_43, %dot_general3A_48 : vector<256x1024xf32>
    %reduce_max3A = arith.constant dense<0xFF800000> : vector<1024xf32>
    %reduce_max3A_50 = vector.multi_reduction <maximumf>, %add3A_49, %reduce_max3A [0] : vector<256x1024xf32> to vector<1024xf32>
    %broadcast_in_dim3A = vector.shape_cast %reduce_max3A_50 : vector<1024xf32> to vector<1x1024xf32>
    %reduce_sum3A = arith.constant dense<0.000000e+00> : vector<1024xf32>
    %reduce_sum3A_51 = vector.multi_reduction <add>, %add3A_49, %reduce_sum3A [0] : vector<256x1024xf32> to vector<1024xf32>
    %broadcast_in_dim3A_52 = vector.shape_cast %reduce_sum3A_51 : vector<1024xf32> to vector<1x1024xf32>
    %mul3A_53 = arith.mulf %add3A_49, %add3A_49 : vector<256x1024xf32>
    %reduce_sum3A_54 = arith.constant dense<0.000000e+00> : vector<1024xf32>
    %reduce_sum3A_55 = vector.multi_reduction <add>, %mul3A_53, %reduce_sum3A_54 [0] : vector<256x1024xf32> to vector<1024xf32>
    %broadcast_in_dim3A_56 = vector.shape_cast %reduce_sum3A_55 : vector<1024xf32> to vector<1x1024xf32>
    %eq3A_57 = arith.constant 0 : i32
    %eq3A_58 = arith.cmpi eq, %arg1, %eq3A_57 : i32
    %convert_element_type3A = arith.extui %eq3A_58 : i1 to i32
    %cond3A = arith.constant 0 : i32
    %cond3A_59 = arith.cmpi ne, %convert_element_type3A, %cond3A : i32
    scf.if %cond3A_59 {
      %swap3A = arith.constant 0 : index
      %swap3A_71 = arith.constant 0 : index
      %swap3A_72 = arith.constant 0 : index
      %swap3A_73 = vector.load %arg11[%swap3A, %swap3A_71, %swap3A_72] : memref<1x1x1024xf32, #tpu.memory_space<vmem>>, vector<1x1x1024xf32>
      %swap3A_74 = vector.shape_cast %swap3A_73 : vector<1x1x1024xf32> to vector<1x1024xf32>
      %swap3A_75 = vector.shape_cast %broadcast_in_dim3A : vector<1x1024xf32> to vector<1x1x1024xf32>
      tpu.vector_store %arg11[%swap3A, %swap3A_71, %swap3A_72], %swap3A_75 {strides = array<i32>} : memref<1x1x1024xf32, #tpu.memory_space<vmem>>, vector<1x1x1024xf32>,
    } else {
    }
    %ne3A = arith.constant 0 : i32
    %ne3A_60 = arith.cmpi ne, %arg1, %ne3A : i32
    %convert_element_type3A_61 = arith.extui %ne3A_60 : i1 to i32
    %cond3A_62 = arith.constant 0 : i32
    %cond3A_63 = arith.cmpi ne, %convert_element_type3A_61, %cond3A_62 : i32
    scf.if %cond3A_63 {
      %get3A_71 = arith.constant 0 : index
      %get3A_72 = arith.constant 0 : index
      %get3A_73 = arith.constant 0 : index
      %get3A_74 = vector.load %arg11[%get3A_71, %get3A_72, %get3A_73] : memref<1x1x1024xf32, #tpu.memory_space<vmem>>, vector<1x1x1024xf32>
      %get3A_75 = vector.shape_cast %get3A_74 : vector<1x1x1024xf32> to vector<1x1024xf32>
      %max3A = arith.maximumf %get3A_75, %broadcast_in_dim3A : vector<1x1024xf32>
      %swap3A = arith.constant 0 : index
      %swap3A_76 = arith.constant 0 : index
      %swap3A_77 = arith.constant 0 : index
      %swap3A_78 = vector.load %arg11[%swap3A, %swap3A_76, %swap3A_77] : memref<1x1x1024xf32, #tpu.memory_space<vmem>>, vector<1x1x1024xf32>
      %swap3A_79 = vector.shape_cast %swap3A_78 : vector<1x1x1024xf32> to vector<1x1024xf32>
      %swap3A_80 = vector.shape_cast %max3A : vector<1x1024xf32> to vector<1x1x1024xf32>
      tpu.vector_store %arg11[%swap3A, %swap3A_76, %swap3A_77], %swap3A_80 {strides = array<i32>} : memref<1x1x1024xf32, #tpu.memory_space<vmem>>, vector<1x1x1024xf32>,
    } else {
    }
    %convert_element_type3A_64 = arith.extui %and3A : i1 to i32
    %cond3A_65 = arith.constant 0 : i32
    %cond3A_66 = arith.cmpi ne, %convert_element_type3A_64, %cond3A_65 : i32
    scf.if %cond3A_66 {
      %swap3A = arith.constant 0 : index
      %swap3A_71 = arith.constant 0 : index
      %swap3A_72 = vector.load %arg12[%swap3A, %swap3A_71] : memref<1x1024xf32, #tpu.memory_space<vmem>>, vector<1x1024xf32>
      tpu.vector_store %arg12[%swap3A, %swap3A_71], %broadcast_in_dim3A_52 {strides = array<i32>} : memref<1x1024xf32, #tpu.memory_space<vmem>>, vector<1x1024xf32>,
      %swap3A_73 = arith.constant 0 : index
      %swap3A_74 = arith.constant 0 : index
      %swap3A_75 = vector.load %arg13[%swap3A_73, %swap3A_74] : memref<1x1024xf32, #tpu.memory_space<vmem>>, vector<1x1024xf32>
      tpu.vector_store %arg13[%swap3A_73, %swap3A_74], %broadcast_in_dim3A_56 {strides = array<i32>} : memref<1x1024xf32, #tpu.memory_space<vmem>>, vector<1x1024xf32>,
    } else {
    }
    %not3A = arith.constant true
    %not3A_67 = arith.xori %and3A, %not3A : i1
    %convert_element_type3A_68 = arith.extui %not3A_67 : i1 to i32
    %cond3A_69 = arith.constant 0 : i32
    %cond3A_70 = arith.cmpi ne, %convert_element_type3A_68, %cond3A_69 : i32
    scf.if %cond3A_70 {
      %get3A_71 = arith.constant 0 : index
      %get3A_72 = arith.constant 0 : index
      %get3A_73 = vector.load %arg12[%get3A_71, %get3A_72] : memref<1x1024xf32, #tpu.memory_space<vmem>>, vector<1x1024xf32>
      %add3A_74 = arith.addf %get3A_73, %broadcast_in_dim3A_52 : vector<1x1024xf32>
      %swap3A = arith.constant 0 : index
      %swap3A_75 = arith.constant 0 : index
      %swap3A_76 = vector.load %arg12[%swap3A, %swap3A_75] : memref<1x1024xf32, #tpu.memory_space<vmem>>, vector<1x1024xf32>
      tpu.vector_store %arg12[%swap3A, %swap3A_75], %add3A_74 {strides = array<i32>} : memref<1x1024xf32, #tpu.memory_space<vmem>>, vector<1x1024xf32>,
      %get3A_77 = arith.constant 0 : index
      %get3A_78 = arith.constant 0 : index
      %get3A_79 = vector.load %arg13[%get3A_77, %get3A_78] : memref<1x1024xf32, #tpu.memory_space<vmem>>, vector<1x1024xf32>
      %add3A_80 = arith.addf %get3A_79, %broadcast_in_dim3A_56 : vector<1x1024xf32>
      %swap3A_81 = arith.constant 0 : index
      %swap3A_82 = arith.constant 0 : index
      %swap3A_83 = vector.load %arg13[%swap3A_81, %swap3A_82] : memref<1x1024xf32, #tpu.memory_space<vmem>>, vector<1x1024xf32>
      tpu.vector_store %arg13[%swap3A_81, %swap3A_82], %add3A_80 {strides = array<i32>} : memref<1x1024xf32, #tpu.memory_space<vmem>>, vector<1x1024xf32>,
    } else {
    }
    return
  }
  func.func @transform_0(%arg0: i32, %arg1: i32) -> (i32, i32, i32) {
    %c0_i32 = arith.constant 0 : i32
    %c0_i32_0 = arith.constant 0 : i32
    return %arg0, %arg1, %c0_i32 : i32, i32, i32
  }
  func.func @transform_1(%arg0: i32, %arg1: i32) -> (i32, i32, i32) {
    %c0_i32 = arith.constant 0 : i32
    %c0_i32_0 = arith.constant 0 : i32
    return %arg0, %arg1, %c0_i32 : i32, i32, i32
  }
  func.func @transform_2(%arg0: i32, %arg1: i32) -> (i32, i32, i32) {
    %c0_i32 = arith.constant 0 : i32
    %c0_i32_0 = arith.constant 0 : i32
    return %arg0, %arg1, %c0_i32 : i32, i32, i32
  }
  func.func @transform_3(%arg0: i32, %arg1: i32) -> (i32, i32) {
    %c0_i32 = arith.constant 0 : i32
    %c0_i32_0 = arith.constant 0 : i32
    %c0_i32_1 = arith.constant 0 : i32
    return %c0_i32, %c0_i32_0 : i32, i32
  }
  func.func @transform_4(%arg0: i32, %arg1: i32) -> (i32, i32) {
    %c0_i32 = arith.constant 0 : i32
    %c0_i32_0 = arith.constant 0 : i32
    %c0_i32_1 = arith.constant 0 : i32
    return %c0_i32, %c0_i32_0 : i32, i32
  }
  func.func @transform_5(%arg0: i32, %arg1: i32) -> (i32, i32) {
    %c0_i32 = arith.constant 0 : i32
    %c0_i32_0 = arith.constant 0 : i32
    %c0_i32_1 = arith.constant 0 : i32
    return %c0_i32, %c0_i32_0 : i32, i32
  }
  func.func @transform_6(%arg0: i32, %arg1: i32) -> (i32, i32) {
    %c0_i32 = arith.constant 0 : i32
    %c0_i32_0 = arith.constant 0 : i32
    %c0_i32_1 = arith.constant 0 : i32
    return %c0_i32, %c0_i32_0 : i32, i32
  }
  func.func @transform_7(%arg0: i32, %arg1: i32) -> (i32, i32) {
    %c0_i32 = arith.constant 0 : i32
    %c0_i32_0 = arith.constant 0 : i32
    %c0_i32_1 = arith.constant 0 : i32
    return %c0_i32, %c0_i32_0 : i32, i32
  }
  func.func @transform_8(%arg0: i32, %arg1: i32) -> (i32, i32) {
    %c0_i32 = arith.constant 0 : i32
    %c0_i32_0 = arith.constant 0 : i32
    %c0_i32_1 = arith.constant 0 : i32
    return %c0_i32, %c0_i32_0 : i32, i32
  }
  func.func @transform_9(%arg0: i32, %arg1: i32) -> (i32, i32, i32) {
    %c0_i32 = arith.constant 0 : i32
    %c0_i32_0 = arith.constant 0 : i32
    %c0_i32_1 = arith.constant 0 : i32
    return %arg0, %c0_i32, %c0_i32_0 : i32, i32, i32
  }
  func.func @transform_10(%arg0: i32, %arg1: i32) -> (i32, i32) {
    %c0_i32 = arith.constant 0 : i32
    %c0_i32_0 = arith.constant 0 : i32
    %c0_i32_1 = arith.constant 0 : i32
    return %c0_i32, %c0_i32_0 : i32, i32
  }
  func.func @transform_11(%arg0: i32, %arg1: i32) -> (i32, i32) {
    %c0_i32 = arith.constant 0 : i32
    %c0_i32_0 = arith.constant 0 : i32
    %c0_i32_1 = arith.constant 0 : i32
    return %c0_i32, %c0_i32_0 : i32, i32
  }
}

module attributes {stable_mosaic.version = 14 : i64} {
  func.func @_feat_body(%arg0: memref<8x1024xf32, #tpu.memory_space<vmem>>, %arg1: memref<1x1024xf32, #tpu.memory_space<vmem>>, %arg2: memref<1x1024xf32, #tpu.memory_space<vmem>>, %arg3: memref<1x1024xf32, #tpu.memory_space<vmem>>, %arg4: memref<1x1024xf32, #tpu.memory_space<vmem>>, %arg5: memref<8x1024xf32, #tpu.memory_space<vmem>>) attributes {dimension_semantics = [], scalar_prefetch = 0 : i64, scratch_operands = 0 : i64, tpu.core_type = #tpu.core_type<tc>} {
    %get3A = arith.constant 0 : index
    %get3A_0 = arith.constant 0 : index
    %get3A_1 = vector.load %arg1[%get3A, %get3A_0] : memref<1x1024xf32, #tpu.memory_space<vmem>>, vector<1x1024xf32>
    %div3A = arith.constant 1.638400e+04 : f32
    %div3A_2 = vector.broadcast %div3A : f32 to vector<1x1024xf32>
    %div3A_3 = arith.divf %get3A_1, %div3A_2 : vector<1x1024xf32>
    %get3A_4 = arith.constant 0 : index
    %get3A_5 = arith.constant 0 : index
    %get3A_6 = vector.load %arg2[%get3A_4, %get3A_5] : memref<1x1024xf32, #tpu.memory_space<vmem>>, vector<1x1024xf32>
    %div3A_7 = arith.constant 1.638400e+04 : f32
    %div3A_8 = vector.broadcast %div3A_7 : f32 to vector<1x1024xf32>
    %div3A_9 = arith.divf %get3A_6, %div3A_8 : vector<1x1024xf32>
    %mul3A = arith.mulf %div3A_3, %div3A_3 : vector<1x1024xf32>
    %sub3A = arith.subf %div3A_9, %mul3A : vector<1x1024xf32>
    %get3A_10 = arith.constant 0 : index
    %get3A_11 = arith.constant 0 : index
    %get3A_12 = vector.load %arg0[%get3A_10, %get3A_11] : memref<8x1024xf32, #tpu.memory_space<vmem>>, vector<8x1024xf32>
    %sub3A_13 = vector.broadcast %div3A_3 : vector<1x1024xf32> to vector<8x1024xf32>
    %sub3A_14 = arith.subf %get3A_12, %sub3A_13 : vector<8x1024xf32>
    %add3A = arith.constant 9.99999974E-6 : f32
    %add3A_15 = vector.broadcast %add3A : f32 to vector<1x1024xf32>
    %add3A_16 = arith.addf %sub3A, %add3A_15 : vector<1x1024xf32>
    %sqrt3A = math.sqrt %add3A_16 : vector<1x1024xf32>
    %div3A_17 = vector.broadcast %sqrt3A : vector<1x1024xf32> to vector<8x1024xf32>
    %div3A_18 = arith.divf %sub3A_14, %div3A_17 : vector<8x1024xf32>
    %get3A_19 = arith.constant 0 : index
    %get3A_20 = arith.constant 0 : index
    %get3A_21 = vector.load %arg3[%get3A_19, %get3A_20] : memref<1x1024xf32, #tpu.memory_space<vmem>>, vector<1x1024xf32>
    %mul3A_22 = vector.broadcast %get3A_21 : vector<1x1024xf32> to vector<8x1024xf32>
    %mul3A_23 = arith.mulf %div3A_18, %mul3A_22 : vector<8x1024xf32>
    %get3A_24 = arith.constant 0 : index
    %get3A_25 = arith.constant 0 : index
    %get3A_26 = vector.load %arg4[%get3A_24, %get3A_25] : memref<1x1024xf32, #tpu.memory_space<vmem>>, vector<1x1024xf32>
    %add3A_27 = vector.broadcast %get3A_26 : vector<1x1024xf32> to vector<8x1024xf32>
    %add3A_28 = arith.addf %mul3A_23, %add3A_27 : vector<8x1024xf32>
    %ge3A = arith.constant 0.000000e+00 : f32
    %ge3A_29 = vector.broadcast %ge3A : f32 to vector<8x1024xf32>
    %ge3A_30 = arith.cmpf oge, %add3A_28, %ge3A_29 : vector<8x1024xf32>
    %mul3A_31 = arith.constant 2.000000e-01 : f32
    %mul3A_32 = vector.broadcast %mul3A_31 : f32 to vector<8x1024xf32>
    %mul3A_33 = arith.mulf %mul3A_32, %add3A_28 : vector<8x1024xf32>
    %select_n3A = arith.select %ge3A_30, %add3A_28, %mul3A_33 : vector<8x1024xi1>, vector<8x1024xf32>
    %swap3A = arith.constant 0 : index
    %swap3A_34 = arith.constant 0 : index
    %swap3A_35 = vector.load %arg5[%swap3A, %swap3A_34] : memref<8x1024xf32, #tpu.memory_space<vmem>>, vector<8x1024xf32>
    tpu.vector_store %arg5[%swap3A, %swap3A_34], %select_n3A {strides = array<i32>} : memref<8x1024xf32, #tpu.memory_space<vmem>>, vector<8x1024xf32>,
    return
  }
}

</mosaic_0001>

<sc_bundles>
// kernel: kernel.11.cloned.1.call-start
scs
__scs_entry_jumppad:
0x0: {  	(pc) =	sbr.rel $0x88, $3  }
0x1: {  	(tag) =	ssettag $0x0;
	lr =	simm.s32 $0x1  }
0x2: {  	[smem:$0x3F97] =	sst lr;
	_ =	strace $0xD0000000  }
0x3: {  	_ = 	snop  }
0x4: {  	_ = 	snop  }
0x5: {  	_ = 	snop  }
0x6: {  	_ = 	snop  }
0x7: {  	_ = 	snop  }
__scs_overlays_trampoline_lowered:
0x8: {  	[smem:$0x3FA6] =	sst s0  }
0x9: {  	[smem:$0x3FA7] =	sst s1  }
0xa: {  	[smem:$0x3FA8] =	sst s2  }
0xb: {  	[smem:$0x3FA9] =	sst s3  }
0xc: {  	[smem:$0x3FAA] =	sst s4  }
0xd: {  	[smem:$0x3FAB] =	sst s5  }
0xe: {  	[smem:$0x3FAC] =	sst s6  }
0xf: {  	[smem:$0x3FAD] =	sst s7  }
0x10: {  	[smem:$0x3FAE] =	sst s8  }
0x11: {  	[smem:$0x3FAF] =	sst s9;
	s0 =	simm.s32 @!p0 $0x0  }
0x12: {  	s1 =	sld [smem:$0x3F95];
	s0 =	simm.s32 @p0 $0x1  }
0x13: {  	[smem:$0x3FB0] =	sst s0;
	s0 =	simm.s32 @!p1 $0x0  }
0x14: {  	s2 =	sld [smem:$0x3F94];
	s0 =	simm.s32 @p1 $0x1  }
0x15: {  	[smem:$0x3FB1] =	sst s0;
	s0 =	simm.s32 @!p2 $0x0  }
0x16: {  	s3 =	sld [smem:$0x3FDB];
	s0 =	simm.s32 @p2 $0x1  }
0x17: {  	s4 =	simm.s32 $0x1BF5;
	[smem:$0x3FB3] =	sst s0  }
0x18: {  	s0 =	sld [smem:$0x3F96];
	_ =	swait.ge [sflag:s4], $0x0  }
0x19: {  	s7 =	sld [smem:$0x3F97]  }
0x1a: {  	s8 =	sadd.s32 $0xFFFFE003, lr  }
0x1b: {  	s9 =	sadd.s32 $0xFFFFFEF7, lr;
	s5 =	simm.s32 $0xFFFFFFFF;
	p2 =	slt.u32 s8, $0xFFFFF086  }
0x1c: {  	p1 =	slt.u32 s9, $0xF7A;
	s5 =	simm.s32 @!p2 $0x0  }
0x1d: {  	s5 =	simm.s32 @p1 $0x1;
	p0 =	seq.s32 s7, s2  }
0x1e: {  	s7 =	smul.u32 @!p0 $0xF7A, s2;
	p2 =	seq.s32 @!p0 s5, $0x0  }
0x1f: {  	s9 =	smul.u32 $0xF7A, s1;
	s8 =	simm.s32 @!p0 $0x1BF5;
	p2 =	por !p2, p0  }
0x20: {  	[sflag:s8] =	ssyncset.s32 @!p0 $0xFFFFF086;
	s6 =	sadd.s32 @!p0 s3, s7;
	s7 =	simm.s32 @!p0 $0x108  }
0x21: {  	s3 =	sadd.s32 s3, s9;
	s6 =	sadd.s32 @!p0 $0x88, s6;
	s7 =	simm.s32 @p2 $0x1082  }
0x22: {  	[simem:s7], [sflag:s8] =	dma.local @!p0 [hbm:s6], $0xF7A  }
0x23: {  	s9 =	sor.u32 $0xD0000000, s2;
	s6 =	simm.s32 $0x108;
	_ =	swait.ge @!p0 [sflag:s8], $0x0  }
0x24: {  	s3 =	sadd.s32 $0x88, s3;
	s6 =	simm.s32 @!p1 $0x1082;
	[sflag:s4] =	ssyncset.s32 $0xFFFFF086  }
0x25: {  	[simem:s6], [sflag:s4] =	dma.local [hbm:s3], $0xF7A  }
0x26: {  	[smem:$0x3F97] =	sst s1;
	(tag) =	ssettag s2;
	_ =	strace s9  }
0x27: {  	s1 =	sld [smem:$0x3FA7]  }
0x28: {  	s2 =	sld [smem:$0x3FA8]  }
0x29: {  	s4 =	sld [smem:$0x3FAA]  }
0x2a: {  	p0 =	seq.s32 s5, $0x0;
	s5 =	sld [smem:$0x3FAB]  }
0x2b: {  	s6 =	sld [smem:$0x3FAC]  }
0x2c: {  	s7 =	sld [smem:$0x3FAD]  }
0x2d: {  	s3 =	simm.s32 $0x108;
	s8 =	sld [smem:$0x3FAE]  }
0x2e: {  	s3 =	simm.s32 @!p0 $0x1082;
	s9 =	sld [smem:$0x3FAF]  }
0x2f: {  	lr =	sadd.s32 s0, s3;
	s0 =	sld [smem:$0x3FA6]  }
0x30: {  	s3 =	sld [smem:$0x3FA9]  }
0x31: {  	[smem:$0x3FB2] =	sst s10  }
0x32: {  	s10 =	sld [smem:$0x3FB0];
	_ =	sdelay $0x3  }
0x33: {  	p0 =	seq.s32 s10, $0x1;
	s10 =	sld [smem:$0x3FB2];
	_ =	sdelay $0x3  }
0x34: {  	[smem:$0x3FB2] =	sst s10  }
0x35: {  	s10 =	sld [smem:$0x3FB1];
	_ =	sdelay $0x3  }
0x36: {  	p1 =	seq.s32 s10, $0x1;
	s10 =	sld [smem:$0x3FB2];
	_ =	sdelay $0x3  }
0x37: {  	[smem:$0x3FB2] =	sst s10  }
0x38: {  	s10 =	sld [smem:$0x3FB3]  }
0x39: {  	_ = 	snop;
	(pc) =	sbr.ind lr, $3  }
0x3a: {  	_ = 	snop  }
0x3b: {  	_ = 	snop  }
0x3c: {  	p2 =	seq.s32 s10, $0x1;
	s10 =	sld [smem:$0x3FB2]  }
0x3d: {  	_ =	shalt  }
0x3e: {  	_ =	shalt  }
0x3f: {  	_ =	shalt  }
0x40: {  	_ =	shalt  }
0x41: {  	_ =	shalt  }
0x42: {  	_ =	shalt  }
0x43: {  	_ =	shalt  }
0x44: {  	_ =	shalt  }
0x45: {  	_ =	shalt  }
0x46: {  	_ =	shalt  }
0x47: {  	_ =	shalt  }
0x48: {  	_ =	shalt  }
0x49: {  	_ =	shalt  }
0x4a: {  	_ =	shalt  }
0x4b: {  	_ =	shalt  }
0x4c: {  	_ =	shalt  }
0x4d: {  	_ =	shalt  }
0x4e: {  	_ =	shalt  }
0x4f: {  	_ =	shalt  }
0x50: {  	_ =	shalt  }
0x51: {  	_ =	shalt  }
0x52: {  	_ =	shalt  }
0x53: {  	_ =	shalt  }
0x54: {  	_ =	shalt  }
0x55: {  	_ =	shalt  }
0x56: {  	_ =	shalt  }
0x57: {  	_ =	shalt  }
0x58: {  	_ =	shalt  }
0x59: {  	_ =	shalt  }
0x5a: {  	_ =	shalt  }
0x5b: {  	_ =	shalt  }
0x5c: {  	_ =	shalt  }
0x5d: {  	_ =	shalt  }
0x5e: {  	_ =	shalt  }
0x5f: {  	_ =	shalt  }
0x60: {  	_ =	shalt  }
0x61: {  	_ =	shalt  }
0x62: {  	_ =	shalt  }
0x63: {  	_ =	shalt  }
0x64: {  	_ =	shalt  }
0x65: {  	_ =	shalt  }
0x66: {  	_ =	shalt  }
0x67: {  	_ =	shalt  }
0x68: {  	_ =	shalt  }
0x69: {  	_ =	shalt  }
0x6a: {  	_ =	shalt  }
0x6b: {  	_ =	shalt  }
0x6c: {  	_ =	shalt  }
0x6d: {  	_ =	shalt  }
0x6e: {  	_ =	shalt  }
0x6f: {  	_ =	shalt  }
0x70: {  	_ =	shalt  }
0x71: {  	_ =	shalt  }
0x72: {  	_ =	shalt  }
0x73: {  	_ =	shalt  }
0x74: {  	_ =	shalt  }
0x75: {  	_ =	shalt  }
0x76: {  	_ =	shalt  }
0x77: {  	_ =	shalt  }
0x78: {  	_ =	shalt  }
0x79: {  	_ =	shalt  }
0x7a: {  	_ =	shalt  }
0x7b: {  	_ =	shalt  }
0x7c: {  	_ =	shalt  }
0x7d: {  	_ =	shalt  }
0x7e: {  	_ =	shalt  }
0x7f: {  	_ =	shalt  }
0x80: {  	_ =	shalt  }
0x81: {  	_ =	shalt  }
0x82: {  	_ =	shalt  }
0x83: {  	_ =	shalt  }
0x84: {  	_ =	shalt  }
0x85: {  	_ =	shalt  }
0x86: {  	_ =	shalt  }
0x87: {  	_ =	shalt  }
.Lfunc_end0:
.L_simem_size_0:
called_computation_lowered:
.L_overlay_start_0:
0x88: {  	s2 =	sld [smem:$0x3FD9]  }
0x89: {  	s3 =	sld [smem:$0x3FFE];
	_ =	sdelay $0x1  }
0x8a: {  	s1 =	srdreg.scid  }
0x8b: {  	s0 =	sand.u32 $0x1, s1  }
0x8c: {  	s16 =	sshll.u32 s0, $0xA;
	s2 =	sadd.s32 s3, s2  }
0x8d: {  	s2 =	sadd.s32 s2, s16  }
0x8e: {  	[smem:$0x3FBE] =	sst s2  }
0x8f: {  	_ = 	snop  }
0x90: {  	(tm) =	ssettm $0x1  }
0x91: {  	s17 =	sld [smem:$0x3FFB];
	_ =	sdelay $0x3  }
0x92: {  	_ =	strace s17  }
0x93: {  	s2 =	sld [smem:$0x3FFC];
	_ =	sdelay $0x3  }
0x94: {  	_ =	strace s2  }
0x95: {  	s2 =	sld [smem:$0x3FFD];
	_ =	sdelay $0x3  }
0x96: {  	_ =	strace s2  }
0x97: {  	_ =	strace $0x8FFFFFFF  }
0x98: {  	s18 =	sld [smem:$0x3FDB];
	_ =	sdelay $0x1  }
0x99: {  	s19 =	simm.s32 $_scs_section_size  }
0x9a: {  	s4 =	simm.s32 $_size__tile_overlayer_lowered;
	s5 =	simm.s32 $_tile_overlayer_lowered  }
0x9b: {  	s22 =	simm.s32 $0x1BFF;
	s21 =	sshll.u32 s5, $0x1;
	s2 =	sadd.s32 s19, s18  }
0x9c: {  	s6 =	simm.s32 $0x0;
	s20 =	sshll.u32 s4, $0x1;
	s4 =	sadd.s32 s21, s2  }
0x9d: {  	[timem:s6], [sflag:s22] =	dma.local [hbm:s4], s20  }
0x9e: {  	_ =	swait.ge [sflag:s22], s20  }
0x9f: {  	s3 =	ssub.s32 $0x0, s20;
	[sflag:s22] =	ssyncset.done $0x0  }
0xa0: {  	[sflag:s22] =	ssyncadd.s32 s3;
	_ =	sdelay $0x1  }
0xa1: {  	s23 =	simm.s32 $0x1B8B  }
0xa2: {  	_ =	swait.ge [sflag:s23], $0x1  }
0xa3: {  	[sflag:s23] =	ssyncset.done $0x0  }
0xa4: {  	s25 =	simm.s32 $0x1B8E;
	s24 =	sld [smem:$0x3FFE];
	[sflag:s23] =	ssyncadd.s32 $0xFFFFFFFF  }
0xa5: {  	s26 =	simm.s32 $execute0_lowered;
	[smem:$0x3FD2] =	sst s25  }
0xa6: {  	s4 =	sshll.u32 s26, $0x1;
	_ =	strace $0x80000046;
	[dreg:$0x1] =	wrdreg $0xFFFFFFFF  }
0xa7: {  	s28 =	simm.s32 $_size_execute0_lowered;
	s2 =	sadd.s32 s2, s4;
	[dreg:$0x0] =	wrdreg $0x0  }
0xa8: {  	s4 =	sshll.u32 s28, $0x1;
	[dreg:$0x2] =	wrdreg s2  }
0xa9: {  	[dreg:$0x3] =	wrdreg s4  }
0xaa: {  	[dreg:$0x4] =	wrdreg $0xC0  }
0xab: {  	_ =	task [dreg:s6], $0x5FFFF  }
0xac: {  	[dreg:$0x1] =	wrdreg $0xFFFFFFFF  }
0xad: {  	[dreg:$0x0] =	wrdreg $0x60  }
0xae: {  	[dreg:$0x2] =	wrdreg s24  }
0xaf: {  	[dreg:$0x3] =	wrdreg $0x9  }
0xb0: {  	_ =	task.clear_ibuf [dreg:s6], $0x4FFFF;
	_ =	strace $0x90000046  }
0xb1: {  	s29 =	simm.s32 $0x9;
	_ =	strace $0x80000048  }
0xb2: {  	_ =	swait.ge [sflag:s29], $0x1  }
0xb3: {  	[sflag:s29] =	ssyncadd.s32 $0xFFFFFFFF  }
0xb4: {  	_ =	strace $0x90000048  }
0xb5: {  	_ =	sfence  }
0xb6: {  	s30 =	sld [smem:$0x0];
	_ =	sdelay $0x2  }
0xb7: {  	s31 =	sshll.u32 s1, $0xD;
	s1 =	sshrl.u32 s1, $0x2  }
0xb8: {  	s3 =	sand.u32 $0x4000, s31;
	s1 =	sadd.s32 s1, s30  }
0xb9: {  	s0 =	sor.u32 s3, s0;
	s1 =	sshll.u32 s1, $0x11  }
0xba: {  	s0 =	sor.u32 s1, s0  }
0xbb: {  	s0 =	sadd.s32 $0x8F2B, s0  }
0xbc: {  	[sflag:s0] =	ssyncadd.remote.s32 $0x1  }
0xbd: {  	_ =	sfence.sel $0xFFFF  }
0xbe: {  	[dreg:$0x0] =	wrdreg $0xFFFFFFFF;
	(pc) =	sbr.abs _section_cstart, $3  }
0xbf: {  	[dreg:$0x1] =	wrdreg $0xFFFFFFFF  }
0xc0: {  	_ =	task.clear_ibuf [dreg:s6], $0x2FFFF;
	_ =	strace $0x9FFFFFFF  }
0xc1: {  	(tm) =	ssettm $0x7FFFFFFF  }
tec
execute0_lowered:
.L_overlay_start_1:
0x0: {  	(tag) =	ssettag $0x1  }
0x1: {  	s4 =	rddreg [dreg:$0x0]  }
0x2: {  	s0 =	rddreg [dreg:$0x1];
	s2 =	simm.s32 $0x0;
	s1 =	stileid.u32  }
0x3: {  	s3 =	srdreg.scid;
	s10 =	simm.s32 $0x0;
	s6 =	smul.u32 $0x5000, s1  }
0x4: {  	[smem:$0x7FF] =	sst s2;
	s5 =	sand.u32 $0x1, s3;
	s8 =	smul.u32 $0xA000, s1  }
0x5: {  	s3 =	sadd.s32 $0x3A00, s4;
	s7 =	smul.u32 $0x2800, s5;
	s9 =	ssub.s32 $0x2, s5  }
0x6: {  	_ =	strace $0x80000047;
	s5 =	smul.u32 $0x5000, s5;
	s30 =	sshrl.u32 s9, $0x1  }
0x7: {  	s8 =	sadd.s32 s8, s4;
	s6 =	sadd.s32 s7, s6;
	s7 =	ssub.s32 s9, s30  }
0x8: {  	s31 =	sadd.s32 s5, s8;
	s8 =	simm.s32 $0x500;
	s6 =	sshrl.u32 s6, $0x3  }
0x9: {  	s9 =	simm.s32 $0x1;
	s6 =	sadd.s32 s6, s4;
	s4 =	smax.u32 s7, $0x1  }
0xa: {  	s7 =	simm.s32 $0x2;
	s5 =	sadd.s32 $0xBA00, s6;
	s6 =	sadd.s32 $0x15A00, s31  }
.LBB2_1:
0xb: {  	s11 =	sadd.s32 $0x0, s5  }
0xc: {  	[tilespmem:s2], [sflag:$0x2] =	stream.linear.gather [hbm4b:s11+s2], $0x500, $0x38;
	[tilespmem:$0x5500] =	vst v63  }
0xd: {  	_ =	swait.ge [sflag:s7], $0x500  }
0xe: {  	[sflag:s7] =	ssyncset.done $0x0  }
0xf: {  	[sflag:s7] =	ssyncadd.s32 $0xFFFFFB00  }
0x10: {  	[tilespmem:s8], [sflag:$0x1] =	stream.indirect.gather [hbm4b:s3+s8], $0x10, s2, s8, $0xb8;
	[tilespmem:$0x5500] =	vst v63  }
0x11: {  	_ =	swait.ge [sflag:s9], $0x5000  }
0x12: {  	[sflag:s9] =	ssyncset.done $0x0  }
0x13: {  	[sflag:s9] =	ssyncadd.s32 $0xFFFFB000  }
0x14: {  	[hbm4b:s6+s2] =	stream.linear.scatter [tilespmem:s8], [sflag:$0x2], $0x5000, $0x38;
	[tilespmem:$0x5500] =	vst v63  }
0x15: {  	s12 =	simm.s32 $0xA0;
	_ =	swait.ge [sflag:s7], $0x5000  }
0x16: {  	s13 =	simm.s32 $0x140;
	s11 =	sadd.s32 $0xA00, s6;
	[sflag:s7] =	ssyncset.done $0x0  }
.LBB2_2:
0x17: {  	s14 =	sadd.s32 s12, s5  }
0x18: {  	[sflag:s7] =	ssyncadd.s32 $0xFFFFB000;
	s12 =	smov.u32 s13;
	s15 =	sadd.s32 $0xA0, s13  }
0x19: {  	[tilespmem:s2], [sflag:$0x2] =	stream.linear.gather [hbm4b:s14+s2], $0x500, $0x38;
	[tilespmem:$0x5500] =	vst v63  }
0x1a: {  	p0 =	sne.s32 s13, $0x460;
	_ =	swait.ge [sflag:s7], $0x500  }
0x1b: {  	[sflag:s7] =	ssyncset.done $0x0  }
0x1c: {  	[sflag:s7] =	ssyncadd.s32 $0xFFFFFB00  }
0x1d: {  	[tilespmem:s8], [sflag:$0x1] =	stream.indirect.gather [hbm4b:s3+s8], $0x10, s2, s8, $0xb8;
	[tilespmem:$0x5500] =	vst v63  }
0x1e: {  	_ =	swait.ge [sflag:s9], $0x5000  }
.Ltmp0:
0x1f: {  	[sflag:s9] =	ssyncset.done $0x0;
	(pc) =	sbr.rel @p0 .LBB2_2-.Ltmp0, $4  }
0x20: {  	[sflag:s9] =	ssyncadd.s32 $0xFFFFB000  }
0x21: {  	[hbm4b:s11+s2] =	stream.linear.scatter [tilespmem:s8], [sflag:$0x2], $0x5000, $0x38;
	[tilespmem:$0x5500] =	vst v63  }
0x22: {  	_ =	swait.ge [sflag:s7], $0x5000  }
0x23: {  	s13 =	smov.u32 s15;
	s11 =	sadd.s32 $0xA00, s11;
	[sflag:s7] =	ssyncset.done $0x0  }
0x24: {  	s12 =	sadd.s32 s12, s5;
	[sflag:s7] =	ssyncadd.s32 $0xFFFFB000  }
0x25: {  	[tilespmem:s2], [sflag:$0x2] =	stream.linear.gather [hbm4b:s12+s2], $0x500, $0x38;
	[tilespmem:$0x5500] =	vst v63  }
0x26: {  	_ =	swait.ge [sflag:s7], $0x500  }
0x27: {  	[sflag:s7] =	ssyncset.done $0x0  }
0x28: {  	[sflag:s7] =	ssyncadd.s32 $0xFFFFFB00  }
0x29: {  	[tilespmem:s8], [sflag:$0x1] =	stream.indirect.gather [hbm4b:s3+s8], $0x10, s2, s8, $0xb8;
	[tilespmem:$0x5500] =	vst v63  }
0x2a: {  	s10 =	sadd.s32 $0x1, s10;
	_ =	swait.ge [sflag:s9], $0x5000  }
0x2b: {  	p0 =	sne.s32 s10, s4;
	[sflag:s9] =	ssyncset.done $0x0  }
.Ltmp1:
0x2c: {  	[sflag:s9] =	ssyncadd.s32 $0xFFFFB000;
	(pc) =	sbr.rel @p0 .LBB2_1-.Ltmp1, $4  }
0x2d: {  	[hbm4b:s11+s2] =	stream.linear.scatter [tilespmem:s8], [sflag:$0x2], $0x5000, $0x38;
	[tilespmem:$0x5500] =	vst v63  }
0x2e: {  	_ =	swait.ge [sflag:s7], $0x5000  }
0x2f: {  	[sflag:s7] =	ssyncset.done $0x0  }
0x30: {  	[sflag:s7] =	ssyncadd.s32 $0xFFFFB000  }
0x31: {  	_ =	sfence.sel $0x180000  }
0x32: {  	[bflag:$0x0] =	sbarrier.arrive $0xFFFF  }
0x33: {  	p0 =	sne.s32 s1, $0x0;
	_ =	strace $0x90000047  }
0x34: {  	s0 =	sadd.s32 @!p0 $0x100000, s0;
	[bflag:$0x2] =	sbarrier.arrive $0xFFFF  }
0x35: {  	[sflag:s0] =	ssyncadd.tile.s32 @!p0 $0x1;
	_ =	shalt  }
.Lfunc_end2:
_tile_overlayer_lowered:
.L_overlay_start_2:
0x36: {  	(tag) =	ssettag $0x2  }
0x37: {  	s0 =	rddreg [dreg:$0x0];
	s2 =	stileid.u32  }
0x38: {  	s1 =	rddreg [dreg:$0x1];
	p0 =	sne.s32 s2, $0x0  }
0x39: {  	s3 =	rddreg [dreg:$0x2];
	[bflag:$0x3] =	sbarrier.arrive $0xFFFF;
	s2 =	simm.s32 @!p0 $0x1C02  }
0x3a: {  	[timem:s3], [sflag:s2] =	dma.local @!p0 [hbm:s0], s1  }
0x3b: {  	s0 =	simm.s32 @!p0 $0x2  }
0x3c: {  	_ =	swait.ge @!p0 [sflag:s0], s1  }
0x3d: {  	s1 =	ssub.s32 @!p0 $0x0, s1;
	[sflag:s0] =	ssyncset.done @!p0 $0x0  }
0x3e: {  	[sflag:s0] =	ssyncadd.s32 @!p0 s1  }
0x3f: {  	[bflag:$0x3] =	sbarrier.arrive $0xFFFF  }
0x40: {  	_ =	shalt  }

// kernel: kernel.14.cloned.1.call-start
scs
__scs_entry_jumppad:
0x0: {  	(pc) =	sbr.rel $0x88, $3  }
0x1: {  	(tag) =	ssettag $0x0;
	lr =	simm.s32 $0x1  }
0x2: {  	[smem:$0x3F97] =	sst lr;
	_ =	strace $0xD0000000  }
0x3: {  	_ = 	snop  }
0x4: {  	_ = 	snop  }
0x5: {  	_ = 	snop  }
0x6: {  	_ = 	snop  }
0x7: {  	_ = 	snop  }
__scs_overlays_trampoline_lowered:
0x8: {  	[smem:$0x3FA6] =	sst s0  }
0x9: {  	[smem:$0x3FA7] =	sst s1  }
0xa: {  	[smem:$0x3FA8] =	sst s2  }
0xb: {  	[smem:$0x3FA9] =	sst s3  }
0xc: {  	[smem:$0x3FAA] =	sst s4  }
0xd: {  	[smem:$0x3FAB] =	sst s5  }
0xe: {  	[smem:$0x3FAC] =	sst s6  }
0xf: {  	[smem:$0x3FAD] =	sst s7  }
0x10: {  	[smem:$0x3FAE] =	sst s8  }
0x11: {  	[smem:$0x3FAF] =	sst s9;
	s0 =	simm.s32 @!p0 $0x0  }
0x12: {  	s1 =	sld [smem:$0x3F95];
	s0 =	simm.s32 @p0 $0x1  }
0x13: {  	[smem:$0x3FB0] =	sst s0;
	s0 =	simm.s32 @!p1 $0x0  }
0x14: {  	s2 =	sld [smem:$0x3F94];
	s0 =	simm.s32 @p1 $0x1  }
0x15: {  	[smem:$0x3FB1] =	sst s0;
	s0 =	simm.s32 @!p2 $0x0  }
0x16: {  	s3 =	sld [smem:$0x3FDB];
	s0 =	simm.s32 @p2 $0x1  }
0x17: {  	s4 =	simm.s32 $0x1BF5;
	[smem:$0x3FB3] =	sst s0  }
0x18: {  	s0 =	sld [smem:$0x3F96];
	_ =	swait.ge [sflag:s4], $0x0  }
0x19: {  	s7 =	sld [smem:$0x3F97]  }
0x1a: {  	s8 =	sadd.s32 $0xFFFFE003, lr  }
0x1b: {  	s9 =	sadd.s32 $0xFFFFFEF7, lr;
	s5 =	simm.s32 $0xFFFFFFFF;
	p2 =	slt.u32 s8, $0xFFFFF086  }
0x1c: {  	p1 =	slt.u32 s9, $0xF7A;
	s5 =	simm.s32 @!p2 $0x0  }
0x1d: {  	s5 =	simm.s32 @p1 $0x1;
	p0 =	seq.s32 s7, s2  }
0x1e: {  	s7 =	smul.u32 @!p0 $0xF7A, s2;
	p2 =	seq.s32 @!p0 s5, $0x0  }
0x1f: {  	s9 =	smul.u32 $0xF7A, s1;
	s8 =	simm.s32 @!p0 $0x1BF5;
	p2 =	por !p2, p0  }
0x20: {  	[sflag:s8] =	ssyncset.s32 @!p0 $0xFFFFF086;
	s6 =	sadd.s32 @!p0 s3, s7;
	s7 =	simm.s32 @!p0 $0x108  }
0x21: {  	s3 =	sadd.s32 s3, s9;
	s6 =	sadd.s32 @!p0 $0x88, s6;
	s7 =	simm.s32 @p2 $0x1082  }
0x22: {  	[simem:s7], [sflag:s8] =	dma.local @!p0 [hbm:s6], $0xF7A  }
0x23: {  	s9 =	sor.u32 $0xD0000000, s2;
	s6 =	simm.s32 $0x108;
	_ =	swait.ge @!p0 [sflag:s8], $0x0  }
0x24: {  	s3 =	sadd.s32 $0x88, s3;
	s6 =	simm.s32 @!p1 $0x1082;
	[sflag:s4] =	ssyncset.s32 $0xFFFFF086  }
0x25: {  	[simem:s6], [sflag:s4] =	dma.local [hbm:s3], $0xF7A  }
0x26: {  	[smem:$0x3F97] =	sst s1;
	(tag) =	ssettag s2;
	_ =	strace s9  }
0x27: {  	s1 =	sld [smem:$0x3FA7]  }
0x28: {  	s2 =	sld [smem:$0x3FA8]  }
0x29: {  	s4 =	sld [smem:$0x3FAA]  }
0x2a: {  	p0 =	seq.s32 s5, $0x0;
	s5 =	sld [smem:$0x3FAB]  }
0x2b: {  	s6 =	sld [smem:$0x3FAC]  }
0x2c: {  	s7 =	sld [smem:$0x3FAD]  }
0x2d: {  	s3 =	simm.s32 $0x108;
	s8 =	sld [smem:$0x3FAE]  }
0x2e: {  	s3 =	simm.s32 @!p0 $0x1082;
	s9 =	sld [smem:$0x3FAF]  }
0x2f: {  	lr =	sadd.s32 s0, s3;
	s0 =	sld [smem:$0x3FA6]  }
0x30: {  	s3 =	sld [smem:$0x3FA9]  }
0x31: {  	[smem:$0x3FB2] =	sst s10  }
0x32: {  	s10 =	sld [smem:$0x3FB0];
	_ =	sdelay $0x3  }
0x33: {  	p0 =	seq.s32 s10, $0x1;
	s10 =	sld [smem:$0x3FB2];
	_ =	sdelay $0x3  }
0x34: {  	[smem:$0x3FB2] =	sst s10  }
0x35: {  	s10 =	sld [smem:$0x3FB1];
	_ =	sdelay $0x3  }
0x36: {  	p1 =	seq.s32 s10, $0x1;
	s10 =	sld [smem:$0x3FB2];
	_ =	sdelay $0x3  }
0x37: {  	[smem:$0x3FB2] =	sst s10  }
0x38: {  	s10 =	sld [smem:$0x3FB3]  }
0x39: {  	_ = 	snop;
	(pc) =	sbr.ind lr, $3  }
0x3a: {  	_ = 	snop  }
0x3b: {  	_ = 	snop  }
0x3c: {  	p2 =	seq.s32 s10, $0x1;
	s10 =	sld [smem:$0x3FB2]  }
0x3d: {  	_ =	shalt  }
0x3e: {  	_ =	shalt  }
0x3f: {  	_ =	shalt  }
0x40: {  	_ =	shalt  }
0x41: {  	_ =	shalt  }
0x42: {  	_ =	shalt  }
0x43: {  	_ =	shalt  }
0x44: {  	_ =	shalt  }
0x45: {  	_ =	shalt  }
0x46: {  	_ =	shalt  }
0x47: {  	_ =	shalt  }
0x48: {  	_ =	shalt  }
0x49: {  	_ =	shalt  }
0x4a: {  	_ =	shalt  }
0x4b: {  	_ =	shalt  }
0x4c: {  	_ =	shalt  }
0x4d: {  	_ =	shalt  }
0x4e: {  	_ =	shalt  }
0x4f: {  	_ =	shalt  }
0x50: {  	_ =	shalt  }
0x51: {  	_ =	shalt  }
0x52: {  	_ =	shalt  }
0x53: {  	_ =	shalt  }
0x54: {  	_ =	shalt  }
0x55: {  	_ =	shalt  }
0x56: {  	_ =	shalt  }
0x57: {  	_ =	shalt  }
0x58: {  	_ =	shalt  }
0x59: {  	_ =	shalt  }
0x5a: {  	_ =	shalt  }
0x5b: {  	_ =	shalt  }
0x5c: {  	_ =	shalt  }
0x5d: {  	_ =	shalt  }
0x5e: {  	_ =	shalt  }
0x5f: {  	_ =	shalt  }
0x60: {  	_ =	shalt  }
0x61: {  	_ =	shalt  }
0x62: {  	_ =	shalt  }
0x63: {  	_ =	shalt  }
0x64: {  	_ =	shalt  }
0x65: {  	_ =	shalt  }
0x66: {  	_ =	shalt  }
0x67: {  	_ =	shalt  }
0x68: {  	_ =	shalt  }
0x69: {  	_ =	shalt  }
0x6a: {  	_ =	shalt  }
0x6b: {  	_ =	shalt  }
0x6c: {  	_ =	shalt  }
0x6d: {  	_ =	shalt  }
0x6e: {  	_ =	shalt  }
0x6f: {  	_ =	shalt  }
0x70: {  	_ =	shalt  }
0x71: {  	_ =	shalt  }
0x72: {  	_ =	shalt  }
0x73: {  	_ =	shalt  }
0x74: {  	_ =	shalt  }
0x75: {  	_ =	shalt  }
0x76: {  	_ =	shalt  }
0x77: {  	_ =	shalt  }
0x78: {  	_ =	shalt  }
0x79: {  	_ =	shalt  }
0x7a: {  	_ =	shalt  }
0x7b: {  	_ =	shalt  }
0x7c: {  	_ =	shalt  }
0x7d: {  	_ =	shalt  }
0x7e: {  	_ =	shalt  }
0x7f: {  	_ =	shalt  }
0x80: {  	_ =	shalt  }
0x81: {  	_ =	shalt  }
0x82: {  	_ =	shalt  }
0x83: {  	_ =	shalt  }
0x84: {  	_ =	shalt  }
0x85: {  	_ =	shalt  }
0x86: {  	_ =	shalt  }
0x87: {  	_ =	shalt  }
.Lfunc_end0:
.L_simem_size_0:
called_computation.1_lowered:
.L_overlay_start_0:
0x88: {  	s2 =	sld [smem:$0x3FD9]  }
0x89: {  	s3 =	sld [smem:$0x3FFE];
	_ =	sdelay $0x1  }
0x8a: {  	s1 =	srdreg.scid  }
0x8b: {  	s0 =	sand.u32 $0x1, s1  }
0x8c: {  	s17 =	sshll.u32 s0, $0xA;
	s2 =	sadd.s32 s3, s2  }
0x8d: {  	s2 =	sadd.s32 s2, s17  }
0x8e: {  	[smem:$0x3FBE] =	sst s2  }
0x8f: {  	_ = 	snop  }
0x90: {  	s2 =	sld [smem:$0x3FD0];
	(tm) =	ssettm $0x1  }
0x91: {  	s18 =	sld [smem:$0x3FFB];
	_ =	sdelay $0x3  }
0x92: {  	_ =	strace s18  }
0x93: {  	s3 =	sld [smem:$0x3FFC];
	_ =	sdelay $0x3  }
0x94: {  	_ =	strace s3  }
0x95: {  	s3 =	sld [smem:$0x3FFD];
	_ =	sdelay $0x3  }
0x96: {  	_ =	strace s3  }
0x97: {  	_ =	strace $0x8FFFFFFF  }
0x98: {  	s19 =	sld [smem:$0x3FDB];
	_ =	sdelay $0x1  }
0x99: {  	s4 =	simm.s32 $_scs_section_size  }
0x9a: {  	s5 =	simm.s32 $_size__tile_overlayer_lowered;
	s6 =	simm.s32 $_tile_overlayer_lowered  }
0x9b: {  	s22 =	simm.s32 $0x1BFF;
	s21 =	sshll.u32 s6, $0x1;
	s3 =	sadd.s32 s4, s19  }
0x9c: {  	s7 =	simm.s32 $0x0;
	s20 =	sshll.u32 s5, $0x1;
	s5 =	sadd.s32 s21, s3  }
0x9d: {  	[timem:s7], [sflag:s22] =	dma.local [hbm:s5], s20  }
0x9e: {  	_ =	swait.ge [sflag:s22], s20  }
0x9f: {  	s4 =	ssub.s32 $0x0, s20;
	[sflag:s22] =	ssyncset.done $0x0  }
0xa0: {  	[sflag:s22] =	ssyncadd.s32 s4;
	_ =	sdelay $0x1  }
0xa1: {  	s23 =	simm.s32 $0x1B8B  }
0xa2: {  	_ =	swait.ge [sflag:s23], $0x1  }
0xa3: {  	[sflag:s23] =	ssyncset.done $0x0  }
0xa4: {  	s25 =	simm.s32 $0x1B8E;
	s24 =	sld [smem:$0x3FFE];
	[sflag:s23] =	ssyncadd.s32 $0xFFFFFFFF  }
0xa5: {  	s26 =	simm.s32 $execute0_lowered;
	[smem:$0x3FD2] =	sst s25  }
0xa6: {  	s5 =	sshll.u32 s26, $0x1;
	_ =	strace $0x80000049;
	[dreg:$0x1] =	wrdreg $0xFFFFFFFF  }
0xa7: {  	s28 =	simm.s32 $_size_execute0_lowered;
	s3 =	sadd.s32 s3, s5;
	[dreg:$0x0] =	wrdreg $0x0  }
0xa8: {  	s5 =	sshll.u32 s28, $0x1;
	[dreg:$0x2] =	wrdreg s3  }
0xa9: {  	[dreg:$0x3] =	wrdreg s5  }
0xaa: {  	[dreg:$0x4] =	wrdreg $0xC0  }
0xab: {  	_ =	task [dreg:s7], $0x5FFFF  }
0xac: {  	[dreg:$0x1] =	wrdreg $0xFFFFFFFF  }
0xad: {  	[dreg:$0x0] =	wrdreg $0x60  }
0xae: {  	[dreg:$0x2] =	wrdreg s24  }
0xaf: {  	[dreg:$0x3] =	wrdreg s2  }
0xb0: {  	[dreg:$0x4] =	wrdreg $0x9  }
0xb1: {  	_ =	task.clear_ibuf [dreg:s7], $0x5FFFF;
	_ =	strace $0x90000049  }
0xb2: {  	s29 =	simm.s32 $0x9;
	_ =	strace $0x8000004B  }
0xb3: {  	_ =	swait.ge [sflag:s29], $0x1  }
0xb4: {  	[sflag:s29] =	ssyncadd.s32 $0xFFFFFFFF  }
0xb5: {  	_ =	strace $0x9000004B  }
0xb6: {  	_ =	sfence  }
0xb7: {  	s30 =	sld [smem:$0x0];
	_ =	sdelay $0x2  }
0xb8: {  	s31 =	sshll.u32 s1, $0xD;
	s1 =	sshrl.u32 s1, $0x2  }
0xb9: {  	s3 =	sand.u32 $0x4000, s31;
	s1 =	sadd.s32 s1, s30  }
0xba: {  	s0 =	sor.u32 s3, s0;
	s1 =	sshll.u32 s1, $0x11  }
0xbb: {  	s0 =	sor.u32 s1, s0  }
0xbc: {  	s0 =	sadd.s32 $0x8F2B, s0  }
0xbd: {  	[sflag:s0] =	ssyncadd.remote.s32 $0x1  }
0xbe: {  	_ =	sfence.sel $0xFFFF  }
0xbf: {  	[dreg:$0x0] =	wrdreg $0xFFFFFFFF;
	(pc) =	sbr.abs _section_cstart, $3  }
0xc0: {  	[dreg:$0x1] =	wrdreg $0xFFFFFFFF  }
0xc1: {  	_ =	task.clear_ibuf [dreg:s7], $0x2FFFF;
	_ =	strace $0x9FFFFFFF  }
0xc2: {  	(tm) =	ssettm $0x7FFFFFFF  }
0xc3: {  	_ =	shalt  }
tec
execute0_lowered:
.L_overlay_start_1:
0x0: {  	(tag) =	ssettag $0x1  }
0x1: {  	s6 =	rddreg [dreg:$0x0]  }
0x2: {  	s8 =	rddreg [dreg:$0x1]  }
0x3: {  	s0 =	rddreg [dreg:$0x2];
	s1 =	simm.s32 $0x0;
	s5 =	srdreg.scid  }
0x4: {  	s2 =	stileid.u32;
	s12 =	simm.s32 $0x1;
	s13 =	simm.s32 $0x14500  }
0x5: {  	s14 =	simm.s32 $0x15500;
	s15 =	simm.s32 $0x16500;
	s16 =	simm.s32 $0x0  }
0x6: {  	[smem:$0x7FF] =	sst s1;
	s3 =	sadd.s32 $0xDA00, s6;
	s4 =	sadd.s32 $0x3A00, s6  }
0x7: {  	s7 =	sand.u32 $0x1, s5;
	s5 =	sadd.s32 $0xA3A00, s6;
	s10 =	sshll.u32 s2, $0x1  }
0x8: {  	s6 =	sadd.s32 $0x83A00, s6;
	s9 =	ssub.s32 $0x2, s7;
	s10 =	sor.u32 s7, s10  }
0x9: {  	s11 =	sshrl.u32 s9, $0x1;
	s7 =	sshll.u32 s10, $0x9;
	s10 =	sshll.u32 s10, $0x3  }
0xa: {  	_ =	strace $0x8000004A;
	s9 =	ssub.s32 s9, s11;
	s8 =	sadd.s32 s8, s10  }
0xb: {  	s10 =	simm.s32 $0x2;
	s11 =	simm.s32 $0x500;
	s9 =	smax.u32 s9, $0x1  }
.LBB2_1:
0xc: {  	v0 =	vimm.f32 $0.0e+00  }
0xd: {  	v1 =	vimm.f32 $0.0e+00;
	v2 =	vimm.f32 $0.0e+00;
	v3 =	vimm.f32 $0.0e+00;
	s17 =	simm.s32 $0x0  }
.LBB2_2:
0xe: {  	s18 =	sshll.u32 s17, $0x6  }
0xf: {  	s18 =	sadd.s32 s7, s18  }
0x10: {  	s19 =	smul.u32 $0x14, s18;
	_ =	sdelay $0x1  }
0x11: {  	s19 =	sshrl.u32 s19, $0x3  }
0x12: {  	s19 =	sadd.s32 s4, s19  }
0x13: {  	[tilespmem:s1], [sflag:$0x2] =	stream.linear.gather [hbm4b:s19+s1], $0x500, $0x38;
	[tilespmem:$0x16540] =	vst v63  }
0x14: {  	_ =	swait.ge [sflag:s10], $0x500  }
0x15: {  	[sflag:s10] =	ssyncset.done $0x0  }
0x16: {  	[sflag:s10] =	ssyncadd.s32 $0xFFFFFB00  }
0x17: {  	[tilespmem:s11], [sflag:$0x1] =	stream.indirect.gather [hbm4b:s3+s11], $0x40, s1, s11, $0xb8;
	[tilespmem:$0x16540] =	vst v63  }
0x18: {  	_ =	swait.ge [sflag:s12], $0x14000  }
0x19: {  	[sflag:s12] =	ssyncset.done $0x0  }
0x1a: {  	s20 =	simm.s32 $0x780;
	s19 =	simm.s32 $0x80;
	[sflag:s12] =	ssyncadd.s32 $0xFFFEC000  }
.LBB2_3:
0x1b: {  	v4 =	vld [tilespmem:s20+$0xFFFFFD80]  }
0x1c: {  	v5 =	vld [tilespmem:s20+$0xFFFFFD90]  }
0x1d: {  	v6 =	vld [tilespmem:s20+$0xFFFFFDA0]  }
0x1e: {  	v7 =	vld [tilespmem:s20+$0xFFFFFDB0]  }
0x1f: {  	v9 =	vld [tilespmem:s20+$0xFFFFFDC0]  }
0x20: {  	v12 =	vld [tilespmem:s20+$0xFFFFFDD0]  }
0x21: {  	v14 =	vld [tilespmem:s20+$0xFFFFFDE0]  }
0x22: {  	v15 =	vld [tilespmem:s20+$0xFFFFFDF0]  }
0x23: {  	v18 =	vld [tilespmem:s20+$0xFFFFFE00]  }
0x24: {  	v50 =	vld [tilespmem:s20+$0xFFFFFE10]  }
0x25: {  	v52 =	vld [tilespmem:s20+$0xFFFFFE20]  }
0x26: {  	v54 =	vld [tilespmem:s20+$0xFFFFFE30]  }
0x27: {  	v57 =	vld [tilespmem:s20+$0xFFFFFE40]  }
0x28: {  	v59 =	vld [tilespmem:s20+$0xFFFFFE50]  }
0x29: {  	v61 =	vld [tilespmem:s20+$0xFFFFFE60]  }
0x2a: {  	v20 =	vld [tilespmem:s20+$0xFFFFFE70]  }
0x2b: {  	v22 =	vld [tilespmem:s20+$0xFFFFFE80]  }
0x2c: {  	v24 =	vld [tilespmem:s20+$0xFFFFFE90];
	v8 =	vmul.f32 v4, v4  }
0x2d: {  	v26 =	vld [tilespmem:s20+$0xFFFFFEA0];
	v11 =	vmul.f32 v5, v5;
	v13 =	vmul.f32 v6, v6  }
0x2e: {  	v28 =	vld [tilespmem:s20+$0xFFFFFEB0];
	v48 =	vmul.f32 v7, v7;
	v17 =	vmul.f32 v9, v9  }
0x2f: {  	v30 =	vld [tilespmem:s20+$0xFFFFFEC0];
	v49 =	vmul.f32 v12, v12;
	v51 =	vmul.f32 v14, v14  }
0x30: {  	v32 =	vld [tilespmem:s20+$0xFFFFFED0];
	v53 =	vmul.f32 v15, v15;
	v56 =	vmul.f32 v18, v18  }
0x31: {  	v34 =	vld [tilespmem:s20+$0xFFFFFEE0];
	v10 =	vmax.f32 v4, $-3.000000010e+38;
	v58 =	vmul.f32 v50, v50;
	v60 =	vmul.f32 v52, v52  }
0x32: {  	v36 =	vld [tilespmem:s20+$0xFFFFFEF0];
	v4 =	vadd.f32 $0.0e+00, v4;
	v62 =	vmul.f32 v54, v54;
	v21 =	vmul.f32 v57, v57  }
0x33: {  	v38 =	vld [tilespmem:s20+$0xFFFFFF00];
	v46 =	vmax.f32 v5, $-3.000000010e+38;
	v23 =	vmul.f32 v59, v59;
	v25 =	vmul.f32 v61, v61  }
0x34: {  	v5 =	vadd.f32 $0.0e+00, v5;
	v27 =	vmul.f32 v20, v20;
	v29 =	vmul.f32 v22, v22  }
0x35: {  	v47 =	vmax.f32 v6, $-3.000000010e+38;
	v31 =	vmul.f32 v24, v24;
	v33 =	vmul.f32 v26, v26  }
0x36: {  	v6 =	vadd.f32 $0.0e+00, v6;
	v35 =	vmul.f32 v28, v28;
	v37 =	vmul.f32 v30, v30  }
0x37: {  	v16 =	vmax.f32 v7, $-3.000000010e+38;
	v39 =	vmul.f32 v32, v32;
	v41 =	vmul.f32 v34, v34  }
0x38: {  	v40 =	vld [tilespmem:s20+$0xFFFFFF10];
	v7 =	vadd.f32 $0.0e+00, v7;
	v43 =	vmul.f32 v36, v36;
	v45 =	vmul.f32 v38, v38  }
0x39: {  	v10 =	vmax.f32 v10, v9;
	v3 =	vadd.f32 v8, v3;
	v2 =	vadd.f32 v11, v2  }
0x3a: {  	v55 =	vmax.f32 v16, v15;
	v1 =	vadd.f32 v13, v1;
	v0 =	vadd.f32 v48, v0  }
0x3b: {  	v4 =	vadd.f32 v9, v4;
	v8 =	vmax.f32 v46, v12;
	v5 =	vadd.f32 v12, v5  }
0x3c: {  	v11 =	vmax.f32 v47, v14;
	v6 =	vadd.f32 v14, v6;
	v7 =	vadd.f32 v15, v7  }
0x3d: {  	v42 =	vld [tilespmem:s20+$0xFFFFFF20];
	v10 =	vmax.f32 v10, v18;
	v63 =	vmax.f32 v55, v54;
	v47 =	vmul.f32 v40, v40  }
0x3e: {  	v44 =	vld [tilespmem:s20+$0xFFFFFF30];
	v8 =	vmax.f32 v8, v50;
	v3 =	vadd.f32 v17, v3;
	v2 =	vadd.f32 v49, v2  }
0x3f: {  	v11 =	vmax.f32 v11, v52;
	v1 =	vadd.f32 v51, v1;
	v0 =	vadd.f32 v53, v0  }
0x40: {  	v10 =	vmax.f32 v10, v57;
	v4 =	vadd.f32 v18, v4;
	v5 =	vadd.f32 v50, v5  }
0x41: {  	v9 =	vmax.f32 v63, v20;
	v6 =	vadd.f32 v52, v6;
	v7 =	vadd.f32 v54, v7  }
0x42: {  	v8 =	vmax.f32 v8, v59;
	v11 =	vmax.f32 v11, v61;
	v10 =	vmax.f32 v10, v22  }
0x43: {  	v9 =	vmax.f32 v9, v28;
	v49 =	vmul.f32 v42, v42;
	v51 =	vmul.f32 v44, v44  }
0x44: {  	v8 =	vmax.f32 v8, v24;
	v3 =	vadd.f32 v56, v3;
	v2 =	vadd.f32 v58, v2  }
0x45: {  	v46 =	vld [tilespmem:s20+$0xFFFFFF40];
	v11 =	vmax.f32 v11, v26;
	v1 =	vadd.f32 v60, v1;
	v0 =	vadd.f32 v62, v0  }
0x46: {  	v10 =	vmax.f32 v10, v30;
	v4 =	vadd.f32 v57, v4;
	v5 =	vadd.f32 v59, v5  }
0x47: {  	v48 =	vld [tilespmem:s20+$0xFFFFFF50];
	v9 =	vmax.f32 v9, v36;
	v6 =	vadd.f32 v61, v6;
	v7 =	vadd.f32 v20, v7  }
0x48: {  	v50 =	vld [tilespmem:s20+$0xFFFFFF60];
	v8 =	vmax.f32 v8, v32;
	v11 =	vmax.f32 v11, v34;
	v10 =	vmax.f32 v10, v38  }
0x49: {  	v52 =	vld [tilespmem:s20+$0xFFFFFF70];
	v9 =	vmax.f32 v9, v44;
	v8 =	vmax.f32 v8, v40;
	v11 =	vmax.f32 v11, v42  }
0x4a: {  	v53 =	vmul.f32 v46, v46;
	v3 =	vadd.f32 v21, v3;
	v2 =	vadd.f32 v23, v2  }
0x4b: {  	v54 =	vld [tilespmem:s20+$0xFFFFFF80];
	v10 =	vmax.f32 v10, v46;
	v1 =	vadd.f32 v25, v1;
	v0 =	vadd.f32 v27, v0  }
0x4c: {  	v55 =	vmul.f32 v48, v48;
	v4 =	vadd.f32 v22, v4;
	v5 =	vadd.f32 v24, v5  }
0x4d: {  	v56 =	vld [tilespmem:s20+$0xFFFFFF90];
	v6 =	vadd.f32 v26, v6;
	v7 =	vadd.f32 v28, v7;
	v8 =	vmax.f32 v8, v48  }
0x4e: {  	v58 =	vld [tilespmem:s20+$0xFFFFFFA0];
	v57 =	vmul.f32 v50, v50;
	v11 =	vmax.f32 v11, v50;
	v59 =	vmul.f32 v52, v52  }
0x4f: {  	v60 =	vld [tilespmem:s20+$0xFFFFFFB0];
	v9 =	vmax.f32 v9, v52;
	v3 =	vadd.f32 v29, v3;
	v2 =	vadd.f32 v31, v2  }
0x50: {  	v61 =	vmul.f32 v54, v54;
	v1 =	vadd.f32 v33, v1;
	v0 =	vadd.f32 v35, v0  }
0x51: {  	v62 =	vld [tilespmem:s20+$0xFFFFFFC0];
	v10 =	vmax.f32 v10, v54;
	v4 =	vadd.f32 v30, v4;
	v5 =	vadd.f32 v32, v5  }
0x52: {  	v21 =	vld [tilespmem:s20+$0xFFFFFFD0];
	v6 =	vadd.f32 v34, v6;
	v7 =	vadd.f32 v36, v7;
	v63 =	vmul.f32 v56, v56  }
0x53: {  	v23 =	vld [tilespmem:s20+$0xFFFFFFE0];
	v8 =	vmax.f32 v8, v56;
	v22 =	vmul.f32 v58, v58;
	v11 =	vmax.f32 v11, v58  }
0x54: {  	v25 =	vld [tilespmem:s20+$0xFFFFFFF0];
	v24 =	vmul.f32 v60, v60;
	v3 =	vadd.f32 v37, v3;
	v2 =	vadd.f32 v39, v2  }
0x55: {  	v9 =	vmax.f32 v9, v60;
	v1 =	vadd.f32 v41, v1;
	v0 =	vadd.f32 v43, v0  }
0x56: {  	v27 =	vld [tilespmem:s20+$0x0];
	v26 =	vmul.f32 v62, v62;
	v4 =	vadd.f32 v38, v4;
	v5 =	vadd.f32 v40, v5  }
0x57: {  	v29 =	vld [tilespmem:s20+$0x10];
	v10 =	vmax.f32 v10, v62;
	v6 =	vadd.f32 v42, v6;
	v7 =	vadd.f32 v44, v7  }
0x58: {  	v31 =	vld [tilespmem:s20+$0x20];
	v28 =	vmul.f32 v21, v21;
	v8 =	vmax.f32 v8, v21;
	v30 =	vmul.f32 v23, v23  }
0x59: {  	v33 =	vld [tilespmem:s20+$0x30];
	v11 =	vmax.f32 v11, v23;
	v32 =	vmul.f32 v25, v25;
	v3 =	vadd.f32 v45, v3  }
0x5a: {  	v9 =	vmax.f32 v9, v25;
	v2 =	vadd.f32 v47, v2;
	v1 =	vadd.f32 v49, v1  }
0x5b: {  	v35 =	vld [tilespmem:s20+$0x40];
	v34 =	vmul.f32 v27, v27;
	v0 =	vadd.f32 v51, v0;
	v4 =	vadd.f32 v46, v4  }
0x5c: {  	v10 =	vmax.f32 v10, v27;
	v5 =	vadd.f32 v48, v5;
	v6 =	vadd.f32 v50, v6  }
0x5d: {  	v37 =	vld [tilespmem:s20+$0x50];
	v7 =	vadd.f32 v52, v7;
	v36 =	vmul.f32 v29, v29;
	v8 =	vmax.f32 v8, v29  }
0x5e: {  	v39 =	vld [tilespmem:s20+$0x60];
	v38 =	vmul.f32 v31, v31;
	v11 =	vmax.f32 v11, v31;
	v40 =	vmul.f32 v33, v33  }
0x5f: {  	v41 =	vld [tilespmem:s20+$0x70];
	v9 =	vmax.f32 v9, v33;
	v3 =	vadd.f32 v53, v3;
	v2 =	vadd.f32 v55, v2  }
0x60: {  	v42 =	vmul.f32 v35, v35;
	v1 =	vadd.f32 v57, v1;
	v0 =	vadd.f32 v59, v0  }
0x61: {  	v43 =	vld [tilespmem:s20+$0x80];
	v10 =	vmax.f32 v10, v35;
	v4 =	vadd.f32 v54, v4;
	v5 =	vadd.f32 v56, v5  }
0x62: {  	v45 =	vld [tilespmem:s20+$0x90];
	v6 =	vadd.f32 v58, v6;
	v7 =	vadd.f32 v60, v7;
	v44 =	vmul.f32 v37, v37  }
0x63: {  	v47 =	vld [tilespmem:s20+$0xA0];
	v8 =	vmax.f32 v8, v37;
	v46 =	vmul.f32 v39, v39;
	v11 =	vmax.f32 v11, v39  }
0x64: {  	v49 =	vld [tilespmem:s20+$0xB0];
	v48 =	vmul.f32 v41, v41;
	v3 =	vadd.f32 v61, v3;
	v2 =	vadd.f32 v63, v2  }
0x65: {  	v9 =	vmax.f32 v9, v41;
	v1 =	vadd.f32 v22, v1;
	v0 =	vadd.f32 v24, v0  }
0x66: {  	v51 =	vld [tilespmem:s20+$0xC0];
	v50 =	vmul.f32 v43, v43;
	v4 =	vadd.f32 v62, v4;
	v5 =	vadd.f32 v21, v5  }
0x67: {  	v53 =	vld [tilespmem:s20+$0xD0];
	v10 =	vmax.f32 v10, v43;
	v6 =	vadd.f32 v23, v6;
	v7 =	vadd.f32 v25, v7  }
0x68: {  	v55 =	vld [tilespmem:s20+$0xE0];
	v52 =	vmul.f32 v45, v45;
	v8 =	vmax.f32 v8, v45;
	v54 =	vmul.f32 v47, v47  }
0x69: {  	v57 =	vld [tilespmem:s20+$0xF0];
	v11 =	vmax.f32 v11, v47;
	v56 =	vmul.f32 v49, v49;
	v3 =	vadd.f32 v26, v3  }
0x6a: {  	v9 =	vmax.f32 v9, v49;
	v2 =	vadd.f32 v28, v2;
	v1 =	vadd.f32 v30, v1  }
0x6b: {  	v59 =	vld [tilespmem:s20+$0x100];
	v58 =	vmul.f32 v51, v51;
	v0 =	vadd.f32 v32, v0;
	v4 =	vadd.f32 v27, v4  }
0x6c: {  	v10 =	vmax.f32 v10, v51;
	v5 =	vadd.f32 v29, v5;
	v6 =	vadd.f32 v31, v6  }
0x6d: {  	v61 =	vld [tilespmem:s20+$0x110];
	v7 =	vadd.f32 v33, v7;
	v60 =	vmul.f32 v53, v53;
	v8 =	vmax.f32 v8, v53  }
0x6e: {  	v63 =	vld [tilespmem:s20+$0x120];
	v62 =	vmul.f32 v55, v55;
	v11 =	vmax.f32 v11, v55;
	v20 =	vmul.f32 v57, v57  }
0x6f: {  	v21 =	vld [tilespmem:s20+$0x130];
	v9 =	vmax.f32 v9, v57;
	v3 =	vadd.f32 v34, v3;
	v2 =	vadd.f32 v36, v2  }
0x70: {  	v23 =	vld [tilespmem:s20+$0x140];
	v22 =	vmul.f32 v59, v59;
	v1 =	vadd.f32 v38, v1;
	v0 =	vadd.f32 v40, v0  }
0x71: {  	v10 =	vmax.f32 v10, v59;
	v4 =	vadd.f32 v35, v4;
	v5 =	vadd.f32 v37, v5  }
0x72: {  	v25 =	vld [tilespmem:s20+$0x150];
	v6 =	vadd.f32 v39, v6;
	v7 =	vadd.f32 v41, v7;
	v24 =	vmul.f32 v61, v61  }
0x73: {  	v27 =	vld [tilespmem:s20+$0x160];
	v8 =	vmax.f32 v8, v61;
	v26 =	vmul.f32 v63, v63;
	v11 =	vmax.f32 v11, v63  }
0x74: {  	v29 =	vld [tilespmem:s20+$0x170];
	v28 =	vmul.f32 v21, v21;
	v9 =	vmax.f32 v9, v21;
	v3 =	vadd.f32 v42, v3  }
0x75: {  	v31 =	vld [tilespmem:s20+$0x180];
	v30 =	vmul.f32 v23, v23;
	v2 =	vadd.f32 v44, v2;
	v1 =	vadd.f32 v46, v1  }
0x76: {  	v10 =	vmax.f32 v10, v23;
	v0 =	vadd.f32 v48, v0;
	v4 =	vadd.f32 v43, v4  }
0x77: {  	v33 =	vld [tilespmem:s20+$0x190];
	v32 =	vmul.f32 v25, v25;
	v5 =	vadd.f32 v45, v5;
	v6 =	vadd.f32 v47, v6  }
0x78: {  	v19 =	vld [tilespmem:s20+$0x200];
	v7 =	vadd.f32 v49, v7;
	v8 =	vmax.f32 v8, v25;
	v34 =	vmul.f32 v27, v27  }
0x79: {  	v35 =	vld [tilespmem:s20+$0x1A0];
	v11 =	vmax.f32 v11, v27;
	v36 =	vmul.f32 v29, v29;
	v9 =	vmax.f32 v9, v29  }
0x7a: {  	v38 =	vmul.f32 v31, v31;
	v3 =	vadd.f32 v50, v3;
	v2 =	vadd.f32 v52, v2  }
0x7b: {  	v37 =	vld [tilespmem:s20+$0x1B0];
	v10 =	vmax.f32 v10, v31;
	v1 =	vadd.f32 v54, v1;
	v0 =	vadd.f32 v56, v0  }
0x7c: {  	v40 =	vmul.f32 v33, v33;
	v4 =	vadd.f32 v51, v4;
	v5 =	vadd.f32 v53, v5  }
0x7d: {  	v39 =	vld [tilespmem:s20+$0x1C0];
	v8 =	vmax.f32 v8, v33;
	v6 =	vadd.f32 v55, v6;
	v7 =	vadd.f32 v57, v7  }
0x7e: {  	v53 =	vmul.f32 v19, v19;
	v42 =	vmul.f32 v35, v35;
	v3 =	vadd.f32 v58, v3  }
0x7f: {  	v41 =	vld [tilespmem:s20+$0x1D0];
	v11 =	vmax.f32 v11, v35;
	v2 =	vadd.f32 v60, v2;
	v1 =	vadd.f32 v62, v1  }
0x80: {  	v44 =	vmul.f32 v37, v37;
	v0 =	vadd.f32 v20, v0;
	v4 =	vadd.f32 v59, v4  }
0x81: {  	v9 =	vmax.f32 v9, v37;
	v5 =	vadd.f32 v61, v5;
	v6 =	vadd.f32 v63, v6  }
0x82: {  	v43 =	vld [tilespmem:s20+$0x1E0];
	v46 =	vmul.f32 v39, v39;
	v7 =	vadd.f32 v21, v7;
	v3 =	vadd.f32 v22, v3  }
0x83: {  	v10 =	vmax.f32 v10, v39;
	v2 =	vadd.f32 v24, v2;
	v1 =	vadd.f32 v26, v1  }
0x84: {  	v45 =	vld [tilespmem:s20+$0x1F0];
	v47 =	vmul.f32 v41, v41;
	v0 =	vadd.f32 v28, v0;
	v4 =	vadd.f32 v23, v4  }
0x85: {  	v8 =	vmax.f32 v8, v41;
	v5 =	vadd.f32 v25, v5;
	v6 =	vadd.f32 v27, v6  }
0x86: {  	v48 =	vld [tilespmem:s20+$0x210];
	v10 =	vmax.f32 v10, v19;
	v7 =	vadd.f32 v29, v7;
	v3 =	vadd.f32 v30, v3  }
0x87: {  	v49 =	vmul.f32 v43, v43;
	v2 =	vadd.f32 v32, v2;
	v1 =	vadd.f32 v34, v1  }
0x88: {  	v50 =	vld [tilespmem:s20+$0x220];
	v11 =	vmax.f32 v11, v43;
	v0 =	vadd.f32 v36, v0;
	v4 =	vadd.f32 v31, v4  }
0x89: {  	v52 =	vld [tilespmem:s20+$0x240];
	v51 =	vmul.f32 v45, v45;
	v5 =	vadd.f32 v33, v5;
	v6 =	vadd.f32 v35, v6  }
0x8a: {  	v9 =	vmax.f32 v9, v45;
	v7 =	vadd.f32 v37, v7;
	v3 =	vadd.f32 v38, v3  }
0x8b: {  	v55 =	vld [tilespmem:s20+$0x230];
	v8 =	vmax.f32 v8, v48;
	v2 =	vadd.f32 v40, v2;
	v1 =	vadd.f32 v42, v1  }
0x8c: {  	v56 =	vld [tilespmem:s20+$0x260];
	v14 =	vmul.f32 v48, v48;
	v0 =	vadd.f32 v44, v0;
	v4 =	vadd.f32 v39, v4  }
0x8d: {  	v54 =	vld [tilespmem:s20+$0x250];
	v57 =	vmul.f32 v50, v50;
	v5 =	vadd.f32 v41, v5;
	v6 =	vadd.f32 v43, v6  }
0x8e: {  	v10 =	vmax.f32 v10, v52;
	v7 =	vadd.f32 v45, v7;
	v3 =	vadd.f32 v46, v3  }
0x8f: {  	v58 =	vld [tilespmem:s20+$0x270];
	v11 =	vmax.f32 v11, v50;
	v2 =	vadd.f32 v47, v2;
	v4 =	vadd.f32 v19, v4  }
0x90: {  	s21 =	sshra.s32 s19, $0x2;
	v59 =	vmul.f32 v55, v55;
	v1 =	vadd.f32 v49, v1;
	v5 =	vadd.f32 v48, v5  }
0x91: {  	[tilespmem:s21+$0x144E0] =	vst v10;
	v60 =	vmax.f32 v11, v56;
	v6 =	vadd.f32 v50, v6;
	v4 =	vadd.f32 v52, v4  }
0x92: {  	v61 =	vmul.f32 v54, v54;
	[tilespmem:s21+$0x14500] =	vst v60;
	v0 =	vadd.f32 v51, v0;
	v5 =	vadd.f32 v54, v5  }
0x93: {  	p0 =	sne.s32 s19, $0x3F80;
	v62 =	vmul.f32 v56, v56;
	v7 =	vadd.f32 v55, v7;
	v6 =	vadd.f32 v56, v6;
	[tilespmem:s21+$0x154E0] =	vst v4  }
.Ltmp0:
0x94: {  	v63 =	vmul.f32 v58, v58;
	v3 =	vadd.f32 v53, v3;
	v2 =	vadd.f32 v14, v2;
	[tilespmem:s21+$0x154F0] =	vst v5;
	(pc) =	sbr.rel @p0 .LBB2_3-.Ltmp0, $4  }
0x95: {  	v1 =	vadd.f32 v57, v1;
	v7 =	vadd.f32 v58, v7;
	v4 =	vmax.f32 v8, v54;
	[tilespmem:s21+$0x15500] =	vst v6  }
0x96: {  	v0 =	vadd.f32 v59, v0;
	v5 =	vmul.f32 v52, v52;
	[tilespmem:s21+$0x144F0] =	vst v4;
	v4 =	vmax.f32 v9, v55  }
0x97: {  	v2 =	vadd.f32 v61, v2;
	v1 =	vadd.f32 v62, v1;
	[tilespmem:s21+$0x15510] =	vst v7;
	v4 =	vmax.f32 v4, v58  }
0x98: {  	s19 =	sadd.s32 $0x100, s19;
	s20 =	sadd.s32 $0x500, s20;
	v0 =	vadd.f32 v63, v0;
	v3 =	vadd.f32 v5, v3;
	[tilespmem:s21+$0x14510] =	vst v4  }
0x99: {  	s18 =	sshll.u32 s18, $0x3  }
0x9a: {  	s19 =	sadd.s32 s5, s18  }
0x9b: {  	[hbm4b:s19+s1] =	stream.linear.scatter [tilespmem:s13], [sflag:$0x2], $0x1000, $0x38;
	[tilespmem:$0x16540] =	vst v63  }
0x9c: {  	s17 =	sadd.s32 $0x1, s17;
	_ =	swait.ge [sflag:s10], $0x1000  }
0x9d: {  	p0 =	sne.s32 s17, $0x8;
	[sflag:s10] =	ssyncset.done $0x0  }
.Ltmp1:
0x9e: {  	s18 =	sadd.s32 s6, s18;
	[sflag:s10] =	ssyncadd.s32 $0xFFFFF000;
	(pc) =	sbr.rel @p0 .LBB2_2-.Ltmp1, $4  }
0x9f: {  	[hbm4b:s18+s1] =	stream.linear.scatter [tilespmem:s14], [sflag:$0x2], $0x1000, $0x38;
	[tilespmem:$0x16540] =	vst v63  }
0xa0: {  	_ =	swait.ge [sflag:s10], $0x1000  }
0xa1: {  	[sflag:s10] =	ssyncset.done $0x0  }
0xa2: {  	[sflag:s10] =	ssyncadd.s32 $0xFFFFF000  }
0xa3: {  	[tilespmem:$0x16500] =	vst v3  }
0xa4: {  	[tilespmem:$0x16510] =	vst v2;
	s16 =	sadd.s32 $0x1, s16  }
0xa5: {  	[tilespmem:$0x16520] =	vst v1;
	p0 =	sne.s32 s16, s9  }
.Ltmp2:
0xa6: {  	[tilespmem:$0x16530] =	vst v0;
	(pc) =	sbr.rel @p0 .LBB2_1-.Ltmp2, $4  }
0xa7: {  	[hbm4b:s8+s1] =	stream.linear.scatter [tilespmem:s15], [sflag:$0x2], $0x40, $0x38;
	[tilespmem:$0x16540] =	vst v63  }
0xa8: {  	_ =	swait.ge [sflag:s10], $0x40  }
0xa9: {  	[sflag:s10] =	ssyncset.done $0x0  }
0xaa: {  	[sflag:s10] =	ssyncadd.s32 $0xFFFFFFC0  }
0xab: {  	_ =	sfence.sel $0x180000  }
0xac: {  	[bflag:$0x0] =	sbarrier.arrive $0xFFFF  }
0xad: {  	p0 =	sne.s32 s2, $0x0;
	_ =	strace $0x9000004A  }
0xae: {  	s0 =	sadd.s32 @!p0 $0x100000, s0;
	[bflag:$0x2] =	sbarrier.arrive $0xFFFF  }
0xaf: {  	[sflag:s0] =	ssyncadd.tile.s32 @!p0 $0x1;
	_ =	shalt  }
.Lfunc_end2:
_tile_overlayer_lowered:
.L_overlay_start_2:
0xb0: {  	(tag) =	ssettag $0x2  }
0xb1: {  	s0 =	rddreg [dreg:$0x0];
	s2 =	stileid.u32  }
0xb2: {  	s1 =	rddreg [dreg:$0x1];
	p0 =	sne.s32 s2, $0x0  }
0xb3: {  	s3 =	rddreg [dreg:$0x2];
	[bflag:$0x3] =	sbarrier.arrive $0xFFFF;
	s2 =	simm.s32 @!p0 $0x1C02  }
0xb4: {  	[timem:s3], [sflag:s2] =	dma.local @!p0 [hbm:s0], s1  }
0xb5: {  	s0 =	simm.s32 @!p0 $0x2  }
0xb6: {  	_ =	swait.ge @!p0 [sflag:s0], s1  }
0xb7: {  	s1 =	ssub.s32 @!p0 $0x0, s1;
	[sflag:s0] =	ssyncset.done @!p0 $0x0  }
0xb8: {  	[sflag:s0] =	ssyncadd.s32 @!p0 s1  }
0xb9: {  	[bflag:$0x3] =	sbarrier.arrive $0xFFFF  }
0xba: {  	_ =	shalt  }

</sc_bundles>
